<compile_context>
chip_gen: v7x
topology: tpu7x:2x2x1
jax: 0.10.2.dev20260603
libtpu: 0.0.44.dev20260713+nightly
codegen_flags: <defaults>
</compile_context>

<pallas_src>
import functools

import jax
import jax.numpy as jnp
from jax import lax
from jax.experimental import pallas as pl
from jax.experimental.pallas import tpu as pltpu
from jax.experimental.pallas import tpu_sc as plsc

S = 2048
D = 1024
H = 16
HD = 64
E = 8
TQ = 256
LMAX = 4096 + E * TQ
NT = LMAX // TQ
RT = 256
NEG = -1e30

_INTERPRET = False


def _router_body(x_ref, w1_ref, b1_ref, s_ref, o_ref, w2_ref, b2_ref, out_ref):
    h = jnp.dot(x_ref[...], w1_ref[...], preferred_element_type=jnp.float32)
    h = h + b1_ref[...]
    mu = jnp.mean(h, axis=1, keepdims=True)
    var = jnp.mean((h - mu) ** 2, axis=1, keepdims=True)
    h = (h - mu) * lax.rsqrt(var + 1e-5) * s_ref[...] + o_ref[...]
    h = jnp.maximum(h, 0.0)
    lg = jnp.dot(h, w2_ref[...], preferred_element_type=jnp.float32)
    lg = lg + b2_ref[...]
    lanes = lax.broadcasted_iota(jnp.int32, lg.shape, 1)
    m1 = jnp.max(lg, axis=1, keepdims=True)
    a1 = jnp.min(jnp.where(lg == m1, lanes, 10**6), axis=1, keepdims=True)
    lg2 = jnp.where(lanes == a1, NEG, lg)
    m2 = jnp.max(lg2, axis=1, keepdims=True)
    a2 = jnp.min(jnp.where(lg2 == m2, lanes, 10**6), axis=1, keepdims=True)
    z = jnp.sum(jnp.exp(lg - m1), axis=1, keepdims=True)
    p1 = 1.0 / z
    p2 = jnp.exp(m2 - m1) / z
    out_ref[...] = jnp.where(
        lanes == 0, a1.astype(jnp.float32),
        jnp.where(lanes == 1, a2.astype(jnp.float32),
                  jnp.where(lanes == 2, p1,
                            jnp.where(lanes == 3, p2, 0.0))))


def _router(xs, w1, b1, lns, lno, w2, b2):
    w2p = jnp.concatenate([w2, jnp.zeros((D // 2, 128 - E), w2.dtype)], axis=1)
    b2p = jnp.concatenate([b2, jnp.full((128 - E,), NEG, b2.dtype)])
    return pl.pallas_call(
        _router_body,
        grid=(S // RT,),
        in_specs=[
            pl.BlockSpec((RT, D), lambda i: (i, 0)),
            pl.BlockSpec((D, D // 2), lambda i: (0, 0)),
            pl.BlockSpec((1, D // 2), lambda i: (0, 0)),
            pl.BlockSpec((1, D // 2), lambda i: (0, 0)),
            pl.BlockSpec((1, D // 2), lambda i: (0, 0)),
            pl.BlockSpec((D // 2, 128), lambda i: (0, 0)),
            pl.BlockSpec((1, 128), lambda i: (0, 0)),
        ],
        out_specs=pl.BlockSpec((RT, 128), lambda i: (i, 0)),
        out_shape=jax.ShapeDtypeStruct((S, 128), jnp.float32),
        interpret=_INTERPRET,
    )(xs, w1, b1.reshape(1, -1), lns.reshape(1, -1), lno.reshape(1, -1),
      w2p, b2p.reshape(1, -1))


def _route_tables(a1, a2):
    ent_e = jnp.stack([a1, a2], axis=1).reshape(-1)
    onehot = (ent_e[:, None] == jnp.arange(E, dtype=jnp.int32)[None, :]
              ).astype(jnp.int32)
    ranks_incl = jnp.cumsum(onehot, axis=0)
    counts = ranks_incl[-1]
    rank_e = jnp.take_along_axis(ranks_incl - onehot, ent_e[:, None],
                                 axis=1)[:, 0]
    tiles_per = (counts + TQ - 1) // TQ
    pad_start = jnp.concatenate(
        [jnp.zeros(1, jnp.int32),
         jnp.cumsum(tiles_per).astype(jnp.int32)]) * TQ
    pos = pad_start[ent_e] + rank_e
    total = pad_start[E]
    tstart = jnp.arange(NT, dtype=jnp.int32) * TQ
    tile_e = jnp.searchsorted(pad_start, tstart, side="right").astype(
        jnp.int32) - 1
    tile_raw = jnp.where(tstart < total, tile_e, -1)
    tile_fill = jnp.where(tstart < total, tile_e, jnp.max(tile_raw))
    te2 = jnp.stack([tile_fill, tile_raw], axis=1)
    pos2 = pos.reshape(S, 2)
    return pos, te2, pos2[:, 0], pos2[:, 1]


def _sc_gather(xs, pos):
    NW = 32
    per_w = 2 * S // NW
    CH = 32
    n_ch = per_w // CH
    NBUF = 3
    ent_t = jnp.repeat(jnp.arange(S, dtype=jnp.int32), 2)

    @functools.partial(
        pl.kernel,
        out_type=jax.ShapeDtypeStruct((LMAX, D), jnp.float32),
        mesh=plsc.VectorSubcoreMesh(core_axis_name="c", subcore_axis_name="s"),
        scratch_types=[
            pltpu.VMEM((per_w,), jnp.int32),
            [pltpu.VMEM((CH,), jnp.int32) for _ in range(NBUF)],
            [pltpu.VMEM((CH, D), jnp.float32) for _ in range(NBUF)],
            pltpu.SemaphoreType.DMA,
            pltpu.SemaphoreType.DMA,
        ],
    )
    def k(x_hbm, tok_hbm, pos_hbm, out_hbm, tok_v, pos_bufs, row_bufs,
          gsem, ssem):
        wid = lax.axis_index("s") * 2 + lax.axis_index("c")
        base = wid * per_w
        pltpu.sync_copy(tok_hbm.at[pl.ds(base, per_w)], tok_v)
        gat = [None] * n_ch
        sca = [None] * n_ch

        def fire(c):
            pltpu.sync_copy(pos_hbm.at[pl.ds(base + c * CH, CH)],
                            pos_bufs[c % NBUF])
            gat[c] = pltpu.async_copy(
                x_hbm.at[tok_v.at[pl.ds(c * CH, CH)]], row_bufs[c % NBUF],
                gsem)

        for c in range(NBUF):
            fire(c)
        for c in range(n_ch):
            gat[c].wait()
            sca[c] = pltpu.async_copy(
                row_bufs[c % NBUF], out_hbm.at[pos_bufs[c % NBUF]], ssem)
            if c + NBUF < n_ch:
                sca[c].wait()
                fire(c + NBUF)
        for c in range(n_ch - NBUF, n_ch):
            sca[c].wait()

    return k(xs, ent_t, pos)


def _attn_body(te_ref, xs_ref, x_ref, qw_ref, qb_ref, ow_ref, ob_ref,
               kw_ref, kb_ref, vw_ref, vb_ref, y_ref,
               acc_ref, ks_ref, vs_ref):
    i = pl.program_id(0)
    te = te_ref[i, 1]
    first = jnp.logical_and(
        te >= 0, jnp.logical_or(i == 0, te != te_ref[jnp.maximum(i - 1, 0), 1]))

    @pl.when(first)
    def _():
        xb = x_ref[...].astype(jnp.bfloat16)
        kw = kw_ref[0].astype(jnp.bfloat16)
        vw = vw_ref[0].astype(jnp.bfloat16)
        ks_ref[...] = (jnp.dot(xb, kw, preferred_element_type=jnp.float32)
                       + kb_ref[0]).astype(jnp.bfloat16)
        vs_ref[...] = (jnp.dot(xb, vw, preferred_element_type=jnp.float32)
                       + vb_ref[0]).astype(jnp.bfloat16)

    @pl.when(te >= 0)
    def _():
        xb = xs_ref[...].astype(jnp.bfloat16)
        qw = qw_ref[0].astype(jnp.bfloat16)
        q = jnp.dot(xb, qw, preferred_element_type=jnp.float32) + qb_ref[0]
        q = q * 0.125
        for h in range(H):
            sl = slice(h * HD, (h + 1) * HD)
            qh = q[:, sl].astype(jnp.bfloat16)
            kh = ks_ref[:, sl]
            s = lax.dot_general(qh, kh, (((1,), (1,)), ((), ())),
                                preferred_element_type=jnp.float32)
            p = jnp.exp(s)
            l = jnp.sum(p, axis=1, keepdims=True)
            pb = p.astype(jnp.bfloat16)
            vh = vs_ref[:, sl]
            acc_ref[:, sl] = lax.dot_general(
                pb, vh, (((1,), (0,)), ((), ())),
                preferred_element_type=jnp.float32) * (1.0 / l)
        ow = ow_ref[0].astype(jnp.bfloat16)
        y_ref[...] = jnp.dot(acc_ref[...].astype(jnp.bfloat16), ow,
                             preferred_element_type=jnp.float32) + ob_ref[0]


def _attn(te2, x_sorted, xs, q_w, q_b, o_w, o_b, k_w, k_b, v_w, v_b):
    grid_spec = pltpu.PrefetchScalarGridSpec(
        num_scalar_prefetch=1,
        grid=(NT,),
        in_specs=[
            pl.BlockSpec((TQ, D), lambda i, te: (i, 0)),
            pl.BlockSpec((S, D), lambda i, te: (0, 0)),
            pl.BlockSpec((1, D, D), lambda i, te: (te[i, 0], 0, 0)),
            pl.BlockSpec((1, 1, D), lambda i, te: (te[i, 0], 0, 0)),
            pl.BlockSpec((1, D, D), lambda i, te: (te[i, 0], 0, 0)),
            pl.BlockSpec((1, 1, D), lambda i, te: (te[i, 0], 0, 0)),
            pl.BlockSpec((1, D, D), lambda i, te: (te[i, 0], 0, 0)),
            pl.BlockSpec((1, 1, D), lambda i, te: (te[i, 0], 0, 0)),
            pl.BlockSpec((1, D, D), lambda i, te: (te[i, 0], 0, 0)),
            pl.BlockSpec((1, 1, D), lambda i, te: (te[i, 0], 0, 0)),
        ],
        out_specs=pl.BlockSpec((TQ, D), lambda i, te: (i, 0)),
        scratch_shapes=[
            pltpu.VMEM((TQ, D), jnp.float32),
            pltpu.VMEM((S, D), jnp.bfloat16),
            pltpu.VMEM((S, D), jnp.bfloat16),
        ],
    )
    return pl.pallas_call(
        _attn_body,
        grid_spec=grid_spec,
        out_shape=jax.ShapeDtypeStruct((LMAX, D), jnp.float32),
        compiler_params=pltpu.CompilerParams(
            vmem_limit_bytes=100 * 1024 * 1024),
        interpret=_INTERPRET,
    )(te2, x_sorted, xs, q_w, q_b.reshape(E, 1, D),
      o_w, o_b.reshape(E, 1, D), k_w, k_b.reshape(E, 1, D),
      v_w, v_b.reshape(E, 1, D))


def _sc_combine(y, pos0, pos1):
    NW = 32
    per_w = S // NW
    CH = 32
    n_ch = per_w // CH

    @functools.partial(
        pl.kernel,
        out_type=(jax.ShapeDtypeStruct((S, D), jnp.float32),
                  jax.ShapeDtypeStruct((S, D), jnp.float32)),
        mesh=plsc.VectorSubcoreMesh(core_axis_name="c", subcore_axis_name="s"),
        scratch_types=[
            pltpu.VMEM((CH,), jnp.int32),
            pltpu.VMEM((CH,), jnp.int32),
            pltpu.VMEM((CH, D), jnp.float32),
            pltpu.VMEM((CH, D), jnp.float32),
            pltpu.SemaphoreType.DMA,
        ],
    )
    def k(y_hbm, p0_hbm, p1_hbm, o0_hbm, o1_hbm, i0_v, i1_v, r0_v, r1_v, sem):
        wid = lax.axis_index("s") * 2 + lax.axis_index("c")
        for c in range(n_ch):
            base = wid * per_w + c * CH
            pltpu.sync_copy(p0_hbm.at[pl.ds(base, CH)], i0_v)
            pltpu.sync_copy(p1_hbm.at[pl.ds(base, CH)], i1_v)
            pltpu.async_copy(y_hbm.at[i0_v], r0_v, sem).wait()
            pltpu.async_copy(y_hbm.at[i1_v], r1_v, sem).wait()
            pltpu.sync_copy(r0_v, o0_hbm.at[pl.ds(base, CH)])
            pltpu.sync_copy(r1_v, o1_hbm.at[pl.ds(base, CH)])

    return k(y, pos0, pos1)


def _add_body(a_ref, b_ref, ga_ref, gb_ref, out_ref):
    out_ref[...] = a_ref[...] * ga_ref[...] + b_ref[...] * gb_ref[...]


def _add(a, b, ga, gb):
    TA = 512
    return pl.pallas_call(
        _add_body,
        grid=(S // TA,),
        in_specs=[
            pl.BlockSpec((TA, D), lambda i: (i, 0)),
            pl.BlockSpec((TA, D), lambda i: (i, 0)),
            pl.BlockSpec((TA, 1), lambda i: (i, 0)),
            pl.BlockSpec((TA, 1), lambda i: (i, 0)),
        ],
        out_specs=pl.BlockSpec((TA, D), lambda i: (i, 0)),
        out_shape=jax.ShapeDtypeStruct((S, D), jnp.float32),
        interpret=_INTERPRET,
    )(a, b, ga, gb)


def kernel(x, router_w1, router_b1, ln_scale, ln_offset, router_w2, router_b2,
           q_w, q_b, k_w, k_b, v_w, v_b, o_w, o_b):
    xs = x[0]
    r = _router(xs, router_w1, router_b1, ln_scale, ln_offset,
                router_w2, router_b2)
    a1 = r[:, 0].astype(jnp.int32)
    a2 = r[:, 1].astype(jnp.int32)
    pos, te2, pos0, pos1 = _route_tables(a1, a2)
    x_sorted = _sc_gather(xs, pos)
    y = _attn(te2, x_sorted, xs, q_w, q_b, o_w, o_b, k_w, k_b, v_w, v_b)
    y0, y1 = _sc_combine(y, pos0, pos1)
    out = _add(y0, y1, r[:, 2:3], r[:, 3:4])
    return out[None]

# --- scband reference (transcript-rebuilt; emitter-appended) ---
"""Pipeline reference for scband-optimized-mo-eattention-31086973288490 (READ-ONLY COPY).

The authoritative reference and input builder live on the scoring server;
editing this copy changes nothing except your own understanding.
"""

import jax, jax.numpy as jnp
import numpy as np

EMBED_DIM = 1024
NUM_HEADS = 16
NUM_EXPERTS = 8
TOP_K = 2
HEAD_DIM = EMBED_DIM // NUM_HEADS


def _layernorm(h, scale, offset, eps=1e-5):
    mu = jnp.mean(h, axis=-1, keepdims=True)
    var = jnp.var(h, axis=-1, keepdims=True)
    return (h - mu) / jnp.sqrt(var + eps) * scale + offset


def setup_inputs(seed: int = 0):
    key = jax.random.key(seed)
    ks = jax.random.split(key, 8)
    d = EMBED_DIM
    e = NUM_EXPERTS
    inp = {}
    inp["x"] = jax.random.normal(ks[0], (1, 2048, d), dtype=jnp.float32)
    inp["router_w1"] = jax.random.normal(ks[1], (d, d // 2), dtype=jnp.float32) * 0.02
    inp["router_b1"] = jnp.zeros((d // 2,), dtype=jnp.float32)
    inp["ln_scale"] = jnp.ones((d // 2,), dtype=jnp.float32)
    inp["ln_offset"] = jnp.zeros((d // 2,), dtype=jnp.float32)
    inp["router_w2"] = jax.random.normal(ks[2], (d // 2, e), dtype=jnp.float32) * 0.02
    inp["router_b2"] = jnp.zeros((e,), dtype=jnp.float32)
    inp["q_w"] = jax.random.normal(ks[3], (e, d, d), dtype=jnp.float32) * 0.02
    inp["q_b"] = jnp.zeros((e, d), dtype=jnp.float32)
    inp["k_w"] = jax.random.normal(ks[4], (e, d, d), dtype=jnp.float32) * 0.02
    inp["k_b"] = jnp.zeros((e, d), dtype=jnp.float32)
    inp["v_w"] = jax.random.normal(ks[5], (e, d, d), dtype=jnp.float32) * 0.02
    inp["v_b"] = jnp.zeros((e, d), dtype=jnp.float32)
    inp["o_w"] = jax.random.normal(ks[6], (e, d, d), dtype=jnp.float32) * 0.02
    inp["o_b"] = jnp.zeros((e, d), dtype=jnp.float32)
    return inp


def reference(x, router_w1, router_b1, ln_scale, ln_offset, router_w2, router_b2, q_w, q_b, k_w, k_b, v_w, v_b, o_w, o_b):
    B, S, D = x.shape
    # Router: Linear -> LayerNorm -> relu -> Linear
    h = jnp.dot(x, router_w1) + router_b1
    h = _layernorm(h, ln_scale, ln_offset)
    h = jax.nn.relu(h)
    router_logits = jnp.dot(h, router_w2) + router_b2
    routing_probs = jax.nn.softmax(router_logits, axis=-1)
    top_k_probs, top_k_idx = jax.lax.top_k(routing_probs, TOP_K)
    b_idx = jnp.arange(B)[:, None, None]
    s_idx = jnp.arange(S)[None, :, None]
    expert_mask = jnp.zeros((B, S, NUM_EXPERTS), dtype=x.dtype)
    expert_mask = expert_mask.at[b_idx, s_idx, top_k_idx].add(top_k_probs)

    def expert_attn(qw, qb, kw, kb, vw, vb, ow, ob):
        q = jnp.dot(x, qw) + qb
        k = jnp.dot(x, kw) + kb
        v = jnp.dot(x, vw) + vb
        def split(t):
            return jnp.transpose(t.reshape(B, S, NUM_HEADS, HEAD_DIM), (0, 2, 1, 3))
        q, k, v = split(q), split(k), split(v)
        scores = jnp.matmul(q, jnp.transpose(k, (0, 1, 3, 2))) / jnp.sqrt(float(HEAD_DIM))
        probs = jax.nn.softmax(scores, axis=-1)
        out = jnp.matmul(probs, v)
        out = jnp.transpose(out, (0, 2, 1, 3)).reshape(B, S, D)
        return jnp.dot(out, ow) + ob

    expert_outputs = jnp.zeros((B, S, D), dtype=x.dtype)
    for i in range(NUM_EXPERTS):
        eo = expert_attn(q_w[i], q_b[i], k_w[i], k_b[i], v_w[i], v_b[i], o_w[i], o_b[i])
        expert_outputs = expert_outputs + eo * expert_mask[:, :, i][..., None]
    return expert_outputs

if __name__ == "__main__":
    import jax
    _d = setup_inputs()
    print(jax.jit(kernel)(*tuple(_d.values())))

</pallas_src>

<mosaic_0001>
#map = affine_map<(d0, d1) -> (0, 0)>
#map1 = affine_map<(d0, d1) -> (0)>
module attributes {stable_mosaic.version = 14 : i64} {
  func.func @k(%arg0: i32, %arg1: i32, %arg2: memref<2048x1024xf32, #tpu.memory_space<hbm>>, %arg3: memref<4096xi32, #tpu.memory_space<hbm>>, %arg4: memref<4096xi32, #tpu.memory_space<hbm>>, %arg5: memref<6144x1024xf32, #tpu.memory_space<hbm>>, %arg6: memref<128xi32, #tpu.memory_space<vmem>>, %arg7: memref<32xi32, #tpu.memory_space<vmem>>, %arg8: memref<32xi32, #tpu.memory_space<vmem>>, %arg9: memref<32xi32, #tpu.memory_space<vmem>>, %arg10: memref<32x1024xf32, #tpu.memory_space<vmem>>, %arg11: memref<32x1024xf32, #tpu.memory_space<vmem>>, %arg12: memref<32x1024xf32, #tpu.memory_space<vmem>>, %arg13: memref<!tpu.dma_semaphore, #tpu.memory_space<semaphore_mem>>, %arg14: memref<!tpu.dma_semaphore, #tpu.memory_space<semaphore_mem>>) attributes {dimension_semantics = [#tpu.dimension_semantics<core_parallel>, #tpu.dimension_semantics<subcore_parallel>], iteration_bounds = array<i64: 2, 16>, scalar_prefetch = 0 : i64, scratch_operands = 9 : i64, tpu.core_type = #tpu.core_type<sc_vector_subcore>, window_params = [{transform_indices = #map}, {transform_indices = #map1}, {transform_indices = #map1}, {transform_indices = #map}]} {
    %mul3A = arith.constant 2 : i32
    %mul3A_0 = arith.muli %arg1, %mul3A : i32
    %add3A = arith.addi %mul3A_0, %arg0 : i32
    %mul3A_1 = arith.constant 128 : i32
    %mul3A_2 = arith.muli %add3A, %mul3A_1 : i32
    "tpu.region"() ({
      %run_scoped3A = tpu.sem_alloc : memref<!tpu.dma_semaphore, #tpu.memory_space<semaphore_mem>>
      %dma_start3A_73 = tpu.memref_slice %arg3[%mul3A_2] : memref<4096xi32, #tpu.memory_space<hbm>> -> memref<128xi32, #tpu.memory_space<hbm>>
      %dma_start3A_74 = tpu.memref_slice %arg3[%mul3A_2] : memref<4096xi32, #tpu.memory_space<hbm>> -> memref<128xi32, #tpu.memory_space<hbm>>
      tpu.enqueue_dma source(%dma_start3A_74 : memref<128xi32, #tpu.memory_space<hbm>>) target(%arg6 : memref<128xi32, #tpu.memory_space<vmem>>) target_semaphore(%run_scoped3A : memref<!tpu.dma_semaphore, #tpu.memory_space<semaphore_mem>>)
      %dma_wait3A_75 = tpu.memref_slice %arg3[%mul3A_2] : memref<4096xi32, #tpu.memory_space<hbm>> -> memref<128xi32, #tpu.memory_space<hbm>>
      %dma_wait3A_76 = tpu.memref_slice %arg3[%mul3A_2] : memref<4096xi32, #tpu.memory_space<hbm>> -> memref<128xi32, #tpu.memory_space<hbm>>
      tpu.wait_dma2 semaphore(%run_scoped3A : memref<!tpu.dma_semaphore, #tpu.memory_space<semaphore_mem>>) src(%dma_wait3A_76 : memref<128xi32, #tpu.memory_space<hbm>>) dst(%arg6 : memref<128xi32, #tpu.memory_space<vmem>>)
      tpu.yield
    }) : () -> ()
    %add3A_3 = arith.constant 0 : i32
    %add3A_4 = arith.addi %mul3A_2, %add3A_3 : i32
    "tpu.region"() ({
      %run_scoped3A = tpu.sem_alloc : memref<!tpu.dma_semaphore, #tpu.memory_space<semaphore_mem>>
      %dma_start3A_73 = tpu.memref_slice %arg4[%add3A_4] : memref<4096xi32, #tpu.memory_space<hbm>> -> memref<32xi32, #tpu.memory_space<hbm>>
      %dma_start3A_74 = tpu.memref_slice %arg4[%add3A_4] : memref<4096xi32, #tpu.memory_space<hbm>> -> memref<32xi32, #tpu.memory_space<hbm>>
      tpu.enqueue_dma source(%dma_start3A_74 : memref<32xi32, #tpu.memory_space<hbm>>) target(%arg7 : memref<32xi32, #tpu.memory_space<vmem>>) target_semaphore(%run_scoped3A : memref<!tpu.dma_semaphore, #tpu.memory_space<semaphore_mem>>)
      %dma_wait3A_75 = tpu.memref_slice %arg4[%add3A_4] : memref<4096xi32, #tpu.memory_space<hbm>> -> memref<32xi32, #tpu.memory_space<hbm>>
      %dma_wait3A_76 = tpu.memref_slice %arg4[%add3A_4] : memref<4096xi32, #tpu.memory_space<hbm>> -> memref<32xi32, #tpu.memory_space<hbm>>
      tpu.wait_dma2 semaphore(%run_scoped3A : memref<!tpu.dma_semaphore, #tpu.memory_space<semaphore_mem>>) src(%dma_wait3A_76 : memref<32xi32, #tpu.memory_space<hbm>>) dst(%arg7 : memref<32xi32, #tpu.memory_space<vmem>>)
      tpu.yield
    }) : () -> ()
    %dma_start3A = arith.constant 0 : i32
    %dma_start3A_5 = tpu.memref_slice %arg6[%dma_start3A] : memref<128xi32, #tpu.memory_space<vmem>> -> memref<32xi32, #tpu.memory_space<vmem>>
    %dma_start3A_6 = arith.constant 0 : i32
    %dma_start3A_7 = arith.constant 0 : i32
    %dma_start3A_8 = tpu.memref_slice %arg2[%dma_start3A_6, %dma_start3A_7] : memref<2048x1024xf32, #tpu.memory_space<hbm>> -> memref<2048x1024xf32, #tpu.memory_space<hbm>>
    tpu.enqueue_indirect_dma source(%dma_start3A_8 : memref<2048x1024xf32, #tpu.memory_space<hbm>>) target(%arg10 : memref<32x1024xf32, #tpu.memory_space<vmem>>) offsets(%dma_start3A_5 : memref<32xi32, #tpu.memory_space<vmem>>) semaphore(%arg13 : memref<!tpu.dma_semaphore, #tpu.memory_space<semaphore_mem>>)
    %add3A_9 = arith.constant 32 : i32
    %add3A_10 = arith.addi %mul3A_2, %add3A_9 : i32
    "tpu.region"() ({
      %run_scoped3A = tpu.sem_alloc : memref<!tpu.dma_semaphore, #tpu.memory_space<semaphore_mem>>
      %dma_start3A_73 = tpu.memref_slice %arg4[%add3A_10] : memref<4096xi32, #tpu.memory_space<hbm>> -> memref<32xi32, #tpu.memory_space<hbm>>
      %dma_start3A_74 = tpu.memref_slice %arg4[%add3A_10] : memref<4096xi32, #tpu.memory_space<hbm>> -> memref<32xi32, #tpu.memory_space<hbm>>
      tpu.enqueue_dma source(%dma_start3A_74 : memref<32xi32, #tpu.memory_space<hbm>>) target(%arg8 : memref<32xi32, #tpu.memory_space<vmem>>) target_semaphore(%run_scoped3A : memref<!tpu.dma_semaphore, #tpu.memory_space<semaphore_mem>>)
      %dma_wait3A_75 = tpu.memref_slice %arg4[%add3A_10] : memref<4096xi32, #tpu.memory_space<hbm>> -> memref<32xi32, #tpu.memory_space<hbm>>
      %dma_wait3A_76 = tpu.memref_slice %arg4[%add3A_10] : memref<4096xi32, #tpu.memory_space<hbm>> -> memref<32xi32, #tpu.memory_space<hbm>>
      tpu.wait_dma2 semaphore(%run_scoped3A : memref<!tpu.dma_semaphore, #tpu.memory_space<semaphore_mem>>) src(%dma_wait3A_76 : memref<32xi32, #tpu.memory_space<hbm>>) dst(%arg8 : memref<32xi32, #tpu.memory_space<vmem>>)
      tpu.yield
    }) : () -> ()
    %dma_start3A_11 = arith.constant 32 : i32
    %dma_start3A_12 = tpu.memref_slice %arg6[%dma_start3A_11] : memref<128xi32, #tpu.memory_space<vmem>> -> memref<32xi32, #tpu.memory_space<vmem>>
    %dma_start3A_13 = arith.constant 0 : i32
    %dma_start3A_14 = arith.constant 0 : i32
    %dma_start3A_15 = tpu.memref_slice %arg2[%dma_start3A_13, %dma_start3A_14] : memref<2048x1024xf32, #tpu.memory_space<hbm>> -> memref<2048x1024xf32, #tpu.memory_space<hbm>>
    tpu.enqueue_indirect_dma source(%dma_start3A_15 : memref<2048x1024xf32, #tpu.memory_space<hbm>>) target(%arg11 : memref<32x1024xf32, #tpu.memory_space<vmem>>) offsets(%dma_start3A_12 : memref<32xi32, #tpu.memory_space<vmem>>) semaphore(%arg13 : memref<!tpu.dma_semaphore, #tpu.memory_space<semaphore_mem>>)
    %add3A_16 = arith.constant 64 : i32
    %add3A_17 = arith.addi %mul3A_2, %add3A_16 : i32
    "tpu.region"() ({
      %run_scoped3A = tpu.sem_alloc : memref<!tpu.dma_semaphore, #tpu.memory_space<semaphore_mem>>
      %dma_start3A_73 = tpu.memref_slice %arg4[%add3A_17] : memref<4096xi32, #tpu.memory_space<hbm>> -> memref<32xi32, #tpu.memory_space<hbm>>
      %dma_start3A_74 = tpu.memref_slice %arg4[%add3A_17] : memref<4096xi32, #tpu.memory_space<hbm>> -> memref<32xi32, #tpu.memory_space<hbm>>
      tpu.enqueue_dma source(%dma_start3A_74 : memref<32xi32, #tpu.memory_space<hbm>>) target(%arg9 : memref<32xi32, #tpu.memory_space<vmem>>) target_semaphore(%run_scoped3A : memref<!tpu.dma_semaphore, #tpu.memory_space<semaphore_mem>>)
      %dma_wait3A_75 = tpu.memref_slice %arg4[%add3A_17] : memref<4096xi32, #tpu.memory_space<hbm>> -> memref<32xi32, #tpu.memory_space<hbm>>
      %dma_wait3A_76 = tpu.memref_slice %arg4[%add3A_17] : memref<4096xi32, #tpu.memory_space<hbm>> -> memref<32xi32, #tpu.memory_space<hbm>>
      tpu.wait_dma2 semaphore(%run_scoped3A : memref<!tpu.dma_semaphore, #tpu.memory_space<semaphore_mem>>) src(%dma_wait3A_76 : memref<32xi32, #tpu.memory_space<hbm>>) dst(%arg9 : memref<32xi32, #tpu.memory_space<vmem>>)
      tpu.yield
    }) : () -> ()
    %dma_start3A_18 = arith.constant 64 : i32
    %dma_start3A_19 = tpu.memref_slice %arg6[%dma_start3A_18] : memref<128xi32, #tpu.memory_space<vmem>> -> memref<32xi32, #tpu.memory_space<vmem>>
    %dma_start3A_20 = arith.constant 0 : i32
    %dma_start3A_21 = arith.constant 0 : i32
    %dma_start3A_22 = tpu.memref_slice %arg2[%dma_start3A_20, %dma_start3A_21] : memref<2048x1024xf32, #tpu.memory_space<hbm>> -> memref<2048x1024xf32, #tpu.memory_space<hbm>>
    tpu.enqueue_indirect_dma source(%dma_start3A_22 : memref<2048x1024xf32, #tpu.memory_space<hbm>>) target(%arg12 : memref<32x1024xf32, #tpu.memory_space<vmem>>) offsets(%dma_start3A_19 : memref<32xi32, #tpu.memory_space<vmem>>) semaphore(%arg13 : memref<!tpu.dma_semaphore, #tpu.memory_space<semaphore_mem>>)
    %dma_wait3A = arith.constant 0 : i32
    %dma_wait3A_23 = tpu.memref_slice %arg6[%dma_wait3A] : memref<128xi32, #tpu.memory_space<vmem>> -> memref<32xi32, #tpu.memory_space<vmem>>
    %dma_wait3A_24 = arith.constant 0 : i32
    %dma_wait3A_25 = arith.constant 0 : i32
    %dma_wait3A_26 = tpu.memref_slice %arg2[%dma_wait3A_24, %dma_wait3A_25] : memref<2048x1024xf32, #tpu.memory_space<hbm>> -> memref<2048x1024xf32, #tpu.memory_space<hbm>>
    tpu.wait_indirect_dma semaphore(%arg13 : memref<!tpu.dma_semaphore, #tpu.memory_space<semaphore_mem>>) src(%dma_wait3A_26 : memref<2048x1024xf32, #tpu.memory_space<hbm>>) dst(%arg10 : memref<32x1024xf32, #tpu.memory_space<vmem>>)
    %dma_start3A_27 = arith.constant 0 : i32
    %dma_start3A_28 = arith.constant 0 : i32
    %dma_start3A_29 = tpu.memref_slice %arg5[%dma_start3A_27, %dma_start3A_28] : memref<6144x1024xf32, #tpu.memory_space<hbm>> -> memref<6144x1024xf32, #tpu.memory_space<hbm>>
    tpu.enqueue_indirect_dma source(%arg10 : memref<32x1024xf32, #tpu.memory_space<vmem>>) target(%dma_start3A_29 : memref<6144x1024xf32, #tpu.memory_space<hbm>>) offsets(%arg7 : memref<32xi32, #tpu.memory_space<vmem>>) semaphore(%arg14 : memref<!tpu.dma_semaphore, #tpu.memory_space<semaphore_mem>>)
    %dma_wait3A_30 = arith.constant 0 : i32
    %dma_wait3A_31 = arith.constant 0 : i32
    %dma_wait3A_32 = tpu.memref_slice %arg5[%dma_wait3A_30, %dma_wait3A_31] : memref<6144x1024xf32, #tpu.memory_space<hbm>> -> memref<6144x1024xf32, #tpu.memory_space<hbm>>
    tpu.wait_indirect_dma semaphore(%arg14 : memref<!tpu.dma_semaphore, #tpu.memory_space<semaphore_mem>>) src(%arg10 : memref<32x1024xf32, #tpu.memory_space<vmem>>) dst(%dma_wait3A_32 : memref<6144x1024xf32, #tpu.memory_space<hbm>>)
    %add3A_33 = arith.constant 96 : i32
    %add3A_34 = arith.addi %mul3A_2, %add3A_33 : i32
    "tpu.region"() ({
      %run_scoped3A = tpu.sem_alloc : memref<!tpu.dma_semaphore, #tpu.memory_space<semaphore_mem>>
      %dma_start3A_73 = tpu.memref_slice %arg4[%add3A_34] : memref<4096xi32, #tpu.memory_space<hbm>> -> memref<32xi32, #tpu.memory_space<hbm>>
      %dma_start3A_74 = tpu.memref_slice %arg4[%add3A_34] : memref<4096xi32, #tpu.memory_space<hbm>> -> memref<32xi32, #tpu.memory_space<hbm>>
      tpu.enqueue_dma source(%dma_start3A_74 : memref<32xi32, #tpu.memory_space<hbm>>) target(%arg7 : memref<32xi32, #tpu.memory_space<vmem>>) target_semaphore(%run_scoped3A : memref<!tpu.dma_semaphore, #tpu.memory_space<semaphore_mem>>)
      %dma_wait3A_75 = tpu.memref_slice %arg4[%add3A_34] : memref<4096xi32, #tpu.memory_space<hbm>> -> memref<32xi32, #tpu.memory_space<hbm>>
      %dma_wait3A_76 = tpu.memref_slice %arg4[%add3A_34] : memref<4096xi32, #tpu.memory_space<hbm>> -> memref<32xi32, #tpu.memory_space<hbm>>
      tpu.wait_dma2 semaphore(%run_scoped3A : memref<!tpu.dma_semaphore, #tpu.memory_space<semaphore_mem>>) src(%dma_wait3A_76 : memref<32xi32, #tpu.memory_space<hbm>>) dst(%arg7 : memref<32xi32, #tpu.memory_space<vmem>>)
      tpu.yield
    }) : () -> ()
    %dma_start3A_35 = arith.constant 96 : i32
    %dma_start3A_36 = tpu.memref_slice %arg6[%dma_start3A_35] : memref<128xi32, #tpu.memory_space<vmem>> -> memref<32xi32, #tpu.memory_space<vmem>>
    %dma_start3A_37 = arith.constant 0 : i32
    %dma_start3A_38 = arith.constant 0 : i32
    %dma_start3A_39 = tpu.memref_slice %arg2[%dma_start3A_37, %dma_start3A_38] : memref<2048x1024xf32, #tpu.memory_space<hbm>> -> memref<2048x1024xf32, #tpu.memory_space<hbm>>
    tpu.enqueue_indirect_dma source(%dma_start3A_39 : memref<2048x1024xf32, #tpu.memory_space<hbm>>) target(%arg10 : memref<32x1024xf32, #tpu.memory_space<vmem>>) offsets(%dma_start3A_36 : memref<32xi32, #tpu.memory_space<vmem>>) semaphore(%arg13 : memref<!tpu.dma_semaphore, #tpu.memory_space<semaphore_mem>>)
    %dma_wait3A_40 = arith.constant 32 : i32
    %dma_wait3A_41 = tpu.memref_slice %arg6[%dma_wait3A_40] : memref<128xi32, #tpu.memory_space<vmem>> -> memref<32xi32, #tpu.memory_space<vmem>>
    %dma_wait3A_42 = arith.constant 0 : i32
    %dma_wait3A_43 = arith.constant 0 : i32
    %dma_wait3A_44 = tpu.memref_slice %arg2[%dma_wait3A_42, %dma_wait3A_43] : memref<2048x1024xf32, #tpu.memory_space<hbm>> -> memref<2048x1024xf32, #tpu.memory_space<hbm>>
    tpu.wait_indirect_dma semaphore(%arg13 : memref<!tpu.dma_semaphore, #tpu.memory_space<semaphore_mem>>) src(%dma_wait3A_44 : memref<2048x1024xf32, #tpu.memory_space<hbm>>) dst(%arg11 : memref<32x1024xf32, #tpu.memory_space<vmem>>)
    %dma_start3A_45 = arith.constant 0 : i32
    %dma_start3A_46 = arith.constant 0 : i32
    %dma_start3A_47 = tpu.memref_slice %arg5[%dma_start3A_45, %dma_start3A_46] : memref<6144x1024xf32, #tpu.memory_space<hbm>> -> memref<6144x1024xf32, #tpu.memory_space<hbm>>
    tpu.enqueue_indirect_dma source(%arg11 : memref<32x1024xf32, #tpu.memory_space<vmem>>) target(%dma_start3A_47 : memref<6144x1024xf32, #tpu.memory_space<hbm>>) offsets(%arg8 : memref<32xi32, #tpu.memory_space<vmem>>) semaphore(%arg14 : memref<!tpu.dma_semaphore, #tpu.memory_space<semaphore_mem>>)
    %dma_wait3A_48 = arith.constant 64 : i32
    %dma_wait3A_49 = tpu.memref_slice %arg6[%dma_wait3A_48] : memref<128xi32, #tpu.memory_space<vmem>> -> memref<32xi32, #tpu.memory_space<vmem>>
    %dma_wait3A_50 = arith.constant 0 : i32
    %dma_wait3A_51 = arith.constant 0 : i32
    %dma_wait3A_52 = tpu.memref_slice %arg2[%dma_wait3A_50, %dma_wait3A_51] : memref<2048x1024xf32, #tpu.memory_space<hbm>> -> memref<2048x1024xf32, #tpu.memory_space<hbm>>
    tpu.wait_indirect_dma semaphore(%arg13 : memref<!tpu.dma_semaphore, #tpu.memory_space<semaphore_mem>>) src(%dma_wait3A_52 : memref<2048x1024xf32, #tpu.memory_space<hbm>>) dst(%arg12 : memref<32x1024xf32, #tpu.memory_space<vmem>>)
    %dma_start3A_53 = arith.constant 0 : i32
    %dma_start3A_54 = arith.constant 0 : i32
    %dma_start3A_55 = tpu.memref_slice %arg5[%dma_start3A_53, %dma_start3A_54] : memref<6144x1024xf32, #tpu.memory_space<hbm>> -> memref<6144x1024xf32, #tpu.memory_space<hbm>>
    tpu.enqueue_indirect_dma source(%arg12 : memref<32x1024xf32, #tpu.memory_space<vmem>>) target(%dma_start3A_55 : memref<6144x1024xf32, #tpu.memory_space<hbm>>) offsets(%arg9 : memref<32xi32, #tpu.memory_space<vmem>>) semaphore(%arg14 : memref<!tpu.dma_semaphore, #tpu.memory_space<semaphore_mem>>)
    %dma_wait3A_56 = arith.constant 96 : i32
    %dma_wait3A_57 = tpu.memref_slice %arg6[%dma_wait3A_56] : memref<128xi32, #tpu.memory_space<vmem>> -> memref<32xi32, #tpu.memory_space<vmem>>
    %dma_wait3A_58 = arith.constant 0 : i32
    %dma_wait3A_59 = arith.constant 0 : i32
    %dma_wait3A_60 = tpu.memref_slice %arg2[%dma_wait3A_58, %dma_wait3A_59] : memref<2048x1024xf32, #tpu.memory_space<hbm>> -> memref<2048x1024xf32, #tpu.memory_space<hbm>>
    tpu.wait_indirect_dma semaphore(%arg13 : memref<!tpu.dma_semaphore, #tpu.memory_space<semaphore_mem>>) src(%dma_wait3A_60 : memref<2048x1024xf32, #tpu.memory_space<hbm>>) dst(%arg10 : memref<32x1024xf32, #tpu.memory_space<vmem>>)
    %dma_start3A_61 = arith.constant 0 : i32
    %dma_start3A_62 = arith.constant 0 : i32
    %dma_start3A_63 = tpu.memref_slice %arg5[%dma_start3A_61, %dma_start3A_62] : memref<6144x1024xf32, #tpu.memory_space<hbm>> -> memref<6144x1024xf32, #tpu.memory_space<hbm>>
    tpu.enqueue_indirect_dma source(%arg10 : memref<32x1024xf32, #tpu.memory_space<vmem>>) target(%dma_start3A_63 : memref<6144x1024xf32, #tpu.memory_space<hbm>>) offsets(%arg7 : memref<32xi32, #tpu.memory_space<vmem>>) semaphore(%arg14 : memref<!tpu.dma_semaphore, #tpu.memory_space<semaphore_mem>>)
    %dma_wait3A_64 = arith.constant 0 : i32
    %dma_wait3A_65 = arith.constant 0 : i32
    %dma_wait3A_66 = tpu.memref_slice %arg5[%dma_wait3A_64, %dma_wait3A_65] : memref<6144x1024xf32, #tpu.memory_space<hbm>> -> memref<6144x1024xf32, #tpu.memory_space<hbm>>
    tpu.wait_indirect_dma semaphore(%arg14 : memref<!tpu.dma_semaphore, #tpu.memory_space<semaphore_mem>>) src(%arg11 : memref<32x1024xf32, #tpu.memory_space<vmem>>) dst(%dma_wait3A_66 : memref<6144x1024xf32, #tpu.memory_space<hbm>>)
    %dma_wait3A_67 = arith.constant 0 : i32
    %dma_wait3A_68 = arith.constant 0 : i32
    %dma_wait3A_69 = tpu.memref_slice %arg5[%dma_wait3A_67, %dma_wait3A_68] : memref<6144x1024xf32, #tpu.memory_space<hbm>> -> memref<6144x1024xf32, #tpu.memory_space<hbm>>
    tpu.wait_indirect_dma semaphore(%arg14 : memref<!tpu.dma_semaphore, #tpu.memory_space<semaphore_mem>>) src(%arg12 : memref<32x1024xf32, #tpu.memory_space<vmem>>) dst(%dma_wait3A_69 : memref<6144x1024xf32, #tpu.memory_space<hbm>>)
    %dma_wait3A_70 = arith.constant 0 : i32
    %dma_wait3A_71 = arith.constant 0 : i32
    %dma_wait3A_72 = tpu.memref_slice %arg5[%dma_wait3A_70, %dma_wait3A_71] : memref<6144x1024xf32, #tpu.memory_space<hbm>> -> memref<6144x1024xf32, #tpu.memory_space<hbm>>
    tpu.wait_indirect_dma semaphore(%arg14 : memref<!tpu.dma_semaphore, #tpu.memory_space<semaphore_mem>>) src(%arg10 : memref<32x1024xf32, #tpu.memory_space<vmem>>) dst(%dma_wait3A_72 : memref<6144x1024xf32, #tpu.memory_space<hbm>>)
    return
  }
}

#map = affine_map<(d0, d1) -> (0, 0)>
#map1 = affine_map<(d0, d1) -> (0)>
module attributes {stable_mosaic.version = 14 : i64} {
  func.func @k(%arg0: i32, %arg1: i32, %arg2: memref<6144x1024xf32, #tpu.memory_space<hbm>>, %arg3: memref<2048xi32, #tpu.memory_space<hbm>>, %arg4: memref<2048xi32, #tpu.memory_space<hbm>>, %arg5: memref<2048x1024xf32, #tpu.memory_space<hbm>>, %arg6: memref<2048x1024xf32, #tpu.memory_space<hbm>>, %arg7: memref<32xi32, #tpu.memory_space<vmem>>, %arg8: memref<32xi32, #tpu.memory_space<vmem>>, %arg9: memref<32x1024xf32, #tpu.memory_space<vmem>>, %arg10: memref<32x1024xf32, #tpu.memory_space<vmem>>, %arg11: memref<!tpu.dma_semaphore, #tpu.memory_space<semaphore_mem>>) attributes {dimension_semantics = [#tpu.dimension_semantics<core_parallel>, #tpu.dimension_semantics<subcore_parallel>], iteration_bounds = array<i64: 2, 16>, scalar_prefetch = 0 : i64, scratch_operands = 5 : i64, tpu.core_type = #tpu.core_type<sc_vector_subcore>, window_params = [{transform_indices = #map}, {transform_indices = #map1}, {transform_indices = #map1}, {transform_indices = #map}, {transform_indices = #map}]} {
    %mul3A = arith.constant 2 : i32
    %mul3A_0 = arith.muli %arg1, %mul3A : i32
    %add3A = arith.addi %mul3A_0, %arg0 : i32
    %mul3A_1 = arith.constant 64 : i32
    %mul3A_2 = arith.muli %add3A, %mul3A_1 : i32
    %add3A_3 = arith.constant 0 : i32
    %add3A_4 = arith.addi %mul3A_2, %add3A_3 : i32
    "tpu.region"() ({
      %run_scoped3A = tpu.sem_alloc : memref<!tpu.dma_semaphore, #tpu.memory_space<semaphore_mem>>
      %dma_start3A_31 = tpu.memref_slice %arg3[%add3A_4] : memref<2048xi32, #tpu.memory_space<hbm>> -> memref<32xi32, #tpu.memory_space<hbm>>
      %dma_start3A_32 = tpu.memref_slice %arg3[%add3A_4] : memref<2048xi32, #tpu.memory_space<hbm>> -> memref<32xi32, #tpu.memory_space<hbm>>
      tpu.enqueue_dma source(%dma_start3A_32 : memref<32xi32, #tpu.memory_space<hbm>>) target(%arg7 : memref<32xi32, #tpu.memory_space<vmem>>) target_semaphore(%run_scoped3A : memref<!tpu.dma_semaphore, #tpu.memory_space<semaphore_mem>>)
      %dma_wait3A_33 = tpu.memref_slice %arg3[%add3A_4] : memref<2048xi32, #tpu.memory_space<hbm>> -> memref<32xi32, #tpu.memory_space<hbm>>
      %dma_wait3A_34 = tpu.memref_slice %arg3[%add3A_4] : memref<2048xi32, #tpu.memory_space<hbm>> -> memref<32xi32, #tpu.memory_space<hbm>>
      tpu.wait_dma2 semaphore(%run_scoped3A : memref<!tpu.dma_semaphore, #tpu.memory_space<semaphore_mem>>) src(%dma_wait3A_34 : memref<32xi32, #tpu.memory_space<hbm>>) dst(%arg7 : memref<32xi32, #tpu.memory_space<vmem>>)
      tpu.yield
    }) : () -> ()
    "tpu.region"() ({
      %run_scoped3A = tpu.sem_alloc : memref<!tpu.dma_semaphore, #tpu.memory_space<semaphore_mem>>
      %dma_start3A_31 = tpu.memref_slice %arg4[%add3A_4] : memref<2048xi32, #tpu.memory_space<hbm>> -> memref<32xi32, #tpu.memory_space<hbm>>
      %dma_start3A_32 = tpu.memref_slice %arg4[%add3A_4] : memref<2048xi32, #tpu.memory_space<hbm>> -> memref<32xi32, #tpu.memory_space<hbm>>
      tpu.enqueue_dma source(%dma_start3A_32 : memref<32xi32, #tpu.memory_space<hbm>>) target(%arg8 : memref<32xi32, #tpu.memory_space<vmem>>) target_semaphore(%run_scoped3A : memref<!tpu.dma_semaphore, #tpu.memory_space<semaphore_mem>>)
      %dma_wait3A_33 = tpu.memref_slice %arg4[%add3A_4] : memref<2048xi32, #tpu.memory_space<hbm>> -> memref<32xi32, #tpu.memory_space<hbm>>
      %dma_wait3A_34 = tpu.memref_slice %arg4[%add3A_4] : memref<2048xi32, #tpu.memory_space<hbm>> -> memref<32xi32, #tpu.memory_space<hbm>>
      tpu.wait_dma2 semaphore(%run_scoped3A : memref<!tpu.dma_semaphore, #tpu.memory_space<semaphore_mem>>) src(%dma_wait3A_34 : memref<32xi32, #tpu.memory_space<hbm>>) dst(%arg8 : memref<32xi32, #tpu.memory_space<vmem>>)
      tpu.yield
    }) : () -> ()
    %dma_start3A = arith.constant 0 : i32
    %dma_start3A_5 = arith.constant 0 : i32
    %dma_start3A_6 = tpu.memref_slice %arg2[%dma_start3A, %dma_start3A_5] : memref<6144x1024xf32, #tpu.memory_space<hbm>> -> memref<6144x1024xf32, #tpu.memory_space<hbm>>
    tpu.enqueue_indirect_dma source(%dma_start3A_6 : memref<6144x1024xf32, #tpu.memory_space<hbm>>) target(%arg9 : memref<32x1024xf32, #tpu.memory_space<vmem>>) offsets(%arg7 : memref<32xi32, #tpu.memory_space<vmem>>) semaphore(%arg11 : memref<!tpu.dma_semaphore, #tpu.memory_space<semaphore_mem>>)
    %dma_wait3A = arith.constant 0 : i32
    %dma_wait3A_7 = arith.constant 0 : i32
    %dma_wait3A_8 = tpu.memref_slice %arg2[%dma_wait3A, %dma_wait3A_7] : memref<6144x1024xf32, #tpu.memory_space<hbm>> -> memref<6144x1024xf32, #tpu.memory_space<hbm>>
    tpu.wait_indirect_dma semaphore(%arg11 : memref<!tpu.dma_semaphore, #tpu.memory_space<semaphore_mem>>) src(%dma_wait3A_8 : memref<6144x1024xf32, #tpu.memory_space<hbm>>) dst(%arg9 : memref<32x1024xf32, #tpu.memory_space<vmem>>)
    %dma_start3A_9 = arith.constant 0 : i32
    %dma_start3A_10 = arith.constant 0 : i32
    %dma_start3A_11 = tpu.memref_slice %arg2[%dma_start3A_9, %dma_start3A_10] : memref<6144x1024xf32, #tpu.memory_space<hbm>> -> memref<6144x1024xf32, #tpu.memory_space<hbm>>
    tpu.enqueue_indirect_dma source(%dma_start3A_11 : memref<6144x1024xf32, #tpu.memory_space<hbm>>) target(%arg10 : memref<32x1024xf32, #tpu.memory_space<vmem>>) offsets(%arg8 : memref<32xi32, #tpu.memory_space<vmem>>) semaphore(%arg11 : memref<!tpu.dma_semaphore, #tpu.memory_space<semaphore_mem>>)
    %dma_wait3A_12 = arith.constant 0 : i32
    %dma_wait3A_13 = arith.constant 0 : i32
    %dma_wait3A_14 = tpu.memref_slice %arg2[%dma_wait3A_12, %dma_wait3A_13] : memref<6144x1024xf32, #tpu.memory_space<hbm>> -> memref<6144x1024xf32, #tpu.memory_space<hbm>>
    tpu.wait_indirect_dma semaphore(%arg11 : memref<!tpu.dma_semaphore, #tpu.memory_space<semaphore_mem>>) src(%dma_wait3A_14 : memref<6144x1024xf32, #tpu.memory_space<hbm>>) dst(%arg10 : memref<32x1024xf32, #tpu.memory_space<vmem>>)
    "tpu.region"() ({
      %run_scoped3A = tpu.sem_alloc : memref<!tpu.dma_semaphore, #tpu.memory_space<semaphore_mem>>
      %dma_start3A_31 = arith.constant 0 : i32
      %dma_start3A_32 = tpu.memref_slice %arg5[%add3A_4, %dma_start3A_31] : memref<2048x1024xf32, #tpu.memory_space<hbm>> -> memref<32x1024xf32, #tpu.memory_space<hbm>>
      %dma_start3A_33 = arith.constant 0 : i32
      %dma_start3A_34 = tpu.memref_slice %arg5[%add3A_4, %dma_start3A_33] : memref<2048x1024xf32, #tpu.memory_space<hbm>> -> memref<32x1024xf32, #tpu.memory_space<hbm>>
      tpu.enqueue_dma source(%arg9 : memref<32x1024xf32, #tpu.memory_space<vmem>>) target(%dma_start3A_34 : memref<32x1024xf32, #tpu.memory_space<hbm>>) target_semaphore(%run_scoped3A : memref<!tpu.dma_semaphore, #tpu.memory_space<semaphore_mem>>)
      %dma_wait3A_35 = arith.constant 0 : i32
      %dma_wait3A_36 = tpu.memref_slice %arg5[%add3A_4, %dma_wait3A_35] : memref<2048x1024xf32, #tpu.memory_space<hbm>> -> memref<32x1024xf32, #tpu.memory_space<hbm>>
      %dma_wait3A_37 = arith.constant 0 : i32
      %dma_wait3A_38 = tpu.memref_slice %arg5[%add3A_4, %dma_wait3A_37] : memref<2048x1024xf32, #tpu.memory_space<hbm>> -> memref<32x1024xf32, #tpu.memory_space<hbm>>
      tpu.wait_dma2 semaphore(%run_scoped3A : memref<!tpu.dma_semaphore, #tpu.memory_space<semaphore_mem>>) src(%arg9 : memref<32x1024xf32, #tpu.memory_space<vmem>>) dst(%dma_wait3A_38 : memref<32x1024xf32, #tpu.memory_space<hbm>>)
      tpu.yield
    }) : () -> ()
    "tpu.region"() ({
      %run_scoped3A = tpu.sem_alloc : memref<!tpu.dma_semaphore, #tpu.memory_space<semaphore_mem>>
      %dma_start3A_31 = arith.constant 0 : i32
      %dma_start3A_32 = tpu.memref_slice %arg6[%add3A_4, %dma_start3A_31] : memref<2048x1024xf32, #tpu.memory_space<hbm>> -> memref<32x1024xf32, #tpu.memory_space<hbm>>
      %dma_start3A_33 = arith.constant 0 : i32
      %dma_start3A_34 = tpu.memref_slice %arg6[%add3A_4, %dma_start3A_33] : memref<2048x1024xf32, #tpu.memory_space<hbm>> -> memref<32x1024xf32, #tpu.memory_space<hbm>>
      tpu.enqueue_dma source(%arg10 : memref<32x1024xf32, #tpu.memory_space<vmem>>) target(%dma_start3A_34 : memref<32x1024xf32, #tpu.memory_space<hbm>>) target_semaphore(%run_scoped3A : memref<!tpu.dma_semaphore, #tpu.memory_space<semaphore_mem>>)
      %dma_wait3A_35 = arith.constant 0 : i32
      %dma_wait3A_36 = tpu.memref_slice %arg6[%add3A_4, %dma_wait3A_35] : memref<2048x1024xf32, #tpu.memory_space<hbm>> -> memref<32x1024xf32, #tpu.memory_space<hbm>>
      %dma_wait3A_37 = arith.constant 0 : i32
      %dma_wait3A_38 = tpu.memref_slice %arg6[%add3A_4, %dma_wait3A_37] : memref<2048x1024xf32, #tpu.memory_space<hbm>> -> memref<32x1024xf32, #tpu.memory_space<hbm>>
      tpu.wait_dma2 semaphore(%run_scoped3A : memref<!tpu.dma_semaphore, #tpu.memory_space<semaphore_mem>>) src(%arg10 : memref<32x1024xf32, #tpu.memory_space<vmem>>) dst(%dma_wait3A_38 : memref<32x1024xf32, #tpu.memory_space<hbm>>)
      tpu.yield
    }) : () -> ()
    %mul3A_15 = arith.constant 64 : i32
    %mul3A_16 = arith.muli %add3A, %mul3A_15 : i32
    %add3A_17 = arith.constant 32 : i32
    %add3A_18 = arith.addi %mul3A_16, %add3A_17 : i32
    "tpu.region"() ({
      %run_scoped3A = tpu.sem_alloc : memref<!tpu.dma_semaphore, #tpu.memory_space<semaphore_mem>>
      %dma_start3A_31 = tpu.memref_slice %arg3[%add3A_18] : memref<2048xi32, #tpu.memory_space<hbm>> -> memref<32xi32, #tpu.memory_space<hbm>>
      %dma_start3A_32 = tpu.memref_slice %arg3[%add3A_18] : memref<2048xi32, #tpu.memory_space<hbm>> -> memref<32xi32, #tpu.memory_space<hbm>>
      tpu.enqueue_dma source(%dma_start3A_32 : memref<32xi32, #tpu.memory_space<hbm>>) target(%arg7 : memref<32xi32, #tpu.memory_space<vmem>>) target_semaphore(%run_scoped3A : memref<!tpu.dma_semaphore, #tpu.memory_space<semaphore_mem>>)
      %dma_wait3A_33 = tpu.memref_slice %arg3[%add3A_18] : memref<2048xi32, #tpu.memory_space<hbm>> -> memref<32xi32, #tpu.memory_space<hbm>>
      %dma_wait3A_34 = tpu.memref_slice %arg3[%add3A_18] : memref<2048xi32, #tpu.memory_space<hbm>> -> memref<32xi32, #tpu.memory_space<hbm>>
      tpu.wait_dma2 semaphore(%run_scoped3A : memref<!tpu.dma_semaphore, #tpu.memory_space<semaphore_mem>>) src(%dma_wait3A_34 : memref<32xi32, #tpu.memory_space<hbm>>) dst(%arg7 : memref<32xi32, #tpu.memory_space<vmem>>)
      tpu.yield
    }) : () -> ()
    "tpu.region"() ({
      %run_scoped3A = tpu.sem_alloc : memref<!tpu.dma_semaphore, #tpu.memory_space<semaphore_mem>>
      %dma_start3A_31 = tpu.memref_slice %arg4[%add3A_18] : memref<2048xi32, #tpu.memory_space<hbm>> -> memref<32xi32, #tpu.memory_space<hbm>>
      %dma_start3A_32 = tpu.memref_slice %arg4[%add3A_18] : memref<2048xi32, #tpu.memory_space<hbm>> -> memref<32xi32, #tpu.memory_space<hbm>>
      tpu.enqueue_dma source(%dma_start3A_32 : memref<32xi32, #tpu.memory_space<hbm>>) target(%arg8 : memref<32xi32, #tpu.memory_space<vmem>>) target_semaphore(%run_scoped3A : memref<!tpu.dma_semaphore, #tpu.memory_space<semaphore_mem>>)
      %dma_wait3A_33 = tpu.memref_slice %arg4[%add3A_18] : memref<2048xi32, #tpu.memory_space<hbm>> -> memref<32xi32, #tpu.memory_space<hbm>>
      %dma_wait3A_34 = tpu.memref_slice %arg4[%add3A_18] : memref<2048xi32, #tpu.memory_space<hbm>> -> memref<32xi32, #tpu.memory_space<hbm>>
      tpu.wait_dma2 semaphore(%run_scoped3A : memref<!tpu.dma_semaphore, #tpu.memory_space<semaphore_mem>>) src(%dma_wait3A_34 : memref<32xi32, #tpu.memory_space<hbm>>) dst(%arg8 : memref<32xi32, #tpu.memory_space<vmem>>)
      tpu.yield
    }) : () -> ()
    %dma_start3A_19 = arith.constant 0 : i32
    %dma_start3A_20 = arith.constant 0 : i32
    %dma_start3A_21 = tpu.memref_slice %arg2[%dma_start3A_19, %dma_start3A_20] : memref<6144x1024xf32, #tpu.memory_space<hbm>> -> memref<6144x1024xf32, #tpu.memory_space<hbm>>
    tpu.enqueue_indirect_dma source(%dma_start3A_21 : memref<6144x1024xf32, #tpu.memory_space<hbm>>) target(%arg9 : memref<32x1024xf32, #tpu.memory_space<vmem>>) offsets(%arg7 : memref<32xi32, #tpu.memory_space<vmem>>) semaphore(%arg11 : memref<!tpu.dma_semaphore, #tpu.memory_space<semaphore_mem>>)
    %dma_wait3A_22 = arith.constant 0 : i32
    %dma_wait3A_23 = arith.constant 0 : i32
    %dma_wait3A_24 = tpu.memref_slice %arg2[%dma_wait3A_22, %dma_wait3A_23] : memref<6144x1024xf32, #tpu.memory_space<hbm>> -> memref<6144x1024xf32, #tpu.memory_space<hbm>>
    tpu.wait_indirect_dma semaphore(%arg11 : memref<!tpu.dma_semaphore, #tpu.memory_space<semaphore_mem>>) src(%dma_wait3A_24 : memref<6144x1024xf32, #tpu.memory_space<hbm>>) dst(%arg9 : memref<32x1024xf32, #tpu.memory_space<vmem>>)
    %dma_start3A_25 = arith.constant 0 : i32
    %dma_start3A_26 = arith.constant 0 : i32
    %dma_start3A_27 = tpu.memref_slice %arg2[%dma_start3A_25, %dma_start3A_26] : memref<6144x1024xf32, #tpu.memory_space<hbm>> -> memref<6144x1024xf32, #tpu.memory_space<hbm>>
    tpu.enqueue_indirect_dma source(%dma_start3A_27 : memref<6144x1024xf32, #tpu.memory_space<hbm>>) target(%arg10 : memref<32x1024xf32, #tpu.memory_space<vmem>>) offsets(%arg8 : memref<32xi32, #tpu.memory_space<vmem>>) semaphore(%arg11 : memref<!tpu.dma_semaphore, #tpu.memory_space<semaphore_mem>>)
    %dma_wait3A_28 = arith.constant 0 : i32
    %dma_wait3A_29 = arith.constant 0 : i32
    %dma_wait3A_30 = tpu.memref_slice %arg2[%dma_wait3A_28, %dma_wait3A_29] : memref<6144x1024xf32, #tpu.memory_space<hbm>> -> memref<6144x1024xf32, #tpu.memory_space<hbm>>
    tpu.wait_indirect_dma semaphore(%arg11 : memref<!tpu.dma_semaphore, #tpu.memory_space<semaphore_mem>>) src(%dma_wait3A_30 : memref<6144x1024xf32, #tpu.memory_space<hbm>>) dst(%arg10 : memref<32x1024xf32, #tpu.memory_space<vmem>>)
    "tpu.region"() ({
      %run_scoped3A = tpu.sem_alloc : memref<!tpu.dma_semaphore, #tpu.memory_space<semaphore_mem>>
      %dma_start3A_31 = arith.constant 0 : i32
      %dma_start3A_32 = tpu.memref_slice %arg5[%add3A_18, %dma_start3A_31] : memref<2048x1024xf32, #tpu.memory_space<hbm>> -> memref<32x1024xf32, #tpu.memory_space<hbm>>
      %dma_start3A_33 = arith.constant 0 : i32
      %dma_start3A_34 = tpu.memref_slice %arg5[%add3A_18, %dma_start3A_33] : memref<2048x1024xf32, #tpu.memory_space<hbm>> -> memref<32x1024xf32, #tpu.memory_space<hbm>>
      tpu.enqueue_dma source(%arg9 : memref<32x1024xf32, #tpu.memory_space<vmem>>) target(%dma_start3A_34 : memref<32x1024xf32, #tpu.memory_space<hbm>>) target_semaphore(%run_scoped3A : memref<!tpu.dma_semaphore, #tpu.memory_space<semaphore_mem>>)
      %dma_wait3A_35 = arith.constant 0 : i32
      %dma_wait3A_36 = tpu.memref_slice %arg5[%add3A_18, %dma_wait3A_35] : memref<2048x1024xf32, #tpu.memory_space<hbm>> -> memref<32x1024xf32, #tpu.memory_space<hbm>>
      %dma_wait3A_37 = arith.constant 0 : i32
      %dma_wait3A_38 = tpu.memref_slice %arg5[%add3A_18, %dma_wait3A_37] : memref<2048x1024xf32, #tpu.memory_space<hbm>> -> memref<32x1024xf32, #tpu.memory_space<hbm>>
      tpu.wait_dma2 semaphore(%run_scoped3A : memref<!tpu.dma_semaphore, #tpu.memory_space<semaphore_mem>>) src(%arg9 : memref<32x1024xf32, #tpu.memory_space<vmem>>) dst(%dma_wait3A_38 : memref<32x1024xf32, #tpu.memory_space<hbm>>)
      tpu.yield
    }) : () -> ()
    "tpu.region"() ({
      %run_scoped3A = tpu.sem_alloc : memref<!tpu.dma_semaphore, #tpu.memory_space<semaphore_mem>>
      %dma_start3A_31 = arith.constant 0 : i32
      %dma_start3A_32 = tpu.memref_slice %arg6[%add3A_18, %dma_start3A_31] : memref<2048x1024xf32, #tpu.memory_space<hbm>> -> memref<32x1024xf32, #tpu.memory_space<hbm>>
      %dma_start3A_33 = arith.constant 0 : i32
      %dma_start3A_34 = tpu.memref_slice %arg6[%add3A_18, %dma_start3A_33] : memref<2048x1024xf32, #tpu.memory_space<hbm>> -> memref<32x1024xf32, #tpu.memory_space<hbm>>
      tpu.enqueue_dma source(%arg10 : memref<32x1024xf32, #tpu.memory_space<vmem>>) target(%dma_start3A_34 : memref<32x1024xf32, #tpu.memory_space<hbm>>) target_semaphore(%run_scoped3A : memref<!tpu.dma_semaphore, #tpu.memory_space<semaphore_mem>>)
      %dma_wait3A_35 = arith.constant 0 : i32
      %dma_wait3A_36 = tpu.memref_slice %arg6[%add3A_18, %dma_wait3A_35] : memref<2048x1024xf32, #tpu.memory_space<hbm>> -> memref<32x1024xf32, #tpu.memory_space<hbm>>
      %dma_wait3A_37 = arith.constant 0 : i32
      %dma_wait3A_38 = tpu.memref_slice %arg6[%add3A_18, %dma_wait3A_37] : memref<2048x1024xf32, #tpu.memory_space<hbm>> -> memref<32x1024xf32, #tpu.memory_space<hbm>>
      tpu.wait_dma2 semaphore(%run_scoped3A : memref<!tpu.dma_semaphore, #tpu.memory_space<semaphore_mem>>) src(%arg10 : memref<32x1024xf32, #tpu.memory_space<vmem>>) dst(%dma_wait3A_38 : memref<32x1024xf32, #tpu.memory_space<hbm>>)
      tpu.yield
    }) : () -> ()
    return
  }
}

module attributes {stable_mosaic.version = 14 : i64} {
  func.func @_router_body(%arg0: i32, %arg1: memref<256x1024xf32, #tpu.memory_space<vmem>>, %arg2: memref<1024x512xf32, #tpu.memory_space<vmem>>, %arg3: memref<1x512xf32, #tpu.memory_space<vmem>>, %arg4: memref<1x512xf32, #tpu.memory_space<vmem>>, %arg5: memref<1x512xf32, #tpu.memory_space<vmem>>, %arg6: memref<512x128xf32, #tpu.memory_space<vmem>>, %arg7: memref<1x128xf32, #tpu.memory_space<vmem>>, %arg8: memref<256x128xf32, #tpu.memory_space<vmem>>) attributes {dimension_semantics = [#tpu.dimension_semantics<arbitrary>], iteration_bounds = array<i64: 8>, scalar_prefetch = 0 : i64, scratch_operands = 0 : i64, tpu.core_type = #tpu.core_type<tc>, window_params = [{transform_indices = @transform_0, window_bounds = array<i64: 256, 1024>}, {pipeline_mode = #tpu.pipeline_mode<synchronous>, transform_indices = @transform_1, window_bounds = array<i64: 1024, 512>}, {pipeline_mode = #tpu.pipeline_mode<synchronous>, transform_indices = @transform_2, window_bounds = array<i64: 1, 512>}, {pipeline_mode = #tpu.pipeline_mode<synchronous>, transform_indices = @transform_3, window_bounds = array<i64: 1, 512>}, {pipeline_mode = #tpu.pipeline_mode<synchronous>, transform_indices = @transform_4, window_bounds = array<i64: 1, 512>}, {pipeline_mode = #tpu.pipeline_mode<synchronous>, transform_indices = @transform_5, window_bounds = array<i64: 512, 128>}, {pipeline_mode = #tpu.pipeline_mode<synchronous>, transform_indices = @transform_6, window_bounds = array<i64: 1, 128>}, {transform_indices = @transform_7, window_bounds = array<i64: 256, 128>}]} {
    %get3A = arith.constant 0 : index
    %get3A_0 = arith.constant 0 : index
    %get3A_1 = vector.load %arg1[%get3A, %get3A_0] : memref<256x1024xf32, #tpu.memory_space<vmem>>, vector<256x1024xf32>
    %get3A_2 = arith.constant 0 : index
    %get3A_3 = arith.constant 0 : index
    %get3A_4 = vector.load %arg2[%get3A_2, %get3A_3] : memref<1024x512xf32, #tpu.memory_space<vmem>>, vector<1024x512xf32>
    %dot_general3A = arith.constant dense<0.000000e+00> : vector<256x512xf32>
    %dot_general3A_5 = tpu.matmul %get3A_1, %get3A_4, %dot_general3A {dimension_numbers = #tpu.dot_dimension_numbers<[1], [0], [0], [1], [0, 0, 1, 1], [], []>, transpose_lhs_hint = false} : vector<256x1024xf32>, vector<1024x512xf32>, vector<256x512xf32> -> vector<256x512xf32>
    %get3A_6 = arith.constant 0 : index
    %get3A_7 = arith.constant 0 : index
    %get3A_8 = vector.load %arg3[%get3A_6, %get3A_7] : memref<1x512xf32, #tpu.memory_space<vmem>>, vector<1x512xf32>
    %add3A = vector.broadcast %get3A_8 : vector<1x512xf32> to vector<256x512xf32>
    %add3A_9 = arith.addf %dot_general3A_5, %add3A : vector<256x512xf32>
    %reduce_sum3A = arith.constant dense<0.000000e+00> : vector<256xf32>
    %reduce_sum3A_10 = vector.multi_reduction <add>, %add3A_9, %reduce_sum3A [1] : vector<256x512xf32> to vector<256xf32>
    %broadcast_in_dim3A = vector.shape_cast %reduce_sum3A_10 : vector<256xf32> to vector<256x1xf32>
    %div3A = arith.constant 5.120000e+02 : f32
    %div3A_11 = vector.broadcast %div3A : f32 to vector<256x1xf32>
    %div3A_12 = arith.divf %broadcast_in_dim3A, %div3A_11 : vector<256x1xf32>
    %sub3A = vector.broadcast %div3A_12 : vector<256x1xf32> to vector<256x512xf32>
    %sub3A_13 = arith.subf %add3A_9, %sub3A : vector<256x512xf32>
    %integer_pow3A = arith.mulf %sub3A_13, %sub3A_13 : vector<256x512xf32>
    %reduce_sum3A_14 = arith.constant dense<0.000000e+00> : vector<256xf32>
    %reduce_sum3A_15 = vector.multi_reduction <add>, %integer_pow3A, %reduce_sum3A_14 [1] : vector<256x512xf32> to vector<256xf32>
    %broadcast_in_dim3A_16 = vector.shape_cast %reduce_sum3A_15 : vector<256xf32> to vector<256x1xf32>
    %div3A_17 = arith.constant 5.120000e+02 : f32
    %div3A_18 = vector.broadcast %div3A_17 : f32 to vector<256x1xf32>
    %div3A_19 = arith.divf %broadcast_in_dim3A_16, %div3A_18 : vector<256x1xf32>
    %sub3A_20 = vector.broadcast %div3A_12 : vector<256x1xf32> to vector<256x512xf32>
    %sub3A_21 = arith.subf %add3A_9, %sub3A_20 : vector<256x512xf32>
    %add3A_22 = arith.constant 9.99999974E-6 : f32
    %add3A_23 = vector.broadcast %add3A_22 : f32 to vector<256x1xf32>
    %add3A_24 = arith.addf %div3A_19, %add3A_23 : vector<256x1xf32>
    %rsqrt3A = math.rsqrt %add3A_24 : vector<256x1xf32>
    %mul3A = vector.broadcast %rsqrt3A : vector<256x1xf32> to vector<256x512xf32>
    %mul3A_25 = arith.mulf %sub3A_21, %mul3A : vector<256x512xf32>
    %get3A_26 = arith.constant 0 : index
    %get3A_27 = arith.constant 0 : index
    %get3A_28 = vector.load %arg4[%get3A_26, %get3A_27] : memref<1x512xf32, #tpu.memory_space<vmem>>, vector<1x512xf32>
    %mul3A_29 = vector.broadcast %get3A_28 : vector<1x512xf32> to vector<256x512xf32>
    %mul3A_30 = arith.mulf %mul3A_25, %mul3A_29 : vector<256x512xf32>
    %get3A_31 = arith.constant 0 : index
    %get3A_32 = arith.constant 0 : index
    %get3A_33 = vector.load %arg5[%get3A_31, %get3A_32] : memref<1x512xf32, #tpu.memory_space<vmem>>, vector<1x512xf32>
    %add3A_34 = vector.broadcast %get3A_33 : vector<1x512xf32> to vector<256x512xf32>
    %add3A_35 = arith.addf %mul3A_30, %add3A_34 : vector<256x512xf32>
    %max3A = arith.constant 0.000000e+00 : f32
    %max3A_36 = vector.broadcast %max3A : f32 to vector<256x512xf32>
    %max3A_37 = arith.maximumf %add3A_35, %max3A_36 : vector<256x512xf32>
    %get3A_38 = arith.constant 0 : index
    %get3A_39 = arith.constant 0 : index
    %get3A_40 = vector.load %arg6[%get3A_38, %get3A_39] : memref<512x128xf32, #tpu.memory_space<vmem>>, vector<512x128xf32>
    %dot_general3A_41 = arith.constant dense<0.000000e+00> : vector<256x128xf32>
    %dot_general3A_42 = tpu.matmul %max3A_37, %get3A_40, %dot_general3A_41 {dimension_numbers = #tpu.dot_dimension_numbers<[1], [0], [0], [1], [0, 0, 1, 1], [], []>, transpose_lhs_hint = false} : vector<256x512xf32>, vector<512x128xf32>, vector<256x128xf32> -> vector<256x128xf32>
    %get3A_43 = arith.constant 0 : index
    %get3A_44 = arith.constant 0 : index
    %get3A_45 = vector.load %arg7[%get3A_43, %get3A_44] : memref<1x128xf32, #tpu.memory_space<vmem>>, vector<1x128xf32>
    %add3A_46 = vector.broadcast %get3A_45 : vector<1x128xf32> to vector<256x128xf32>
    %add3A_47 = arith.addf %dot_general3A_42, %add3A_46 : vector<256x128xf32>
    %iota3A = tpu.iota {dimensions = array<i32: 1>} : vector<256x128xi32>
    %reduce_max3A = arith.constant dense<0xFF800000> : vector<256xf32>
    %reduce_max3A_48 = vector.multi_reduction <maximumf>, %add3A_47, %reduce_max3A [1] : vector<256x128xf32> to vector<256xf32>
    %broadcast_in_dim3A_49 = vector.shape_cast %reduce_max3A_48 : vector<256xf32> to vector<256x1xf32>
    %eq3A = vector.broadcast %broadcast_in_dim3A_49 : vector<256x1xf32> to vector<256x128xf32>
    %eq3A_50 = arith.cmpf oeq, %add3A_47, %eq3A : vector<256x128xf32>
    %jit3A = arith.constant 1000000 : i32
    %broadcast_in_dim3A_51 = vector.broadcast %jit3A : i32 to vector<256x128xi32>
    %select_n3A = arith.select %eq3A_50, %iota3A, %broadcast_in_dim3A_51 : vector<256x128xi1>, vector<256x128xi32>
    %reduce_min3A = arith.constant dense<2147483647> : vector<256xi32>
    %reduce_min3A_52 = vector.multi_reduction <minsi>, %select_n3A, %reduce_min3A [1] : vector<256x128xi32> to vector<256xi32>
    %broadcast_in_dim3A_53 = vector.shape_cast %reduce_min3A_52 : vector<256xi32> to vector<256x1xi32>
    %eq3A_54 = vector.broadcast %broadcast_in_dim3A_53 : vector<256x1xi32> to vector<256x128xi32>
    %eq3A_55 = arith.cmpi eq, %iota3A, %eq3A_54 : vector<256x128xi32>
    %jit3A_56 = arith.constant -1.000000e+30 : f32
    %broadcast_in_dim3A_57 = vector.broadcast %jit3A_56 : f32 to vector<256x128xf32>
    %select_n3A_58 = arith.select %eq3A_55, %broadcast_in_dim3A_57, %add3A_47 : vector<256x128xi1>, vector<256x128xf32>
    %reduce_max3A_59 = arith.constant dense<0xFF800000> : vector<256xf32>
    %reduce_max3A_60 = vector.multi_reduction <maximumf>, %select_n3A_58, %reduce_max3A_59 [1] : vector<256x128xf32> to vector<256xf32>
    %broadcast_in_dim3A_61 = vector.shape_cast %reduce_max3A_60 : vector<256xf32> to vector<256x1xf32>
    %eq3A_62 = vector.broadcast %broadcast_in_dim3A_61 : vector<256x1xf32> to vector<256x128xf32>
    %eq3A_63 = arith.cmpf oeq, %select_n3A_58, %eq3A_62 : vector<256x128xf32>
    %jit3A_64 = arith.constant 1000000 : i32
    %broadcast_in_dim3A_65 = vector.broadcast %jit3A_64 : i32 to vector<256x128xi32>
    %select_n3A_66 = arith.select %eq3A_63, %iota3A, %broadcast_in_dim3A_65 : vector<256x128xi1>, vector<256x128xi32>
    %reduce_min3A_67 = arith.constant dense<2147483647> : vector<256xi32>
    %reduce_min3A_68 = vector.multi_reduction <minsi>, %select_n3A_66, %reduce_min3A_67 [1] : vector<256x128xi32> to vector<256xi32>
    %broadcast_in_dim3A_69 = vector.shape_cast %reduce_min3A_68 : vector<256xi32> to vector<256x1xi32>
    %sub3A_70 = vector.broadcast %broadcast_in_dim3A_49 : vector<256x1xf32> to vector<256x128xf32>
    %sub3A_71 = arith.subf %add3A_47, %sub3A_70 : vector<256x128xf32>
    %exp3A = math.exp %sub3A_71 : vector<256x128xf32>
    %reduce_sum3A_72 = arith.constant dense<0.000000e+00> : vector<256xf32>
    %reduce_sum3A_73 = vector.multi_reduction <add>, %exp3A, %reduce_sum3A_72 [1] : vector<256x128xf32> to vector<256xf32>
    %broadcast_in_dim3A_74 = vector.shape_cast %reduce_sum3A_73 : vector<256xf32> to vector<256x1xf32>
    %div3A_75 = arith.constant 1.000000e+00 : f32
    %div3A_76 = vector.broadcast %div3A_75 : f32 to vector<256x1xf32>
    %div3A_77 = arith.divf %div3A_76, %broadcast_in_dim3A_74 : vector<256x1xf32>
    %sub3A_78 = arith.subf %broadcast_in_dim3A_61, %broadcast_in_dim3A_49 : vector<256x1xf32>
    %exp3A_79 = math.exp %sub3A_78 : vector<256x1xf32>
    %div3A_80 = arith.divf %exp3A_79, %broadcast_in_dim3A_74 : vector<256x1xf32>
    %eq3A_81 = arith.constant 0 : i32
    %eq3A_82 = vector.broadcast %eq3A_81 : i32 to vector<256x128xi32>
    %eq3A_83 = arith.cmpi eq, %iota3A, %eq3A_82 : vector<256x128xi32>
    %convert_element_type3A = arith.sitofp %broadcast_in_dim3A_53 : vector<256x1xi32> to vector<256x1xf32>
    %eq3A_84 = arith.constant 1 : i32
    %eq3A_85 = vector.broadcast %eq3A_84 : i32 to vector<256x128xi32>
    %eq3A_86 = arith.cmpi eq, %iota3A, %eq3A_85 : vector<256x128xi32>
    %convert_element_type3A_87 = arith.sitofp %broadcast_in_dim3A_69 : vector<256x1xi32> to vector<256x1xf32>
    %eq3A_88 = arith.constant 2 : i32
    %eq3A_89 = vector.broadcast %eq3A_88 : i32 to vector<256x128xi32>
    %eq3A_90 = arith.cmpi eq, %iota3A, %eq3A_89 : vector<256x128xi32>
    %eq3A_91 = arith.constant 3 : i32
    %eq3A_92 = vector.broadcast %eq3A_91 : i32 to vector<256x128xi32>
    %eq3A_93 = arith.cmpi eq, %iota3A, %eq3A_92 : vector<256x128xi32>
    %jit3A_94 = arith.constant 0.000000e+00 : f32
    %broadcast_in_dim3A_95 = vector.shape_cast %div3A_80 : vector<256x1xf32> to vector<256x1xf32>
    %broadcast_in_dim3A_96 = vector.broadcast %broadcast_in_dim3A_95 : vector<256x1xf32> to vector<256x128xf32>
    %broadcast_in_dim3A_97 = vector.broadcast %jit3A_94 : f32 to vector<256x128xf32>
    %select_n3A_98 = arith.select %eq3A_93, %broadcast_in_dim3A_96, %broadcast_in_dim3A_97 : vector<256x128xi1>, vector<256x128xf32>
    %broadcast_in_dim3A_99 = vector.shape_cast %div3A_77 : vector<256x1xf32> to vector<256x1xf32>
    %broadcast_in_dim3A_100 = vector.broadcast %broadcast_in_dim3A_99 : vector<256x1xf32> to vector<256x128xf32>
    %select_n3A_101 = arith.select %eq3A_90, %broadcast_in_dim3A_100, %select_n3A_98 : vector<256x128xi1>, vector<256x128xf32>
    %broadcast_in_dim3A_102 = vector.shape_cast %convert_element_type3A_87 : vector<256x1xf32> to vector<256x1xf32>
    %broadcast_in_dim3A_103 = vector.broadcast %broadcast_in_dim3A_102 : vector<256x1xf32> to vector<256x128xf32>
    %select_n3A_104 = arith.select %eq3A_86, %broadcast_in_dim3A_103, %select_n3A_101 : vector<256x128xi1>, vector<256x128xf32>
    %broadcast_in_dim3A_105 = vector.shape_cast %convert_element_type3A : vector<256x1xf32> to vector<256x1xf32>
    %broadcast_in_dim3A_106 = vector.broadcast %broadcast_in_dim3A_105 : vector<256x1xf32> to vector<256x128xf32>
    %select_n3A_107 = arith.select %eq3A_83, %broadcast_in_dim3A_106, %select_n3A_104 : vector<256x128xi1>, vector<256x128xf32>
    %swap3A = arith.constant 0 : index
    %swap3A_108 = arith.constant 0 : index
    %swap3A_109 = vector.load %arg8[%swap3A, %swap3A_108] : memref<256x128xf32, #tpu.memory_space<vmem>>, vector<256x128xf32>
    tpu.vector_store %arg8[%swap3A, %swap3A_108], %select_n3A_107 {strides = array<i32>} : memref<256x128xf32, #tpu.memory_space<vmem>>, vector<256x128xf32>,
    return
  }
  func.func @transform_0(%arg0: i32) -> (i32, i32) {
    %c0_i32 = arith.constant 0 : i32
    %c0_i32_0 = arith.constant 0 : i32
    return %arg0, %c0_i32 : i32, i32
  }
  func.func @transform_1(%arg0: i32) -> (i32, i32) {
    %c0_i32 = arith.constant 0 : i32
    %c0_i32_0 = arith.constant 0 : i32
    %c0_i32_1 = arith.constant 0 : i32
    return %c0_i32, %c0_i32_0 : i32, i32
  }
  func.func @transform_2(%arg0: i32) -> (i32, i32) {
    %c0_i32 = arith.constant 0 : i32
    %c0_i32_0 = arith.constant 0 : i32
    %c0_i32_1 = arith.constant 0 : i32
    return %c0_i32, %c0_i32_0 : i32, i32
  }
  func.func @transform_3(%arg0: i32) -> (i32, i32) {
    %c0_i32 = arith.constant 0 : i32
    %c0_i32_0 = arith.constant 0 : i32
    %c0_i32_1 = arith.constant 0 : i32
    return %c0_i32, %c0_i32_0 : i32, i32
  }
  func.func @transform_4(%arg0: i32) -> (i32, i32) {
    %c0_i32 = arith.constant 0 : i32
    %c0_i32_0 = arith.constant 0 : i32
    %c0_i32_1 = arith.constant 0 : i32
    return %c0_i32, %c0_i32_0 : i32, i32
  }
  func.func @transform_5(%arg0: i32) -> (i32, i32) {
    %c0_i32 = arith.constant 0 : i32
    %c0_i32_0 = arith.constant 0 : i32
    %c0_i32_1 = arith.constant 0 : i32
    return %c0_i32, %c0_i32_0 : i32, i32
  }
  func.func @transform_6(%arg0: i32) -> (i32, i32) {
    %c0_i32 = arith.constant 0 : i32
    %c0_i32_0 = arith.constant 0 : i32
    %c0_i32_1 = arith.constant 0 : i32
    return %c0_i32, %c0_i32_0 : i32, i32
  }
  func.func @transform_7(%arg0: i32) -> (i32, i32) {
    %c0_i32 = arith.constant 0 : i32
    %c0_i32_0 = arith.constant 0 : i32
    return %arg0, %c0_i32 : i32, i32
  }
}

module attributes {stable_mosaic.version = 14 : i64} {
  func.func @_add_body(%arg0: i32, %arg1: memref<512x1024xf32, #tpu.memory_space<vmem>>, %arg2: memref<512x1024xf32, #tpu.memory_space<vmem>>, %arg3: memref<512x1xf32, #tpu.memory_space<vmem>>, %arg4: memref<512x1xf32, #tpu.memory_space<vmem>>, %arg5: memref<512x1024xf32, #tpu.memory_space<vmem>>) attributes {dimension_semantics = [#tpu.dimension_semantics<arbitrary>], iteration_bounds = array<i64: 4>, scalar_prefetch = 0 : i64, scratch_operands = 0 : i64, tpu.core_type = #tpu.core_type<tc>, window_params = [{transform_indices = @transform_0, window_bounds = array<i64: 512, 1024>}, {transform_indices = @transform_1, window_bounds = array<i64: 512, 1024>}, {transform_indices = @transform_2, window_bounds = array<i64: 512, 1>}, {transform_indices = @transform_3, window_bounds = array<i64: 512, 1>}, {transform_indices = @transform_4, window_bounds = array<i64: 512, 1024>}]} {
    %get3A = arith.constant 0 : index
    %get3A_0 = arith.constant 0 : index
    %get3A_1 = vector.load %arg1[%get3A, %get3A_0] : memref<512x1024xf32, #tpu.memory_space<vmem>>, vector<512x1024xf32>
    %get3A_2 = arith.constant 0 : index
    %get3A_3 = arith.constant 0 : index
    %get3A_4 = vector.load %arg3[%get3A_2, %get3A_3] : memref<512x1xf32, #tpu.memory_space<vmem>>, vector<512x1xf32>
    %mul3A = vector.broadcast %get3A_4 : vector<512x1xf32> to vector<512x1024xf32>
    %mul3A_5 = arith.mulf %get3A_1, %mul3A : vector<512x1024xf32>
    %get3A_6 = arith.constant 0 : index
    %get3A_7 = arith.constant 0 : index
    %get3A_8 = vector.load %arg2[%get3A_6, %get3A_7] : memref<512x1024xf32, #tpu.memory_space<vmem>>, vector<512x1024xf32>
    %get3A_9 = arith.constant 0 : index
    %get3A_10 = arith.constant 0 : index
    %get3A_11 = vector.load %arg4[%get3A_9, %get3A_10] : memref<512x1xf32, #tpu.memory_space<vmem>>, vector<512x1xf32>
    %mul3A_12 = vector.broadcast %get3A_11 : vector<512x1xf32> to vector<512x1024xf32>
    %mul3A_13 = arith.mulf %get3A_8, %mul3A_12 : vector<512x1024xf32>
    %add3A = arith.addf %mul3A_5, %mul3A_13 : vector<512x1024xf32>
    %swap3A = arith.constant 0 : index
    %swap3A_14 = arith.constant 0 : index
    %swap3A_15 = vector.load %arg5[%swap3A, %swap3A_14] : memref<512x1024xf32, #tpu.memory_space<vmem>>, vector<512x1024xf32>
    tpu.vector_store %arg5[%swap3A, %swap3A_14], %add3A {strides = array<i32>} : memref<512x1024xf32, #tpu.memory_space<vmem>>, vector<512x1024xf32>,
    return
  }
  func.func @transform_0(%arg0: i32) -> (i32, i32) {
    %c0_i32 = arith.constant 0 : i32
    %c0_i32_0 = arith.constant 0 : i32
    return %arg0, %c0_i32 : i32, i32
  }
  func.func @transform_1(%arg0: i32) -> (i32, i32) {
    %c0_i32 = arith.constant 0 : i32
    %c0_i32_0 = arith.constant 0 : i32
    return %arg0, %c0_i32 : i32, i32
  }
  func.func @transform_2(%arg0: i32) -> (i32, i32) {
    %c0_i32 = arith.constant 0 : i32
    %c0_i32_0 = arith.constant 0 : i32
    return %arg0, %c0_i32 : i32, i32
  }
  func.func @transform_3(%arg0: i32) -> (i32, i32) {
    %c0_i32 = arith.constant 0 : i32
    %c0_i32_0 = arith.constant 0 : i32
    return %arg0, %c0_i32 : i32, i32
  }
  func.func @transform_4(%arg0: i32) -> (i32, i32) {
    %c0_i32 = arith.constant 0 : i32
    %c0_i32_0 = arith.constant 0 : i32
    return %arg0, %c0_i32 : i32, i32
  }
}

module attributes {stable_mosaic.version = 14 : i64} {
  func.func @_attn_body(%arg0: i32, %arg1: memref<24x2xi32, #tpu.memory_space<smem>>, %arg2: memref<256x1024xf32, #tpu.memory_space<vmem>>, %arg3: memref<2048x1024xf32, #tpu.memory_space<vmem>>, %arg4: memref<1x1024x1024xf32, #tpu.memory_space<vmem>>, %arg5: memref<1x1x1024xf32, #tpu.memory_space<vmem>>, %arg6: memref<1x1024x1024xf32, #tpu.memory_space<vmem>>, %arg7: memref<1x1x1024xf32, #tpu.memory_space<vmem>>, %arg8: memref<1x1024x1024xf32, #tpu.memory_space<vmem>>, %arg9: memref<1x1x1024xf32, #tpu.memory_space<vmem>>, %arg10: memref<1x1024x1024xf32, #tpu.memory_space<vmem>>, %arg11: memref<1x1x1024xf32, #tpu.memory_space<vmem>>, %arg12: memref<256x1024xf32, #tpu.memory_space<vmem>>, %arg13: memref<256x1024xf32, #tpu.memory_space<vmem>>, %arg14: memref<2048x1024xbf16, #tpu.memory_space<vmem>>, %arg15: memref<2048x1024xbf16, #tpu.memory_space<vmem>>) attributes {dimension_semantics = [#tpu.dimension_semantics<arbitrary>], iteration_bounds = array<i64: 24>, scalar_prefetch = 1 : i64, scratch_operands = 3 : i64, tpu.core_type = #tpu.core_type<tc>, window_params = [{transform_indices = @transform_0, window_bounds = array<i64: 256, 1024>}, {pipeline_mode = #tpu.pipeline_mode<synchronous>, transform_indices = @transform_1, window_bounds = array<i64: 2048, 1024>}, {transform_indices = @transform_2, window_bounds = array<i64: 1, 1024, 1024>}, {transform_indices = @transform_3, window_bounds = array<i64: 1, 1, 1024>}, {transform_indices = @transform_4, window_bounds = array<i64: 1, 1024, 1024>}, {transform_indices = @transform_5, window_bounds = array<i64: 1, 1, 1024>}, {transform_indices = @transform_6, window_bounds = array<i64: 1, 1024, 1024>}, {transform_indices = @transform_7, window_bounds = array<i64: 1, 1, 1024>}, {transform_indices = @transform_8, window_bounds = array<i64: 1, 1024, 1024>}, {transform_indices = @transform_9, window_bounds = array<i64: 1, 1, 1024>}, {transform_indices = @transform_10, window_bounds = array<i64: 256, 1024>}]} {
    %get3A = arith.index_cast %arg0 : i32 to index
    %get3A_0 = arith.constant 1 : index
    %get3A_1 = memref.load %arg1[%get3A, %get3A_0] : memref<24x2xi32, #tpu.memory_space<smem>>
    %ge3A = arith.constant 0 : i32
    %ge3A_2 = arith.cmpi sge, %get3A_1, %ge3A : i32
    %eq3A = arith.constant 0 : i32
    %eq3A_3 = arith.cmpi eq, %arg0, %eq3A : i32
    %sub3A = arith.constant 1 : i32
    %sub3A_4 = arith.subi %arg0, %sub3A : i32
    %max3A = arith.constant 0 : i32
    %max3A_5 = arith.maxsi %sub3A_4, %max3A : i32
    %get3A_6 = arith.index_cast %max3A_5 : i32 to index
    %get3A_7 = arith.constant 1 : index
    %get3A_8 = memref.load %arg1[%get3A_6, %get3A_7] : memref<24x2xi32, #tpu.memory_space<smem>>
    %ne3A = arith.cmpi ne, %get3A_1, %get3A_8 : i32
    %or3A = arith.ori %eq3A_3, %ne3A : i1
    %and3A = arith.andi %ge3A_2, %or3A : i1
    %convert_element_type3A = arith.extui %and3A : i1 to i32
    %cond3A = arith.constant 0 : i32
    %cond3A_9 = arith.cmpi ne, %convert_element_type3A, %cond3A : i32
    scf.if %cond3A_9 {
      %get3A_15 = arith.constant 0 : index
      %get3A_16 = arith.constant 0 : index
      %get3A_17 = vector.load %arg3[%get3A_15, %get3A_16] : memref<2048x1024xf32, #tpu.memory_space<vmem>>, vector<2048x1024xf32>
      %convert_element_type3A_18 = arith.truncf %get3A_17 : vector<2048x1024xf32> to vector<2048x1024xbf16>
      %get3A_19 = arith.constant 0 : index
      %get3A_20 = arith.constant 0 : index
      %get3A_21 = arith.constant 0 : index
      %get3A_22 = vector.load %arg8[%get3A_19, %get3A_20, %get3A_21] : memref<1x1024x1024xf32, #tpu.memory_space<vmem>>, vector<1x1024x1024xf32>
      %get3A_23 = vector.shape_cast %get3A_22 : vector<1x1024x1024xf32> to vector<1024x1024xf32>
      %convert_element_type3A_24 = arith.truncf %get3A_23 : vector<1024x1024xf32> to vector<1024x1024xbf16>
      %get3A_25 = arith.constant 0 : index
      %get3A_26 = arith.constant 0 : index
      %get3A_27 = arith.constant 0 : index
      %get3A_28 = vector.load %arg10[%get3A_25, %get3A_26, %get3A_27] : memref<1x1024x1024xf32, #tpu.memory_space<vmem>>, vector<1x1024x1024xf32>
      %get3A_29 = vector.shape_cast %get3A_28 : vector<1x1024x1024xf32> to vector<1024x1024xf32>
      %convert_element_type3A_30 = arith.truncf %get3A_29 : vector<1024x1024xf32> to vector<1024x1024xbf16>
      %dot_general3A = arith.constant dense<0.000000e+00> : vector<2048x1024xf32>
      %dot_general3A_31 = tpu.matmul %convert_element_type3A_18, %convert_element_type3A_24, %dot_general3A {dimension_numbers = #tpu.dot_dimension_numbers<[1], [0], [0], [1], [0, 0, 1, 1], [], []>, transpose_lhs_hint = false} : vector<2048x1024xbf16>, vector<1024x1024xbf16>, vector<2048x1024xf32> -> vector<2048x1024xf32>
      %get3A_32 = arith.constant 0 : index
      %get3A_33 = arith.constant 0 : index
      %get3A_34 = arith.constant 0 : index
      %get3A_35 = vector.load %arg9[%get3A_32, %get3A_33, %get3A_34] : memref<1x1x1024xf32, #tpu.memory_space<vmem>>, vector<1x1x1024xf32>
      %get3A_36 = vector.shape_cast %get3A_35 : vector<1x1x1024xf32> to vector<1x1024xf32>
      %add3A = vector.broadcast %get3A_36 : vector<1x1024xf32> to vector<2048x1024xf32>
      %add3A_37 = arith.addf %dot_general3A_31, %add3A : vector<2048x1024xf32>
      %convert_element_type3A_38 = arith.truncf %add3A_37 : vector<2048x1024xf32> to vector<2048x1024xbf16>
      %swap3A = arith.constant 0 : index
      %swap3A_39 = arith.constant 0 : index
      %swap3A_40 = vector.load %arg14[%swap3A, %swap3A_39] : memref<2048x1024xbf16, #tpu.memory_space<vmem>>, vector<2048x1024xbf16>
      tpu.vector_store %arg14[%swap3A, %swap3A_39], %convert_element_type3A_38 {strides = array<i32>} : memref<2048x1024xbf16, #tpu.memory_space<vmem>>, vector<2048x1024xbf16>,
      %dot_general3A_41 = arith.constant dense<0.000000e+00> : vector<2048x1024xf32>
      %dot_general3A_42 = tpu.matmul %convert_element_type3A_18, %convert_element_type3A_30, %dot_general3A_41 {dimension_numbers = #tpu.dot_dimension_numbers<[1], [0], [0], [1], [0, 0, 1, 1], [], []>, transpose_lhs_hint = false} : vector<2048x1024xbf16>, vector<1024x1024xbf16>, vector<2048x1024xf32> -> vector<2048x1024xf32>
      %get3A_43 = arith.constant 0 : index
      %get3A_44 = arith.constant 0 : index
      %get3A_45 = arith.constant 0 : index
      %get3A_46 = vector.load %arg11[%get3A_43, %get3A_44, %get3A_45] : memref<1x1x1024xf32, #tpu.memory_space<vmem>>, vector<1x1x1024xf32>
      %get3A_47 = vector.shape_cast %get3A_46 : vector<1x1x1024xf32> to vector<1x1024xf32>
      %add3A_48 = vector.broadcast %get3A_47 : vector<1x1024xf32> to vector<2048x1024xf32>
      %add3A_49 = arith.addf %dot_general3A_42, %add3A_48 : vector<2048x1024xf32>
      %convert_element_type3A_50 = arith.truncf %add3A_49 : vector<2048x1024xf32> to vector<2048x1024xbf16>
      %swap3A_51 = arith.constant 0 : index
      %swap3A_52 = arith.constant 0 : index
      %swap3A_53 = vector.load %arg15[%swap3A_51, %swap3A_52] : memref<2048x1024xbf16, #tpu.memory_space<vmem>>, vector<2048x1024xbf16>
      tpu.vector_store %arg15[%swap3A_51, %swap3A_52], %convert_element_type3A_50 {strides = array<i32>} : memref<2048x1024xbf16, #tpu.memory_space<vmem>>, vector<2048x1024xbf16>,
    } else {
    }
    %ge3A_10 = arith.constant 0 : i32
    %ge3A_11 = arith.cmpi sge, %get3A_1, %ge3A_10 : i32
    %convert_element_type3A_12 = arith.extui %ge3A_11 : i1 to i32
    %cond3A_13 = arith.constant 0 : i32
    %cond3A_14 = arith.cmpi ne, %convert_element_type3A_12, %cond3A_13 : i32
    scf.if %cond3A_14 {
      %get3A_15 = arith.constant 0 : index
      %get3A_16 = arith.constant 0 : index
      %get3A_17 = vector.load %arg2[%get3A_15, %get3A_16] : memref<256x1024xf32, #tpu.memory_space<vmem>>, vector<256x1024xf32>
      %convert_element_type3A_18 = arith.truncf %get3A_17 : vector<256x1024xf32> to vector<256x1024xbf16>
      %get3A_19 = arith.constant 0 : index
      %get3A_20 = arith.constant 0 : index
      %get3A_21 = arith.constant 0 : index
      %get3A_22 = vector.load %arg4[%get3A_19, %get3A_20, %get3A_21] : memref<1x1024x1024xf32, #tpu.memory_space<vmem>>, vector<1x1024x1024xf32>
      %get3A_23 = vector.shape_cast %get3A_22 : vector<1x1024x1024xf32> to vector<1024x1024xf32>
      %convert_element_type3A_24 = arith.truncf %get3A_23 : vector<1024x1024xf32> to vector<1024x1024xbf16>
      %dot_general3A = arith.constant dense<0.000000e+00> : vector<256x1024xf32>
      %dot_general3A_25 = tpu.matmul %convert_element_type3A_18, %convert_element_type3A_24, %dot_general3A {dimension_numbers = #tpu.dot_dimension_numbers<[1], [0], [0], [1], [0, 0, 1, 1], [], []>, transpose_lhs_hint = false} : vector<256x1024xbf16>, vector<1024x1024xbf16>, vector<256x1024xf32> -> vector<256x1024xf32>
      %get3A_26 = arith.constant 0 : index
      %get3A_27 = arith.constant 0 : index
      %get3A_28 = arith.constant 0 : index
      %get3A_29 = vector.load %arg5[%get3A_26, %get3A_27, %get3A_28] : memref<1x1x1024xf32, #tpu.memory_space<vmem>>, vector<1x1x1024xf32>
      %get3A_30 = vector.shape_cast %get3A_29 : vector<1x1x1024xf32> to vector<1x1024xf32>
      %add3A = vector.broadcast %get3A_30 : vector<1x1024xf32> to vector<256x1024xf32>
      %add3A_31 = arith.addf %dot_general3A_25, %add3A : vector<256x1024xf32>
      %mul3A = arith.constant 1.250000e-01 : f32
      %mul3A_32 = vector.broadcast %mul3A : f32 to vector<256x1024xf32>
      %mul3A_33 = arith.mulf %add3A_31, %mul3A_32 : vector<256x1024xf32>
      %slice3A = vector.extract_strided_slice %mul3A_33 {offsets = [0, 0], sizes = [256, 64], strides = [1, 1]} : vector<256x1024xf32> to vector<256x64xf32>
      %convert_element_type3A_34 = arith.truncf %slice3A : vector<256x64xf32> to vector<256x64xbf16>
      %get3A_35 = arith.constant 0 : index
      %get3A_36 = arith.constant 0 : index
      %get3A_37 = vector.load %arg14[%get3A_35, %get3A_36] : memref<2048x1024xbf16, #tpu.memory_space<vmem>>, vector<2048x64xbf16>
      %dot_general3A_38 = arith.constant dense<0.000000e+00> : vector<256x2048xf32>
      %dot_general3A_39 = tpu.matmul %convert_element_type3A_34, %get3A_37, %dot_general3A_38 {dimension_numbers = #tpu.dot_dimension_numbers<[1], [1], [0], [0], [0, 0, 1, 0], [], []>, transpose_lhs_hint = false} : vector<256x64xbf16>, vector<2048x64xbf16>, vector<256x2048xf32> -> vector<256x2048xf32>
      %exp3A = math.exp %dot_general3A_39 : vector<256x2048xf32>
      %reduce_sum3A = arith.constant dense<0.000000e+00> : vector<256xf32>
      %reduce_sum3A_40 = vector.multi_reduction <add>, %exp3A, %reduce_sum3A [1] : vector<256x2048xf32> to vector<256xf32>
      %broadcast_in_dim3A = vector.shape_cast %reduce_sum3A_40 : vector<256xf32> to vector<256x1xf32>
      %convert_element_type3A_41 = arith.truncf %exp3A : vector<256x2048xf32> to vector<256x2048xbf16>
      %get3A_42 = arith.constant 0 : index
      %get3A_43 = arith.constant 0 : index
      %get3A_44 = vector.load %arg15[%get3A_42, %get3A_43] : memref<2048x1024xbf16, #tpu.memory_space<vmem>>, vector<2048x64xbf16>
      %dot_general3A_45 = arith.constant dense<0.000000e+00> : vector<256x64xf32>
      %dot_general3A_46 = tpu.matmul %convert_element_type3A_41, %get3A_44, %dot_general3A_45 {dimension_numbers = #tpu.dot_dimension_numbers<[1], [0], [0], [1], [0, 0, 1, 1], [], []>, transpose_lhs_hint = false} : vector<256x2048xbf16>, vector<2048x64xbf16>, vector<256x64xf32> -> vector<256x64xf32>
      %div3A = arith.constant 1.000000e+00 : f32
      %div3A_47 = vector.broadcast %div3A : f32 to vector<256x1xf32>
      %div3A_48 = arith.divf %div3A_47, %broadcast_in_dim3A : vector<256x1xf32>
      %mul3A_49 = vector.broadcast %div3A_48 : vector<256x1xf32> to vector<256x64xf32>
      %mul3A_50 = arith.mulf %dot_general3A_46, %mul3A_49 : vector<256x64xf32>
      %swap3A = arith.constant 0 : index
      %swap3A_51 = arith.constant 0 : index
      %swap3A_52 = vector.load %arg13[%swap3A, %swap3A_51] : memref<256x1024xf32, #tpu.memory_space<vmem>>, vector<256x64xf32>
      tpu.vector_store %arg13[%swap3A, %swap3A_51], %mul3A_50 {strides = array<i32>} : memref<256x1024xf32, #tpu.memory_space<vmem>>, vector<256x64xf32>,
      %slice3A_53 = vector.extract_strided_slice %mul3A_33 {offsets = [0, 64], sizes = [256, 64], strides = [1, 1]} : vector<256x1024xf32> to vector<256x64xf32>
      %convert_element_type3A_54 = arith.truncf %slice3A_53 : vector<256x64xf32> to vector<256x64xbf16>
      %get3A_55 = arith.constant 0 : index
      %get3A_56 = arith.constant 64 : index
      %get3A_57 = vector.load %arg14[%get3A_55, %get3A_56] : memref<2048x1024xbf16, #tpu.memory_space<vmem>>, vector<2048x64xbf16>
      %dot_general3A_58 = arith.constant dense<0.000000e+00> : vector<256x2048xf32>
      %dot_general3A_59 = tpu.matmul %convert_element_type3A_54, %get3A_57, %dot_general3A_58 {dimension_numbers = #tpu.dot_dimension_numbers<[1], [1], [0], [0], [0, 0, 1, 0], [], []>, transpose_lhs_hint = false} : vector<256x64xbf16>, vector<2048x64xbf16>, vector<256x2048xf32> -> vector<256x2048xf32>
      %exp3A_60 = math.exp %dot_general3A_59 : vector<256x2048xf32>
      %reduce_sum3A_61 = arith.constant dense<0.000000e+00> : vector<256xf32>
      %reduce_sum3A_62 = vector.multi_reduction <add>, %exp3A_60, %reduce_sum3A_61 [1] : vector<256x2048xf32> to vector<256xf32>
      %broadcast_in_dim3A_63 = vector.shape_cast %reduce_sum3A_62 : vector<256xf32> to vector<256x1xf32>
      %convert_element_type3A_64 = arith.truncf %exp3A_60 : vector<256x2048xf32> to vector<256x2048xbf16>
      %get3A_65 = arith.constant 0 : index
      %get3A_66 = arith.constant 64 : index
      %get3A_67 = vector.load %arg15[%get3A_65, %get3A_66] : memref<2048x1024xbf16, #tpu.memory_space<vmem>>, vector<2048x64xbf16>
      %dot_general3A_68 = arith.constant dense<0.000000e+00> : vector<256x64xf32>
      %dot_general3A_69 = tpu.matmul %convert_element_type3A_64, %get3A_67, %dot_general3A_68 {dimension_numbers = #tpu.dot_dimension_numbers<[1], [0], [0], [1], [0, 0, 1, 1], [], []>, transpose_lhs_hint = false} : vector<256x2048xbf16>, vector<2048x64xbf16>, vector<256x64xf32> -> vector<256x64xf32>
      %div3A_70 = arith.constant 1.000000e+00 : f32
      %div3A_71 = vector.broadcast %div3A_70 : f32 to vector<256x1xf32>
      %div3A_72 = arith.divf %div3A_71, %broadcast_in_dim3A_63 : vector<256x1xf32>
      %mul3A_73 = vector.broadcast %div3A_72 : vector<256x1xf32> to vector<256x64xf32>
      %mul3A_74 = arith.mulf %dot_general3A_69, %mul3A_73 : vector<256x64xf32>
      %swap3A_75 = arith.constant 0 : index
      %swap3A_76 = arith.constant 64 : index
      %swap3A_77 = vector.load %arg13[%swap3A_75, %swap3A_76] : memref<256x1024xf32, #tpu.memory_space<vmem>>, vector<256x64xf32>
      tpu.vector_store %arg13[%swap3A_75, %swap3A_76], %mul3A_74 {strides = array<i32>} : memref<256x1024xf32, #tpu.memory_space<vmem>>, vector<256x64xf32>,
      %slice3A_78 = vector.extract_strided_slice %mul3A_33 {offsets = [0, 128], sizes = [256, 64], strides = [1, 1]} : vector<256x1024xf32> to vector<256x64xf32>
      %convert_element_type3A_79 = arith.truncf %slice3A_78 : vector<256x64xf32> to vector<256x64xbf16>
      %get3A_80 = arith.constant 0 : index
      %get3A_81 = arith.constant 128 : index
      %get3A_82 = vector.load %arg14[%get3A_80, %get3A_81] : memref<2048x1024xbf16, #tpu.memory_space<vmem>>, vector<2048x64xbf16>
      %dot_general3A_83 = arith.constant dense<0.000000e+00> : vector<256x2048xf32>
      %dot_general3A_84 = tpu.matmul %convert_element_type3A_79, %get3A_82, %dot_general3A_83 {dimension_numbers = #tpu.dot_dimension_numbers<[1], [1], [0], [0], [0, 0, 1, 0], [], []>, transpose_lhs_hint = false} : vector<256x64xbf16>, vector<2048x64xbf16>, vector<256x2048xf32> -> vector<256x2048xf32>
      %exp3A_85 = math.exp %dot_general3A_84 : vector<256x2048xf32>
      %reduce_sum3A_86 = arith.constant dense<0.000000e+00> : vector<256xf32>
      %reduce_sum3A_87 = vector.multi_reduction <add>, %exp3A_85, %reduce_sum3A_86 [1] : vector<256x2048xf32> to vector<256xf32>
      %broadcast_in_dim3A_88 = vector.shape_cast %reduce_sum3A_87 : vector<256xf32> to vector<256x1xf32>
      %convert_element_type3A_89 = arith.truncf %exp3A_85 : vector<256x2048xf32> to vector<256x2048xbf16>
      %get3A_90 = arith.constant 0 : index
      %get3A_91 = arith.constant 128 : index
      %get3A_92 = vector.load %arg15[%get3A_90, %get3A_91] : memref<2048x1024xbf16, #tpu.memory_space<vmem>>, vector<2048x64xbf16>
      %dot_general3A_93 = arith.constant dense<0.000000e+00> : vector<256x64xf32>
      %dot_general3A_94 = tpu.matmul %convert_element_type3A_89, %get3A_92, %dot_general3A_93 {dimension_numbers = #tpu.dot_dimension_numbers<[1], [0], [0], [1], [0, 0, 1, 1], [], []>, transpose_lhs_hint = false} : vector<256x2048xbf16>, vector<2048x64xbf16>, vector<256x64xf32> -> vector<256x64xf32>
      %div3A_95 = arith.constant 1.000000e+00 : f32
      %div3A_96 = vector.broadcast %div3A_95 : f32 to vector<256x1xf32>
      %div3A_97 = arith.divf %div3A_96, %broadcast_in_dim3A_88 : vector<256x1xf32>
      %mul3A_98 = vector.broadcast %div3A_97 : vector<256x1xf32> to vector<256x64xf32>
      %mul3A_99 = arith.mulf %dot_general3A_94, %mul3A_98 : vector<256x64xf32>
      %swap3A_100 = arith.constant 0 : index
      %swap3A_101 = arith.constant 128 : index
      %swap3A_102 = vector.load %arg13[%swap3A_100, %swap3A_101] : memref<256x1024xf32, #tpu.memory_space<vmem>>, vector<256x64xf32>
      tpu.vector_store %arg13[%swap3A_100, %swap3A_101], %mul3A_99 {strides = array<i32>} : memref<256x1024xf32, #tpu.memory_space<vmem>>, vector<256x64xf32>,
      %slice3A_103 = vector.extract_strided_slice %mul3A_33 {offsets = [0, 192], sizes = [256, 64], strides = [1, 1]} : vector<256x1024xf32> to vector<256x64xf32>
      %convert_element_type3A_104 = arith.truncf %slice3A_103 : vector<256x64xf32> to vector<256x64xbf16>
      %get3A_105 = arith.constant 0 : index
      %get3A_106 = arith.constant 192 : index
      %get3A_107 = vector.load %arg14[%get3A_105, %get3A_106] : memref<2048x1024xbf16, #tpu.memory_space<vmem>>, vector<2048x64xbf16>
      %dot_general3A_108 = arith.constant dense<0.000000e+00> : vector<256x2048xf32>
      %dot_general3A_109 = tpu.matmul %convert_element_type3A_104, %get3A_107, %dot_general3A_108 {dimension_numbers = #tpu.dot_dimension_numbers<[1], [1], [0], [0], [0, 0, 1, 0], [], []>, transpose_lhs_hint = false} : vector<256x64xbf16>, vector<2048x64xbf16>, vector<256x2048xf32> -> vector<256x2048xf32>
      %exp3A_110 = math.exp %dot_general3A_109 : vector<256x2048xf32>
      %reduce_sum3A_111 = arith.constant dense<0.000000e+00> : vector<256xf32>
      %reduce_sum3A_112 = vector.multi_reduction <add>, %exp3A_110, %reduce_sum3A_111 [1] : vector<256x2048xf32> to vector<256xf32>
      %broadcast_in_dim3A_113 = vector.shape_cast %reduce_sum3A_112 : vector<256xf32> to vector<256x1xf32>
      %convert_element_type3A_114 = arith.truncf %exp3A_110 : vector<256x2048xf32> to vector<256x2048xbf16>
      %get3A_115 = arith.constant 0 : index
      %get3A_116 = arith.constant 192 : index
      %get3A_117 = vector.load %arg15[%get3A_115, %get3A_116] : memref<2048x1024xbf16, #tpu.memory_space<vmem>>, vector<2048x64xbf16>
      %dot_general3A_118 = arith.constant dense<0.000000e+00> : vector<256x64xf32>
      %dot_general3A_119 = tpu.matmul %convert_element_type3A_114, %get3A_117, %dot_general3A_118 {dimension_numbers = #tpu.dot_dimension_numbers<[1], [0], [0], [1], [0, 0, 1, 1], [], []>, transpose_lhs_hint = false} : vector<256x2048xbf16>, vector<2048x64xbf16>, vector<256x64xf32> -> vector<256x64xf32>
      %div3A_120 = arith.constant 1.000000e+00 : f32
      %div3A_121 = vector.broadcast %div3A_120 : f32 to vector<256x1xf32>
      %div3A_122 = arith.divf %div3A_121, %broadcast_in_dim3A_113 : vector<256x1xf32>
      %mul3A_123 = vector.broadcast %div3A_122 : vector<256x1xf32> to vector<256x64xf32>
      %mul3A_124 = arith.mulf %dot_general3A_119, %mul3A_123 : vector<256x64xf32>
      %swap3A_125 = arith.constant 0 : index
      %swap3A_126 = arith.constant 192 : index
      %swap3A_127 = vector.load %arg13[%swap3A_125, %swap3A_126] : memref<256x1024xf32, #tpu.memory_space<vmem>>, vector<256x64xf32>
      tpu.vector_store %arg13[%swap3A_125, %swap3A_126], %mul3A_124 {strides = array<i32>} : memref<256x1024xf32, #tpu.memory_space<vmem>>, vector<256x64xf32>,
      %slice3A_128 = vector.extract_strided_slice %mul3A_33 {offsets = [0, 256], sizes = [256, 64], strides = [1, 1]} : vector<256x1024xf32> to vector<256x64xf32>
      %convert_element_type3A_129 = arith.truncf %slice3A_128 : vector<256x64xf32> to vector<256x64xbf16>
      %get3A_130 = arith.constant 0 : index
      %get3A_131 = arith.constant 256 : index
      %get3A_132 = vector.load %arg14[%get3A_130, %get3A_131] : memref<2048x1024xbf16, #tpu.memory_space<vmem>>, vector<2048x64xbf16>
      %dot_general3A_133 = arith.constant dense<0.000000e+00> : vector<256x2048xf32>
      %dot_general3A_134 = tpu.matmul %convert_element_type3A_129, %get3A_132, %dot_general3A_133 {dimension_numbers = #tpu.dot_dimension_numbers<[1], [1], [0], [0], [0, 0, 1, 0], [], []>, transpose_lhs_hint = false} : vector<256x64xbf16>, vector<2048x64xbf16>, vector<256x2048xf32> -> vector<256x2048xf32>
      %exp3A_135 = math.exp %dot_general3A_134 : vector<256x2048xf32>
      %reduce_sum3A_136 = arith.constant dense<0.000000e+00> : vector<256xf32>
      %reduce_sum3A_137 = vector.multi_reduction <add>, %exp3A_135, %reduce_sum3A_136 [1] : vector<256x2048xf32> to vector<256xf32>
      %broadcast_in_dim3A_138 = vector.shape_cast %reduce_sum3A_137 : vector<256xf32> to vector<256x1xf32>
      %convert_element_type3A_139 = arith.truncf %exp3A_135 : vector<256x2048xf32> to vector<256x2048xbf16>
      %get3A_140 = arith.constant 0 : index
      %get3A_141 = arith.constant 256 : index
      %get3A_142 = vector.load %arg15[%get3A_140, %get3A_141] : memref<2048x1024xbf16, #tpu.memory_space<vmem>>, vector<2048x64xbf16>
      %dot_general3A_143 = arith.constant dense<0.000000e+00> : vector<256x64xf32>
      %dot_general3A_144 = tpu.matmul %convert_element_type3A_139, %get3A_142, %dot_general3A_143 {dimension_numbers = #tpu.dot_dimension_numbers<[1], [0], [0], [1], [0, 0, 1, 1], [], []>, transpose_lhs_hint = false} : vector<256x2048xbf16>, vector<2048x64xbf16>, vector<256x64xf32> -> vector<256x64xf32>
      %div3A_145 = arith.constant 1.000000e+00 : f32
      %div3A_146 = vector.broadcast %div3A_145 : f32 to vector<256x1xf32>
      %div3A_147 = arith.divf %div3A_146, %broadcast_in_dim3A_138 : vector<256x1xf32>
      %mul3A_148 = vector.broadcast %div3A_147 : vector<256x1xf32> to vector<256x64xf32>
      %mul3A_149 = arith.mulf %dot_general3A_144, %mul3A_148 : vector<256x64xf32>
      %swap3A_150 = arith.constant 0 : index
      %swap3A_151 = arith.constant 256 : index
      %swap3A_152 = vector.load %arg13[%swap3A_150, %swap3A_151] : memref<256x1024xf32, #tpu.memory_space<vmem>>, vector<256x64xf32>
      tpu.vector_store %arg13[%swap3A_150, %swap3A_151], %mul3A_149 {strides = array<i32>} : memref<256x1024xf32, #tpu.memory_space<vmem>>, vector<256x64xf32>,
      %slice3A_153 = vector.extract_strided_slice %mul3A_33 {offsets = [0, 320], sizes = [256, 64], strides = [1, 1]} : vector<256x1024xf32> to vector<256x64xf32>
      %convert_element_type3A_154 = arith.truncf %slice3A_153 : vector<256x64xf32> to vector<256x64xbf16>
      %get3A_155 = arith.constant 0 : index
      %get3A_156 = arith.constant 320 : index
      %get3A_157 = vector.load %arg14[%get3A_155, %get3A_156] : memref<2048x1024xbf16, #tpu.memory_space<vmem>>, vector<2048x64xbf16>
      %dot_general3A_158 = arith.constant dense<0.000000e+00> : vector<256x2048xf32>
      %dot_general3A_159 = tpu.matmul %convert_element_type3A_154, %get3A_157, %dot_general3A_158 {dimension_numbers = #tpu.dot_dimension_numbers<[1], [1], [0], [0], [0, 0, 1, 0], [], []>, transpose_lhs_hint = false} : vector<256x64xbf16>, vector<2048x64xbf16>, vector<256x2048xf32> -> vector<256x2048xf32>
      %exp3A_160 = math.exp %dot_general3A_159 : vector<256x2048xf32>
      %reduce_sum3A_161 = arith.constant dense<0.000000e+00> : vector<256xf32>
      %reduce_sum3A_162 = vector.multi_reduction <add>, %exp3A_160, %reduce_sum3A_161 [1] : vector<256x2048xf32> to vector<256xf32>
      %broadcast_in_dim3A_163 = vector.shape_cast %reduce_sum3A_162 : vector<256xf32> to vector<256x1xf32>
      %convert_element_type3A_164 = arith.truncf %exp3A_160 : vector<256x2048xf32> to vector<256x2048xbf16>
      %get3A_165 = arith.constant 0 : index
      %get3A_166 = arith.constant 320 : index
      %get3A_167 = vector.load %arg15[%get3A_165, %get3A_166] : memref<2048x1024xbf16, #tpu.memory_space<vmem>>, vector<2048x64xbf16>
      %dot_general3A_168 = arith.constant dense<0.000000e+00> : vector<256x64xf32>
      %dot_general3A_169 = tpu.matmul %convert_element_type3A_164, %get3A_167, %dot_general3A_168 {dimension_numbers = #tpu.dot_dimension_numbers<[1], [0], [0], [1], [0, 0, 1, 1], [], []>, transpose_lhs_hint = false} : vector<256x2048xbf16>, vector<2048x64xbf16>, vector<256x64xf32> -> vector<256x64xf32>
      %div3A_170 = arith.constant 1.000000e+00 : f32
      %div3A_171 = vector.broadcast %div3A_170 : f32 to vector<256x1xf32>
      %div3A_172 = arith.divf %div3A_171, %broadcast_in_dim3A_163 : vector<256x1xf32>
      %mul3A_173 = vector.broadcast %div3A_172 : vector<256x1xf32> to vector<256x64xf32>
      %mul3A_174 = arith.mulf %dot_general3A_169, %mul3A_173 : vector<256x64xf32>
      %swap3A_175 = arith.constant 0 : index
      %swap3A_176 = arith.constant 320 : index
      %swap3A_177 = vector.load %arg13[%swap3A_175, %swap3A_176] : memref<256x1024xf32, #tpu.memory_space<vmem>>, vector<256x64xf32>
      tpu.vector_store %arg13[%swap3A_175, %swap3A_176], %mul3A_174 {strides = array<i32>} : memref<256x1024xf32, #tpu.memory_space<vmem>>, vector<256x64xf32>,
      %slice3A_178 = vector.extract_strided_slice %mul3A_33 {offsets = [0, 384], sizes = [256, 64], strides = [1, 1]} : vector<256x1024xf32> to vector<256x64xf32>
      %convert_element_type3A_179 = arith.truncf %slice3A_178 : vector<256x64xf32> to vector<256x64xbf16>
      %get3A_180 = arith.constant 0 : index
      %get3A_181 = arith.constant 384 : index
      %get3A_182 = vector.load %arg14[%get3A_180, %get3A_181] : memref<2048x1024xbf16, #tpu.memory_space<vmem>>, vector<2048x64xbf16>
      %dot_general3A_183 = arith.constant dense<0.000000e+00> : vector<256x2048xf32>
      %dot_general3A_184 = tpu.matmul %convert_element_type3A_179, %get3A_182, %dot_general3A_183 {dimension_numbers = #tpu.dot_dimension_numbers<[1], [1], [0], [0], [0, 0, 1, 0], [], []>, transpose_lhs_hint = false} : vector<256x64xbf16>, vector<2048x64xbf16>, vector<256x2048xf32> -> vector<256x2048xf32>
      %exp3A_185 = math.exp %dot_general3A_184 : vector<256x2048xf32>
      %reduce_sum3A_186 = arith.constant dense<0.000000e+00> : vector<256xf32>
      %reduce_sum3A_187 = vector.multi_reduction <add>, %exp3A_185, %reduce_sum3A_186 [1] : vector<256x2048xf32> to vector<256xf32>
      %broadcast_in_dim3A_188 = vector.shape_cast %reduce_sum3A_187 : vector<256xf32> to vector<256x1xf32>
      %convert_element_type3A_189 = arith.truncf %exp3A_185 : vector<256x2048xf32> to vector<256x2048xbf16>
      %get3A_190 = arith.constant 0 : index
      %get3A_191 = arith.constant 384 : index
      %get3A_192 = vector.load %arg15[%get3A_190, %get3A_191] : memref<2048x1024xbf16, #tpu.memory_space<vmem>>, vector<2048x64xbf16>
      %dot_general3A_193 = arith.constant dense<0.000000e+00> : vector<256x64xf32>
      %dot_general3A_194 = tpu.matmul %convert_element_type3A_189, %get3A_192, %dot_general3A_193 {dimension_numbers = #tpu.dot_dimension_numbers<[1], [0], [0], [1], [0, 0, 1, 1], [], []>, transpose_lhs_hint = false} : vector<256x2048xbf16>, vector<2048x64xbf16>, vector<256x64xf32> -> vector<256x64xf32>
      %div3A_195 = arith.constant 1.000000e+00 : f32
      %div3A_196 = vector.broadcast %div3A_195 : f32 to vector<256x1xf32>
      %div3A_197 = arith.divf %div3A_196, %broadcast_in_dim3A_188 : vector<256x1xf32>
      %mul3A_198 = vector.broadcast %div3A_197 : vector<256x1xf32> to vector<256x64xf32>
      %mul3A_199 = arith.mulf %dot_general3A_194, %mul3A_198 : vector<256x64xf32>
      %swap3A_200 = arith.constant 0 : index
      %swap3A_201 = arith.constant 384 : index
      %swap3A_202 = vector.load %arg13[%swap3A_200, %swap3A_201] : memref<256x1024xf32, #tpu.memory_space<vmem>>, vector<256x64xf32>
      tpu.vector_store %arg13[%swap3A_200, %swap3A_201], %mul3A_199 {strides = array<i32>} : memref<256x1024xf32, #tpu.memory_space<vmem>>, vector<256x64xf32>,
      %slice3A_203 = vector.extract_strided_slice %mul3A_33 {offsets = [0, 448], sizes = [256, 64], strides = [1, 1]} : vector<256x1024xf32> to vector<256x64xf32>
      %convert_element_type3A_204 = arith.truncf %slice3A_203 : vector<256x64xf32> to vector<256x64xbf16>
      %get3A_205 = arith.constant 0 : index
      %get3A_206 = arith.constant 448 : index
      %get3A_207 = vector.load %arg14[%get3A_205, %get3A_206] : memref<2048x1024xbf16, #tpu.memory_space<vmem>>, vector<2048x64xbf16>
      %dot_general3A_208 = arith.constant dense<0.000000e+00> : vector<256x2048xf32>
      %dot_general3A_209 = tpu.matmul %convert_element_type3A_204, %get3A_207, %dot_general3A_208 {dimension_numbers = #tpu.dot_dimension_numbers<[1], [1], [0], [0], [0, 0, 1, 0], [], []>, transpose_lhs_hint = false} : vector<256x64xbf16>, vector<2048x64xbf16>, vector<256x2048xf32> -> vector<256x2048xf32>
      %exp3A_210 = math.exp %dot_general3A_209 : vector<256x2048xf32>
      %reduce_sum3A_211 = arith.constant dense<0.000000e+00> : vector<256xf32>
      %reduce_sum3A_212 = vector.multi_reduction <add>, %exp3A_210, %reduce_sum3A_211 [1] : vector<256x2048xf32> to vector<256xf32>
      %broadcast_in_dim3A_213 = vector.shape_cast %reduce_sum3A_212 : vector<256xf32> to vector<256x1xf32>
      %convert_element_type3A_214 = arith.truncf %exp3A_210 : vector<256x2048xf32> to vector<256x2048xbf16>
      %get3A_215 = arith.constant 0 : index
      %get3A_216 = arith.constant 448 : index
      %get3A_217 = vector.load %arg15[%get3A_215, %get3A_216] : memref<2048x1024xbf16, #tpu.memory_space<vmem>>, vector<2048x64xbf16>
      %dot_general3A_218 = arith.constant dense<0.000000e+00> : vector<256x64xf32>
      %dot_general3A_219 = tpu.matmul %convert_element_type3A_214, %get3A_217, %dot_general3A_218 {dimension_numbers = #tpu.dot_dimension_numbers<[1], [0], [0], [1], [0, 0, 1, 1], [], []>, transpose_lhs_hint = false} : vector<256x2048xbf16>, vector<2048x64xbf16>, vector<256x64xf32> -> vector<256x64xf32>
      %div3A_220 = arith.constant 1.000000e+00 : f32
      %div3A_221 = vector.broadcast %div3A_220 : f32 to vector<256x1xf32>
      %div3A_222 = arith.divf %div3A_221, %broadcast_in_dim3A_213 : vector<256x1xf32>
      %mul3A_223 = vector.broadcast %div3A_222 : vector<256x1xf32> to vector<256x64xf32>
      %mul3A_224 = arith.mulf %dot_general3A_219, %mul3A_223 : vector<256x64xf32>
      %swap3A_225 = arith.constant 0 : index
      %swap3A_226 = arith.constant 448 : index
      %swap3A_227 = vector.load %arg13[%swap3A_225, %swap3A_226] : memref<256x1024xf32, #tpu.memory_space<vmem>>, vector<256x64xf32>
      tpu.vector_store %arg13[%swap3A_225, %swap3A_226], %mul3A_224 {strides = array<i32>} : memref<256x1024xf32, #tpu.memory_space<vmem>>, vector<256x64xf32>,
      %slice3A_228 = vector.extract_strided_slice %mul3A_33 {offsets = [0, 512], sizes = [256, 64], strides = [1, 1]} : vector<256x1024xf32> to vector<256x64xf32>
      %convert_element_type3A_229 = arith.truncf %slice3A_228 : vector<256x64xf32> to vector<256x64xbf16>
      %get3A_230 = arith.constant 0 : index
      %get3A_231 = arith.constant 512 : index
      %get3A_232 = vector.load %arg14[%get3A_230, %get3A_231] : memref<2048x1024xbf16, #tpu.memory_space<vmem>>, vector<2048x64xbf16>
      %dot_general3A_233 = arith.constant dense<0.000000e+00> : vector<256x2048xf32>
      %dot_general3A_234 = tpu.matmul %convert_element_type3A_229, %get3A_232, %dot_general3A_233 {dimension_numbers = #tpu.dot_dimension_numbers<[1], [1], [0], [0], [0, 0, 1, 0], [], []>, transpose_lhs_hint = false} : vector<256x64xbf16>, vector<2048x64xbf16>, vector<256x2048xf32> -> vector<256x2048xf32>
      %exp3A_235 = math.exp %dot_general3A_234 : vector<256x2048xf32>
      %reduce_sum3A_236 = arith.constant dense<0.000000e+00> : vector<256xf32>
      %reduce_sum3A_237 = vector.multi_reduction <add>, %exp3A_235, %reduce_sum3A_236 [1] : vector<256x2048xf32> to vector<256xf32>
      %broadcast_in_dim3A_238 = vector.shape_cast %reduce_sum3A_237 : vector<256xf32> to vector<256x1xf32>
      %convert_element_type3A_239 = arith.truncf %exp3A_235 : vector<256x2048xf32> to vector<256x2048xbf16>
      %get3A_240 = arith.constant 0 : index
      %get3A_241 = arith.constant 512 : index
      %get3A_242 = vector.load %arg15[%get3A_240, %get3A_241] : memref<2048x1024xbf16, #tpu.memory_space<vmem>>, vector<2048x64xbf16>
      %dot_general3A_243 = arith.constant dense<0.000000e+00> : vector<256x64xf32>
      %dot_general3A_244 = tpu.matmul %convert_element_type3A_239, %get3A_242, %dot_general3A_243 {dimension_numbers = #tpu.dot_dimension_numbers<[1], [0], [0], [1], [0, 0, 1, 1], [], []>, transpose_lhs_hint = false} : vector<256x2048xbf16>, vector<2048x64xbf16>, vector<256x64xf32> -> vector<256x64xf32>
      %div3A_245 = arith.constant 1.000000e+00 : f32
      %div3A_246 = vector.broadcast %div3A_245 : f32 to vector<256x1xf32>
      %div3A_247 = arith.divf %div3A_246, %broadcast_in_dim3A_238 : vector<256x1xf32>
      %mul3A_248 = vector.broadcast %div3A_247 : vector<256x1xf32> to vector<256x64xf32>
      %mul3A_249 = arith.mulf %dot_general3A_244, %mul3A_248 : vector<256x64xf32>
      %swap3A_250 = arith.constant 0 : index
      %swap3A_251 = arith.constant 512 : index
      %swap3A_252 = vector.load %arg13[%swap3A_250, %swap3A_251] : memref<256x1024xf32, #tpu.memory_space<vmem>>, vector<256x64xf32>
      tpu.vector_store %arg13[%swap3A_250, %swap3A_251], %mul3A_249 {strides = array<i32>} : memref<256x1024xf32, #tpu.memory_space<vmem>>, vector<256x64xf32>,
      %slice3A_253 = vector.extract_strided_slice %mul3A_33 {offsets = [0, 576], sizes = [256, 64], strides = [1, 1]} : vector<256x1024xf32> to vector<256x64xf32>
      %convert_element_type3A_254 = arith.truncf %slice3A_253 : vector<256x64xf32> to vector<256x64xbf16>
      %get3A_255 = arith.constant 0 : index
      %get3A_256 = arith.constant 576 : index
      %get3A_257 = vector.load %arg14[%get3A_255, %get3A_256] : memref<2048x1024xbf16, #tpu.memory_space<vmem>>, vector<2048x64xbf16>
      %dot_general3A_258 = arith.constant dense<0.000000e+00> : vector<256x2048xf32>
      %dot_general3A_259 = tpu.matmul %convert_element_type3A_254, %get3A_257, %dot_general3A_258 {dimension_numbers = #tpu.dot_dimension_numbers<[1], [1], [0], [0], [0, 0, 1, 0], [], []>, transpose_lhs_hint = false} : vector<256x64xbf16>, vector<2048x64xbf16>, vector<256x2048xf32> -> vector<256x2048xf32>
      %exp3A_260 = math.exp %dot_general3A_259 : vector<256x2048xf32>
      %reduce_sum3A_261 = arith.constant dense<0.000000e+00> : vector<256xf32>
      %reduce_sum3A_262 = vector.multi_reduction <add>, %exp3A_260, %reduce_sum3A_261 [1] : vector<256x2048xf32> to vector<256xf32>
      %broadcast_in_dim3A_263 = vector.shape_cast %reduce_sum3A_262 : vector<256xf32> to vector<256x1xf32>
      %convert_element_type3A_264 = arith.truncf %exp3A_260 : vector<256x2048xf32> to vector<256x2048xbf16>
      %get3A_265 = arith.constant 0 : index
      %get3A_266 = arith.constant 576 : index
      %get3A_267 = vector.load %arg15[%get3A_265, %get3A_266] : memref<2048x1024xbf16, #tpu.memory_space<vmem>>, vector<2048x64xbf16>
      %dot_general3A_268 = arith.constant dense<0.000000e+00> : vector<256x64xf32>
      %dot_general3A_269 = tpu.matmul %convert_element_type3A_264, %get3A_267, %dot_general3A_268 {dimension_numbers = #tpu.dot_dimension_numbers<[1], [0], [0], [1], [0, 0, 1, 1], [], []>, transpose_lhs_hint = false} : vector<256x2048xbf16>, vector<2048x64xbf16>, vector<256x64xf32> -> vector<256x64xf32>
      %div3A_270 = arith.constant 1.000000e+00 : f32
      %div3A_271 = vector.broadcast %div3A_270 : f32 to vector<256x1xf32>
      %div3A_272 = arith.divf %div3A_271, %broadcast_in_dim3A_263 : vector<256x1xf32>
      %mul3A_273 = vector.broadcast %div3A_272 : vector<256x1xf32> to vector<256x64xf32>
      %mul3A_274 = arith.mulf %dot_general3A_269, %mul3A_273 : vector<256x64xf32>
      %swap3A_275 = arith.constant 0 : index
      %swap3A_276 = arith.constant 576 : index
      %swap3A_277 = vector.load %arg13[%swap3A_275, %swap3A_276] : memref<256x1024xf32, #tpu.memory_space<vmem>>, vector<256x64xf32>
      tpu.vector_store %arg13[%swap3A_275, %swap3A_276], %mul3A_274 {strides = array<i32>} : memref<256x1024xf32, #tpu.memory_space<vmem>>, vector<256x64xf32>,
      %slice3A_278 = vector.extract_strided_slice %mul3A_33 {offsets = [0, 640], sizes = [256, 64], strides = [1, 1]} : vector<256x1024xf32> to vector<256x64xf32>
      %convert_element_type3A_279 = arith.truncf %slice3A_278 : vector<256x64xf32> to vector<256x64xbf16>
      %get3A_280 = arith.constant 0 : index
      %get3A_281 = arith.constant 640 : index
      %get3A_282 = vector.load %arg14[%get3A_280, %get3A_281] : memref<2048x1024xbf16, #tpu.memory_space<vmem>>, vector<2048x64xbf16>
      %dot_general3A_283 = arith.constant dense<0.000000e+00> : vector<256x2048xf32>
      %dot_general3A_284 = tpu.matmul %convert_element_type3A_279, %get3A_282, %dot_general3A_283 {dimension_numbers = #tpu.dot_dimension_numbers<[1], [1], [0], [0], [0, 0, 1, 0], [], []>, transpose_lhs_hint = false} : vector<256x64xbf16>, vector<2048x64xbf16>, vector<256x2048xf32> -> vector<256x2048xf32>
      %exp3A_285 = math.exp %dot_general3A_284 : vector<256x2048xf32>
      %reduce_sum3A_286 = arith.constant dense<0.000000e+00> : vector<256xf32>
      %reduce_sum3A_287 = vector.multi_reduction <add>, %exp3A_285, %reduce_sum3A_286 [1] : vector<256x2048xf32> to vector<256xf32>
      %broadcast_in_dim3A_288 = vector.shape_cast %reduce_sum3A_287 : vector<256xf32> to vector<256x1xf32>
      %convert_element_type3A_289 = arith.truncf %exp3A_285 : vector<256x2048xf32> to vector<256x2048xbf16>
      %get3A_290 = arith.constant 0 : index
      %get3A_291 = arith.constant 640 : index
      %get3A_292 = vector.load %arg15[%get3A_290, %get3A_291] : memref<2048x1024xbf16, #tpu.memory_space<vmem>>, vector<2048x64xbf16>
      %dot_general3A_293 = arith.constant dense<0.000000e+00> : vector<256x64xf32>
      %dot_general3A_294 = tpu.matmul %convert_element_type3A_289, %get3A_292, %dot_general3A_293 {dimension_numbers = #tpu.dot_dimension_numbers<[1], [0], [0], [1], [0, 0, 1, 1], [], []>, transpose_lhs_hint = false} : vector<256x2048xbf16>, vector<2048x64xbf16>, vector<256x64xf32> -> vector<256x64xf32>
      %div3A_295 = arith.constant 1.000000e+00 : f32
      %div3A_296 = vector.broadcast %div3A_295 : f32 to vector<256x1xf32>
      %div3A_297 = arith.divf %div3A_296, %broadcast_in_dim3A_288 : vector<256x1xf32>
      %mul3A_298 = vector.broadcast %div3A_297 : vector<256x1xf32> to vector<256x64xf32>
      %mul3A_299 = arith.mulf %dot_general3A_294, %mul3A_298 : vector<256x64xf32>
      %swap3A_300 = arith.constant 0 : index
      %swap3A_301 = arith.constant 640 : index
      %swap3A_302 = vector.load %arg13[%swap3A_300, %swap3A_301] : memref<256x1024xf32, #tpu.memory_space<vmem>>, vector<256x64xf32>
      tpu.vector_store %arg13[%swap3A_300, %swap3A_301], %mul3A_299 {strides = array<i32>} : memref<256x1024xf32, #tpu.memory_space<vmem>>, vector<256x64xf32>,
      %slice3A_303 = vector.extract_strided_slice %mul3A_33 {offsets = [0, 704], sizes = [256, 64], strides = [1, 1]} : vector<256x1024xf32> to vector<256x64xf32>
      %convert_element_type3A_304 = arith.truncf %slice3A_303 : vector<256x64xf32> to vector<256x64xbf16>
      %get3A_305 = arith.constant 0 : index
      %get3A_306 = arith.constant 704 : index
      %get3A_307 = vector.load %arg14[%get3A_305, %get3A_306] : memref<2048x1024xbf16, #tpu.memory_space<vmem>>, vector<2048x64xbf16>
      %dot_general3A_308 = arith.constant dense<0.000000e+00> : vector<256x2048xf32>
      %dot_general3A_309 = tpu.matmul %convert_element_type3A_304, %get3A_307, %dot_general3A_308 {dimension_numbers = #tpu.dot_dimension_numbers<[1], [1], [0], [0], [0, 0, 1, 0], [], []>, transpose_lhs_hint = false} : vector<256x64xbf16>, vector<2048x64xbf16>, vector<256x2048xf32> -> vector<256x2048xf32>
      %exp3A_310 = math.exp %dot_general3A_309 : vector<256x2048xf32>
      %reduce_sum3A_311 = arith.constant dense<0.000000e+00> : vector<256xf32>
      %reduce_sum3A_312 = vector.multi_reduction <add>, %exp3A_310, %reduce_sum3A_311 [1] : vector<256x2048xf32> to vector<256xf32>
      %broadcast_in_dim3A_313 = vector.shape_cast %reduce_sum3A_312 : vector<256xf32> to vector<256x1xf32>
      %convert_element_type3A_314 = arith.truncf %exp3A_310 : vector<256x2048xf32> to vector<256x2048xbf16>
      %get3A_315 = arith.constant 0 : index
      %get3A_316 = arith.constant 704 : index
      %get3A_317 = vector.load %arg15[%get3A_315, %get3A_316] : memref<2048x1024xbf16, #tpu.memory_space<vmem>>, vector<2048x64xbf16>
      %dot_general3A_318 = arith.constant dense<0.000000e+00> : vector<256x64xf32>
      %dot_general3A_319 = tpu.matmul %convert_element_type3A_314, %get3A_317, %dot_general3A_318 {dimension_numbers = #tpu.dot_dimension_numbers<[1], [0], [0], [1], [0, 0, 1, 1], [], []>, transpose_lhs_hint = false} : vector<256x2048xbf16>, vector<2048x64xbf16>, vector<256x64xf32> -> vector<256x64xf32>
      %div3A_320 = arith.constant 1.000000e+00 : f32
      %div3A_321 = vector.broadcast %div3A_320 : f32 to vector<256x1xf32>
      %div3A_322 = arith.divf %div3A_321, %broadcast_in_dim3A_313 : vector<256x1xf32>
      %mul3A_323 = vector.broadcast %div3A_322 : vector<256x1xf32> to vector<256x64xf32>
      %mul3A_324 = arith.mulf %dot_general3A_319, %mul3A_323 : vector<256x64xf32>
      %swap3A_325 = arith.constant 0 : index
      %swap3A_326 = arith.constant 704 : index
      %swap3A_327 = vector.load %arg13[%swap3A_325, %swap3A_326] : memref<256x1024xf32, #tpu.memory_space<vmem>>, vector<256x64xf32>
      tpu.vector_store %arg13[%swap3A_325, %swap3A_326], %mul3A_324 {strides = array<i32>} : memref<256x1024xf32, #tpu.memory_space<vmem>>, vector<256x64xf32>,
      %slice3A_328 = vector.extract_strided_slice %mul3A_33 {offsets = [0, 768], sizes = [256, 64], strides = [1, 1]} : vector<256x1024xf32> to vector<256x64xf32>
      %convert_element_type3A_329 = arith.truncf %slice3A_328 : vector<256x64xf32> to vector<256x64xbf16>
      %get3A_330 = arith.constant 0 : index
      %get3A_331 = arith.constant 768 : index
      %get3A_332 = vector.load %arg14[%get3A_330, %get3A_331] : memref<2048x1024xbf16, #tpu.memory_space<vmem>>, vector<2048x64xbf16>
      %dot_general3A_333 = arith.constant dense<0.000000e+00> : vector<256x2048xf32>
      %dot_general3A_334 = tpu.matmul %convert_element_type3A_329, %get3A_332, %dot_general3A_333 {dimension_numbers = #tpu.dot_dimension_numbers<[1], [1], [0], [0], [0, 0, 1, 0], [], []>, transpose_lhs_hint = false} : vector<256x64xbf16>, vector<2048x64xbf16>, vector<256x2048xf32> -> vector<256x2048xf32>
      %exp3A_335 = math.exp %dot_general3A_334 : vector<256x2048xf32>
      %reduce_sum3A_336 = arith.constant dense<0.000000e+00> : vector<256xf32>
      %reduce_sum3A_337 = vector.multi_reduction <add>, %exp3A_335, %reduce_sum3A_336 [1] : vector<256x2048xf32> to vector<256xf32>
      %broadcast_in_dim3A_338 = vector.shape_cast %reduce_sum3A_337 : vector<256xf32> to vector<256x1xf32>
      %convert_element_type3A_339 = arith.truncf %exp3A_335 : vector<256x2048xf32> to vector<256x2048xbf16>
      %get3A_340 = arith.constant 0 : index
      %get3A_341 = arith.constant 768 : index
      %get3A_342 = vector.load %arg15[%get3A_340, %get3A_341] : memref<2048x1024xbf16, #tpu.memory_space<vmem>>, vector<2048x64xbf16>
      %dot_general3A_343 = arith.constant dense<0.000000e+00> : vector<256x64xf32>
      %dot_general3A_344 = tpu.matmul %convert_element_type3A_339, %get3A_342, %dot_general3A_343 {dimension_numbers = #tpu.dot_dimension_numbers<[1], [0], [0], [1], [0, 0, 1, 1], [], []>, transpose_lhs_hint = false} : vector<256x2048xbf16>, vector<2048x64xbf16>, vector<256x64xf32> -> vector<256x64xf32>
      %div3A_345 = arith.constant 1.000000e+00 : f32
      %div3A_346 = vector.broadcast %div3A_345 : f32 to vector<256x1xf32>
      %div3A_347 = arith.divf %div3A_346, %broadcast_in_dim3A_338 : vector<256x1xf32>
      %mul3A_348 = vector.broadcast %div3A_347 : vector<256x1xf32> to vector<256x64xf32>
      %mul3A_349 = arith.mulf %dot_general3A_344, %mul3A_348 : vector<256x64xf32>
      %swap3A_350 = arith.constant 0 : index
      %swap3A_351 = arith.constant 768 : index
      %swap3A_352 = vector.load %arg13[%swap3A_350, %swap3A_351] : memref<256x1024xf32, #tpu.memory_space<vmem>>, vector<256x64xf32>
      tpu.vector_store %arg13[%swap3A_350, %swap3A_351], %mul3A_349 {strides = array<i32>} : memref<256x1024xf32, #tpu.memory_space<vmem>>, vector<256x64xf32>,
      %slice3A_353 = vector.extract_strided_slice %mul3A_33 {offsets = [0, 832], sizes = [256, 64], strides = [1, 1]} : vector<256x1024xf32> to vector<256x64xf32>
      %convert_element_type3A_354 = arith.truncf %slice3A_353 : vector<256x64xf32> to vector<256x64xbf16>
      %get3A_355 = arith.constant 0 : index
      %get3A_356 = arith.constant 832 : index
      %get3A_357 = vector.load %arg14[%get3A_355, %get3A_356] : memref<2048x1024xbf16, #tpu.memory_space<vmem>>, vector<2048x64xbf16>
      %dot_general3A_358 = arith.constant dense<0.000000e+00> : vector<256x2048xf32>
      %dot_general3A_359 = tpu.matmul %convert_element_type3A_354, %get3A_357, %dot_general3A_358 {dimension_numbers = #tpu.dot_dimension_numbers<[1], [1], [0], [0], [0, 0, 1, 0], [], []>, transpose_lhs_hint = false} : vector<256x64xbf16>, vector<2048x64xbf16>, vector<256x2048xf32> -> vector<256x2048xf32>
      %exp3A_360 = math.exp %dot_general3A_359 : vector<256x2048xf32>
      %reduce_sum3A_361 = arith.constant dense<0.000000e+00> : vector<256xf32>
      %reduce_sum3A_362 = vector.multi_reduction <add>, %exp3A_360, %reduce_sum3A_361 [1] : vector<256x2048xf32> to vector<256xf32>
      %broadcast_in_dim3A_363 = vector.shape_cast %reduce_sum3A_362 : vector<256xf32> to vector<256x1xf32>
      %convert_element_type3A_364 = arith.truncf %exp3A_360 : vector<256x2048xf32> to vector<256x2048xbf16>
      %get3A_365 = arith.constant 0 : index
      %get3A_366 = arith.constant 832 : index
      %get3A_367 = vector.load %arg15[%get3A_365, %get3A_366] : memref<2048x1024xbf16, #tpu.memory_space<vmem>>, vector<2048x64xbf16>
      %dot_general3A_368 = arith.constant dense<0.000000e+00> : vector<256x64xf32>
      %dot_general3A_369 = tpu.matmul %convert_element_type3A_364, %get3A_367, %dot_general3A_368 {dimension_numbers = #tpu.dot_dimension_numbers<[1], [0], [0], [1], [0, 0, 1, 1], [], []>, transpose_lhs_hint = false} : vector<256x2048xbf16>, vector<2048x64xbf16>, vector<256x64xf32> -> vector<256x64xf32>
      %div3A_370 = arith.constant 1.000000e+00 : f32
      %div3A_371 = vector.broadcast %div3A_370 : f32 to vector<256x1xf32>
      %div3A_372 = arith.divf %div3A_371, %broadcast_in_dim3A_363 : vector<256x1xf32>
      %mul3A_373 = vector.broadcast %div3A_372 : vector<256x1xf32> to vector<256x64xf32>
      %mul3A_374 = arith.mulf %dot_general3A_369, %mul3A_373 : vector<256x64xf32>
      %swap3A_375 = arith.constant 0 : index
      %swap3A_376 = arith.constant 832 : index
      %swap3A_377 = vector.load %arg13[%swap3A_375, %swap3A_376] : memref<256x1024xf32, #tpu.memory_space<vmem>>, vector<256x64xf32>
      tpu.vector_store %arg13[%swap3A_375, %swap3A_376], %mul3A_374 {strides = array<i32>} : memref<256x1024xf32, #tpu.memory_space<vmem>>, vector<256x64xf32>,
      %slice3A_378 = vector.extract_strided_slice %mul3A_33 {offsets = [0, 896], sizes = [256, 64], strides = [1, 1]} : vector<256x1024xf32> to vector<256x64xf32>
      %convert_element_type3A_379 = arith.truncf %slice3A_378 : vector<256x64xf32> to vector<256x64xbf16>
      %get3A_380 = arith.constant 0 : index
      %get3A_381 = arith.constant 896 : index
      %get3A_382 = vector.load %arg14[%get3A_380, %get3A_381] : memref<2048x1024xbf16, #tpu.memory_space<vmem>>, vector<2048x64xbf16>
      %dot_general3A_383 = arith.constant dense<0.000000e+00> : vector<256x2048xf32>
      %dot_general3A_384 = tpu.matmul %convert_element_type3A_379, %get3A_382, %dot_general3A_383 {dimension_numbers = #tpu.dot_dimension_numbers<[1], [1], [0], [0], [0, 0, 1, 0], [], []>, transpose_lhs_hint = false} : vector<256x64xbf16>, vector<2048x64xbf16>, vector<256x2048xf32> -> vector<256x2048xf32>
      %exp3A_385 = math.exp %dot_general3A_384 : vector<256x2048xf32>
      %reduce_sum3A_386 = arith.constant dense<0.000000e+00> : vector<256xf32>
      %reduce_sum3A_387 = vector.multi_reduction <add>, %exp3A_385, %reduce_sum3A_386 [1] : vector<256x2048xf32> to vector<256xf32>
      %broadcast_in_dim3A_388 = vector.shape_cast %reduce_sum3A_387 : vector<256xf32> to vector<256x1xf32>
      %convert_element_type3A_389 = arith.truncf %exp3A_385 : vector<256x2048xf32> to vector<256x2048xbf16>
      %get3A_390 = arith.constant 0 : index
      %get3A_391 = arith.constant 896 : index
      %get3A_392 = vector.load %arg15[%get3A_390, %get3A_391] : memref<2048x1024xbf16, #tpu.memory_space<vmem>>, vector<2048x64xbf16>
      %dot_general3A_393 = arith.constant dense<0.000000e+00> : vector<256x64xf32>
      %dot_general3A_394 = tpu.matmul %convert_element_type3A_389, %get3A_392, %dot_general3A_393 {dimension_numbers = #tpu.dot_dimension_numbers<[1], [0], [0], [1], [0, 0, 1, 1], [], []>, transpose_lhs_hint = false} : vector<256x2048xbf16>, vector<2048x64xbf16>, vector<256x64xf32> -> vector<256x64xf32>
      %div3A_395 = arith.constant 1.000000e+00 : f32
      %div3A_396 = vector.broadcast %div3A_395 : f32 to vector<256x1xf32>
      %div3A_397 = arith.divf %div3A_396, %broadcast_in_dim3A_388 : vector<256x1xf32>
      %mul3A_398 = vector.broadcast %div3A_397 : vector<256x1xf32> to vector<256x64xf32>
      %mul3A_399 = arith.mulf %dot_general3A_394, %mul3A_398 : vector<256x64xf32>
      %swap3A_400 = arith.constant 0 : index
      %swap3A_401 = arith.constant 896 : index
      %swap3A_402 = vector.load %arg13[%swap3A_400, %swap3A_401] : memref<256x1024xf32, #tpu.memory_space<vmem>>, vector<256x64xf32>
      tpu.vector_store %arg13[%swap3A_400, %swap3A_401], %mul3A_399 {strides = array<i32>} : memref<256x1024xf32, #tpu.memory_space<vmem>>, vector<256x64xf32>,
      %slice3A_403 = vector.extract_strided_slice %mul3A_33 {offsets = [0, 960], sizes = [256, 64], strides = [1, 1]} : vector<256x1024xf32> to vector<256x64xf32>
      %convert_element_type3A_404 = arith.truncf %slice3A_403 : vector<256x64xf32> to vector<256x64xbf16>
      %get3A_405 = arith.constant 0 : index
      %get3A_406 = arith.constant 960 : index
      %get3A_407 = vector.load %arg14[%get3A_405, %get3A_406] : memref<2048x1024xbf16, #tpu.memory_space<vmem>>, vector<2048x64xbf16>
      %dot_general3A_408 = arith.constant dense<0.000000e+00> : vector<256x2048xf32>
      %dot_general3A_409 = tpu.matmul %convert_element_type3A_404, %get3A_407, %dot_general3A_408 {dimension_numbers = #tpu.dot_dimension_numbers<[1], [1], [0], [0], [0, 0, 1, 0], [], []>, transpose_lhs_hint = false} : vector<256x64xbf16>, vector<2048x64xbf16>, vector<256x2048xf32> -> vector<256x2048xf32>
      %exp3A_410 = math.exp %dot_general3A_409 : vector<256x2048xf32>
      %reduce_sum3A_411 = arith.constant dense<0.000000e+00> : vector<256xf32>
      %reduce_sum3A_412 = vector.multi_reduction <add>, %exp3A_410, %reduce_sum3A_411 [1] : vector<256x2048xf32> to vector<256xf32>
      %broadcast_in_dim3A_413 = vector.shape_cast %reduce_sum3A_412 : vector<256xf32> to vector<256x1xf32>
      %convert_element_type3A_414 = arith.truncf %exp3A_410 : vector<256x2048xf32> to vector<256x2048xbf16>
      %get3A_415 = arith.constant 0 : index
      %get3A_416 = arith.constant 960 : index
      %get3A_417 = vector.load %arg15[%get3A_415, %get3A_416] : memref<2048x1024xbf16, #tpu.memory_space<vmem>>, vector<2048x64xbf16>
      %dot_general3A_418 = arith.constant dense<0.000000e+00> : vector<256x64xf32>
      %dot_general3A_419 = tpu.matmul %convert_element_type3A_414, %get3A_417, %dot_general3A_418 {dimension_numbers = #tpu.dot_dimension_numbers<[1], [0], [0], [1], [0, 0, 1, 1], [], []>, transpose_lhs_hint = false} : vector<256x2048xbf16>, vector<2048x64xbf16>, vector<256x64xf32> -> vector<256x64xf32>
      %div3A_420 = arith.constant 1.000000e+00 : f32
      %div3A_421 = vector.broadcast %div3A_420 : f32 to vector<256x1xf32>
      %div3A_422 = arith.divf %div3A_421, %broadcast_in_dim3A_413 : vector<256x1xf32>
      %mul3A_423 = vector.broadcast %div3A_422 : vector<256x1xf32> to vector<256x64xf32>
      %mul3A_424 = arith.mulf %dot_general3A_419, %mul3A_423 : vector<256x64xf32>
      %swap3A_425 = arith.constant 0 : index
      %swap3A_426 = arith.constant 960 : index
      %swap3A_427 = vector.load %arg13[%swap3A_425, %swap3A_426] : memref<256x1024xf32, #tpu.memory_space<vmem>>, vector<256x64xf32>
      tpu.vector_store %arg13[%swap3A_425, %swap3A_426], %mul3A_424 {strides = array<i32>} : memref<256x1024xf32, #tpu.memory_space<vmem>>, vector<256x64xf32>,
      %get3A_428 = arith.constant 0 : index
      %get3A_429 = arith.constant 0 : index
      %get3A_430 = arith.constant 0 : index
      %get3A_431 = vector.load %arg6[%get3A_428, %get3A_429, %get3A_430] : memref<1x1024x1024xf32, #tpu.memory_space<vmem>>, vector<1x1024x1024xf32>
      %get3A_432 = vector.shape_cast %get3A_431 : vector<1x1024x1024xf32> to vector<1024x1024xf32>
      %convert_element_type3A_433 = arith.truncf %get3A_432 : vector<1024x1024xf32> to vector<1024x1024xbf16>
      %get3A_434 = arith.constant 0 : index
      %get3A_435 = arith.constant 0 : index
      %get3A_436 = vector.load %arg13[%get3A_434, %get3A_435] : memref<256x1024xf32, #tpu.memory_space<vmem>>, vector<256x1024xf32>
      %convert_element_type3A_437 = arith.truncf %get3A_436 : vector<256x1024xf32> to vector<256x1024xbf16>
      %dot_general3A_438 = arith.constant dense<0.000000e+00> : vector<256x1024xf32>
      %dot_general3A_439 = tpu.matmul %convert_element_type3A_437, %convert_element_type3A_433, %dot_general3A_438 {dimension_numbers = #tpu.dot_dimension_numbers<[1], [0], [0], [1], [0, 0, 1, 1], [], []>, transpose_lhs_hint = false} : vector<256x1024xbf16>, vector<1024x1024xbf16>, vector<256x1024xf32> -> vector<256x1024xf32>
      %get3A_440 = arith.constant 0 : index
      %get3A_441 = arith.constant 0 : index
      %get3A_442 = arith.constant 0 : index
      %get3A_443 = vector.load %arg7[%get3A_440, %get3A_441, %get3A_442] : memref<1x1x1024xf32, #tpu.memory_space<vmem>>, vector<1x1x1024xf32>
      %get3A_444 = vector.shape_cast %get3A_443 : vector<1x1x1024xf32> to vector<1x1024xf32>
      %add3A_445 = vector.broadcast %get3A_444 : vector<1x1024xf32> to vector<256x1024xf32>
      %add3A_446 = arith.addf %dot_general3A_439, %add3A_445 : vector<256x1024xf32>
      %swap3A_447 = arith.constant 0 : index
      %swap3A_448 = arith.constant 0 : index
      %swap3A_449 = vector.load %arg12[%swap3A_447, %swap3A_448] : memref<256x1024xf32, #tpu.memory_space<vmem>>, vector<256x1024xf32>
      tpu.vector_store %arg12[%swap3A_447, %swap3A_448], %add3A_446 {strides = array<i32>} : memref<256x1024xf32, #tpu.memory_space<vmem>>, vector<256x1024xf32>,
    } else {
    }
    return
  }
  func.func @transform_0(%arg0: i32, %arg1: memref<24x2xi32, #tpu.memory_space<smem>>) -> (i32, i32) {
    %c0_i32 = arith.constant 0 : i32
    %c0_i32_0 = arith.constant 0 : i32
    return %arg0, %c0_i32 : i32, i32
  }
  func.func @transform_1(%arg0: i32, %arg1: memref<24x2xi32, #tpu.memory_space<smem>>) -> (i32, i32) {
    %c0_i32 = arith.constant 0 : i32
    %c0_i32_0 = arith.constant 0 : i32
    %c0_i32_1 = arith.constant 0 : i32
    return %c0_i32, %c0_i32_0 : i32, i32
  }
  func.func @transform_2(%arg0: i32, %arg1: memref<24x2xi32, #tpu.memory_space<smem>>) -> (i32, i32, i32) {
    %get3A = arith.index_cast %arg0 : i32 to index
    %get3A_0 = arith.constant 0 : index
    %get3A_1 = memref.load %arg1[%get3A, %get3A_0] : memref<24x2xi32, #tpu.memory_space<smem>>
    %c0_i32 = arith.constant 0 : i32
    %c0_i32_2 = arith.constant 0 : i32
    %c0_i32_3 = arith.constant 0 : i32
    return %get3A_1, %c0_i32, %c0_i32_2 : i32, i32, i32
  }
  func.func @transform_3(%arg0: i32, %arg1: memref<24x2xi32, #tpu.memory_space<smem>>) -> (i32, i32, i32) {
    %get3A = arith.index_cast %arg0 : i32 to index
    %get3A_0 = arith.constant 0 : index
    %get3A_1 = memref.load %arg1[%get3A, %get3A_0] : memref<24x2xi32, #tpu.memory_space<smem>>
    %c0_i32 = arith.constant 0 : i32
    %c0_i32_2 = arith.constant 0 : i32
    %c0_i32_3 = arith.constant 0 : i32
    return %get3A_1, %c0_i32, %c0_i32_2 : i32, i32, i32
  }
  func.func @transform_4(%arg0: i32, %arg1: memref<24x2xi32, #tpu.memory_space<smem>>) -> (i32, i32, i32) {
    %get3A = arith.index_cast %arg0 : i32 to index
    %get3A_0 = arith.constant 0 : index
    %get3A_1 = memref.load %arg1[%get3A, %get3A_0] : memref<24x2xi32, #tpu.memory_space<smem>>
    %c0_i32 = arith.constant 0 : i32
    %c0_i32_2 = arith.constant 0 : i32
    %c0_i32_3 = arith.constant 0 : i32
    return %get3A_1, %c0_i32, %c0_i32_2 : i32, i32, i32
  }
  func.func @transform_5(%arg0: i32, %arg1: memref<24x2xi32, #tpu.memory_space<smem>>) -> (i32, i32, i32) {
    %get3A = arith.index_cast %arg0 : i32 to index
    %get3A_0 = arith.constant 0 : index
    %get3A_1 = memref.load %arg1[%get3A, %get3A_0] : memref<24x2xi32, #tpu.memory_space<smem>>
    %c0_i32 = arith.constant 0 : i32
    %c0_i32_2 = arith.constant 0 : i32
    %c0_i32_3 = arith.constant 0 : i32
    return %get3A_1, %c0_i32, %c0_i32_2 : i32, i32, i32
  }
  func.func @transform_6(%arg0: i32, %arg1: memref<24x2xi32, #tpu.memory_space<smem>>) -> (i32, i32, i32) {
    %get3A = arith.index_cast %arg0 : i32 to index
    %get3A_0 = arith.constant 0 : index
    %get3A_1 = memref.load %arg1[%get3A, %get3A_0] : memref<24x2xi32, #tpu.memory_space<smem>>
    %c0_i32 = arith.constant 0 : i32
    %c0_i32_2 = arith.constant 0 : i32
    %c0_i32_3 = arith.constant 0 : i32
    return %get3A_1, %c0_i32, %c0_i32_2 : i32, i32, i32
  }
  func.func @transform_7(%arg0: i32, %arg1: memref<24x2xi32, #tpu.memory_space<smem>>) -> (i32, i32, i32) {
    %get3A = arith.index_cast %arg0 : i32 to index
    %get3A_0 = arith.constant 0 : index
    %get3A_1 = memref.load %arg1[%get3A, %get3A_0] : memref<24x2xi32, #tpu.memory_space<smem>>
    %c0_i32 = arith.constant 0 : i32
    %c0_i32_2 = arith.constant 0 : i32
    %c0_i32_3 = arith.constant 0 : i32
    return %get3A_1, %c0_i32, %c0_i32_2 : i32, i32, i32
  }
  func.func @transform_8(%arg0: i32, %arg1: memref<24x2xi32, #tpu.memory_space<smem>>) -> (i32, i32, i32) {
    %get3A = arith.index_cast %arg0 : i32 to index
    %get3A_0 = arith.constant 0 : index
    %get3A_1 = memref.load %arg1[%get3A, %get3A_0] : memref<24x2xi32, #tpu.memory_space<smem>>
    %c0_i32 = arith.constant 0 : i32
    %c0_i32_2 = arith.constant 0 : i32
    %c0_i32_3 = arith.constant 0 : i32
    return %get3A_1, %c0_i32, %c0_i32_2 : i32, i32, i32
  }
  func.func @transform_9(%arg0: i32, %arg1: memref<24x2xi32, #tpu.memory_space<smem>>) -> (i32, i32, i32) {
    %get3A = arith.index_cast %arg0 : i32 to index
    %get3A_0 = arith.constant 0 : index
    %get3A_1 = memref.load %arg1[%get3A, %get3A_0] : memref<24x2xi32, #tpu.memory_space<smem>>
    %c0_i32 = arith.constant 0 : i32
    %c0_i32_2 = arith.constant 0 : i32
    %c0_i32_3 = arith.constant 0 : i32
    return %get3A_1, %c0_i32, %c0_i32_2 : i32, i32, i32
  }
  func.func @transform_10(%arg0: i32, %arg1: memref<24x2xi32, #tpu.memory_space<smem>>) -> (i32, i32) {
    %c0_i32 = arith.constant 0 : i32
    %c0_i32_0 = arith.constant 0 : i32
    return %arg0, %c0_i32 : i32, i32
  }
}

</mosaic_0001>

<sc_bundles>
// kernel: gather_offload_async_start
scs
__scs_entry_jumppad:
0x0: {  	(pc) =	sbr.rel $0x88, $3  }
0x1: {  	(tag) =	ssettag $0x0;
	lr =	simm.s32 $0x1  }
0x2: {  	[smem:$0x3F92] =	sst lr;
	_ =	strace $0xD0000000  }
0x3: {  	_ = 	snop  }
0x4: {  	_ = 	snop  }
0x5: {  	_ = 	snop  }
0x6: {  	_ = 	snop  }
0x7: {  	_ = 	snop  }
__scs_overlays_trampoline_lowered:
0x8: {  	[smem:$0x3FA1] =	sst s0  }
0x9: {  	[smem:$0x3FA2] =	sst s1  }
0xa: {  	[smem:$0x3FA3] =	sst s2  }
0xb: {  	[smem:$0x3FA4] =	sst s3  }
0xc: {  	[smem:$0x3FA5] =	sst s4  }
0xd: {  	[smem:$0x3FA6] =	sst s5  }
0xe: {  	[smem:$0x3FA7] =	sst s6  }
0xf: {  	[smem:$0x3FA8] =	sst s7  }
0x10: {  	[smem:$0x3FA9] =	sst s8  }
0x11: {  	[smem:$0x3FAA] =	sst s9;
	s0 =	simm.s32 @!p0 $0x0  }
0x12: {  	s1 =	sld [smem:$0x3F90];
	s0 =	simm.s32 @p0 $0x1  }
0x13: {  	[smem:$0x3FAB] =	sst s0;
	s0 =	simm.s32 @!p1 $0x0  }
0x14: {  	s2 =	sld [smem:$0x3F8F];
	s0 =	simm.s32 @p1 $0x1  }
0x15: {  	[smem:$0x3FAC] =	sst s0;
	s0 =	simm.s32 @!p2 $0x0  }
0x16: {  	s3 =	sld [smem:$0x3FDB];
	s0 =	simm.s32 @p2 $0x1  }
0x17: {  	s4 =	simm.s32 $0x1BF5;
	[smem:$0x3FAE] =	sst s0  }
0x18: {  	s0 =	sld [smem:$0x3F91];
	_ =	swait.ge [sflag:s4], $0x0  }
0x19: {  	s7 =	sld [smem:$0x3F92]  }
0x1a: {  	s8 =	sadd.s32 $0xFFFFE003, lr  }
0x1b: {  	s9 =	sadd.s32 $0xFFFFFEF7, lr;
	s5 =	simm.s32 $0xFFFFFFFF;
	p2 =	slt.u32 s8, $0xFFFFF086  }
0x1c: {  	p1 =	slt.u32 s9, $0xF7A;
	s5 =	simm.s32 @!p2 $0x0  }
0x1d: {  	s5 =	simm.s32 @p1 $0x1;
	p0 =	seq.s32 s7, s2  }
0x1e: {  	s7 =	smul.u32 @!p0 $0xF7A, s2;
	p2 =	seq.s32 @!p0 s5, $0x0  }
0x1f: {  	s9 =	smul.u32 $0xF7A, s1;
	s8 =	simm.s32 @!p0 $0x1BF5;
	p2 =	por !p2, p0  }
0x20: {  	[sflag:s8] =	ssyncset.s32 @!p0 $0xFFFFF086;
	s6 =	sadd.s32 @!p0 s3, s7;
	s7 =	simm.s32 @!p0 $0x108  }
0x21: {  	s3 =	sadd.s32 s3, s9;
	s6 =	sadd.s32 @!p0 $0x88, s6;
	s7 =	simm.s32 @p2 $0x1082  }
0x22: {  	[simem:s7], [sflag:s8] =	dma.local @!p0 [hbm:s6], $0xF7A  }
0x23: {  	s9 =	sor.u32 $0xD0000000, s2;
	s6 =	simm.s32 $0x108;
	_ =	swait.ge @!p0 [sflag:s8], $0x0  }
0x24: {  	s3 =	sadd.s32 $0x88, s3;
	s6 =	simm.s32 @!p1 $0x1082;
	[sflag:s4] =	ssyncset.s32 $0xFFFFF086  }
0x25: {  	[simem:s6], [sflag:s4] =	dma.local [hbm:s3], $0xF7A  }
0x26: {  	[smem:$0x3F92] =	sst s1;
	(tag) =	ssettag s2;
	_ =	strace s9  }
0x27: {  	s1 =	sld [smem:$0x3FA2]  }
0x28: {  	s2 =	sld [smem:$0x3FA3]  }
0x29: {  	s4 =	sld [smem:$0x3FA5]  }
0x2a: {  	p0 =	seq.s32 s5, $0x0;
	s5 =	sld [smem:$0x3FA6]  }
0x2b: {  	s6 =	sld [smem:$0x3FA7]  }
0x2c: {  	s7 =	sld [smem:$0x3FA8]  }
0x2d: {  	s3 =	simm.s32 $0x108;
	s8 =	sld [smem:$0x3FA9]  }
0x2e: {  	s3 =	simm.s32 @!p0 $0x1082;
	s9 =	sld [smem:$0x3FAA]  }
0x2f: {  	lr =	sadd.s32 s0, s3;
	s0 =	sld [smem:$0x3FA1]  }
0x30: {  	s3 =	sld [smem:$0x3FA4]  }
0x31: {  	[smem:$0x3FAD] =	sst s10  }
0x32: {  	s10 =	sld [smem:$0x3FAB];
	_ =	sdelay $0x3  }
0x33: {  	p0 =	seq.s32 s10, $0x1;
	s10 =	sld [smem:$0x3FAD];
	_ =	sdelay $0x3  }
0x34: {  	[smem:$0x3FAD] =	sst s10  }
0x35: {  	s10 =	sld [smem:$0x3FAC];
	_ =	sdelay $0x3  }
0x36: {  	p1 =	seq.s32 s10, $0x1;
	s10 =	sld [smem:$0x3FAD];
	_ =	sdelay $0x3  }
0x37: {  	[smem:$0x3FAD] =	sst s10  }
0x38: {  	s10 =	sld [smem:$0x3FAE]  }
0x39: {  	_ = 	snop;
	(pc) =	sbr.ind lr, $3  }
0x3a: {  	_ = 	snop  }
0x3b: {  	_ = 	snop  }
0x3c: {  	p2 =	seq.s32 s10, $0x1;
	s10 =	sld [smem:$0x3FAD]  }
0x3d: {  	_ =	shalt  }
0x3e: {  	_ =	shalt  }
0x3f: {  	_ =	shalt  }
0x40: {  	_ =	shalt  }
0x41: {  	_ =	shalt  }
0x42: {  	_ =	shalt  }
0x43: {  	_ =	shalt  }
0x44: {  	_ =	shalt  }
0x45: {  	_ =	shalt  }
0x46: {  	_ =	shalt  }
0x47: {  	_ =	shalt  }
0x48: {  	_ =	shalt  }
0x49: {  	_ =	shalt  }
0x4a: {  	_ =	shalt  }
0x4b: {  	_ =	shalt  }
0x4c: {  	_ =	shalt  }
0x4d: {  	_ =	shalt  }
0x4e: {  	_ =	shalt  }
0x4f: {  	_ =	shalt  }
0x50: {  	_ =	shalt  }
0x51: {  	_ =	shalt  }
0x52: {  	_ =	shalt  }
0x53: {  	_ =	shalt  }
0x54: {  	_ =	shalt  }
0x55: {  	_ =	shalt  }
0x56: {  	_ =	shalt  }
0x57: {  	_ =	shalt  }
0x58: {  	_ =	shalt  }
0x59: {  	_ =	shalt  }
0x5a: {  	_ =	shalt  }
0x5b: {  	_ =	shalt  }
0x5c: {  	_ =	shalt  }
0x5d: {  	_ =	shalt  }
0x5e: {  	_ =	shalt  }
0x5f: {  	_ =	shalt  }
0x60: {  	_ =	shalt  }
0x61: {  	_ =	shalt  }
0x62: {  	_ =	shalt  }
0x63: {  	_ =	shalt  }
0x64: {  	_ =	shalt  }
0x65: {  	_ =	shalt  }
0x66: {  	_ =	shalt  }
0x67: {  	_ =	shalt  }
0x68: {  	_ =	shalt  }
0x69: {  	_ =	shalt  }
0x6a: {  	_ =	shalt  }
0x6b: {  	_ =	shalt  }
0x6c: {  	_ =	shalt  }
0x6d: {  	_ =	shalt  }
0x6e: {  	_ =	shalt  }
0x6f: {  	_ =	shalt  }
0x70: {  	_ =	shalt  }
0x71: {  	_ =	shalt  }
0x72: {  	_ =	shalt  }
0x73: {  	_ =	shalt  }
0x74: {  	_ =	shalt  }
0x75: {  	_ =	shalt  }
0x76: {  	_ =	shalt  }
0x77: {  	_ =	shalt  }
0x78: {  	_ =	shalt  }
0x79: {  	_ =	shalt  }
0x7a: {  	_ =	shalt  }
0x7b: {  	_ =	shalt  }
0x7c: {  	_ =	shalt  }
0x7d: {  	_ =	shalt  }
0x7e: {  	_ =	shalt  }
0x7f: {  	_ =	shalt  }
0x80: {  	_ =	shalt  }
0x81: {  	_ =	shalt  }
0x82: {  	_ =	shalt  }
0x83: {  	_ =	shalt  }
0x84: {  	_ =	shalt  }
0x85: {  	_ =	shalt  }
0x86: {  	_ =	shalt  }
0x87: {  	_ =	shalt  }
.Lfunc_end0:
.L_simem_size_0:
called_computation_lowered:
.L_overlay_start_0:
0x88: {  	s2 =	sld [smem:$0x3FD9]  }
0x89: {  	s3 =	sld [smem:$0x3FFE];
	_ =	sdelay $0x1  }
0x8a: {  	s1 =	srdreg.scid  }
0x8b: {  	s0 =	sand.u32 $0x1, s1  }
0x8c: {  	s17 =	sshll.u32 s0, $0xA;
	s2 =	sadd.s32 s3, s2  }
0x8d: {  	s2 =	sadd.s32 s2, s17  }
0x8e: {  	[smem:$0x3FB9] =	sst s2  }
0x8f: {  	_ = 	snop  }
0x90: {  	s2 =	sld [smem:$0x3FD0];
	(tm) =	ssettm $0x1  }
0x91: {  	s18 =	sld [smem:$0x3FFB];
	_ =	sdelay $0x3  }
0x92: {  	_ =	strace s18  }
0x93: {  	s3 =	sld [smem:$0x3FFC];
	_ =	sdelay $0x3  }
0x94: {  	_ =	strace s3  }
0x95: {  	s3 =	sld [smem:$0x3FFD];
	_ =	sdelay $0x3  }
0x96: {  	_ =	strace s3  }
0x97: {  	_ =	strace $0x8FFFFFFF  }
0x98: {  	s19 =	sld [smem:$0x3FDB];
	_ =	sdelay $0x1  }
0x99: {  	s4 =	simm.s32 $_scs_section_size  }
0x9a: {  	s5 =	simm.s32 $_size__tile_overlayer_lowered;
	s6 =	simm.s32 $_tile_overlayer_lowered  }
0x9b: {  	s22 =	simm.s32 $0x1BFF;
	s21 =	sshll.u32 s6, $0x1;
	s3 =	sadd.s32 s4, s19  }
0x9c: {  	s7 =	simm.s32 $0x0;
	s20 =	sshll.u32 s5, $0x1;
	s5 =	sadd.s32 s21, s3  }
0x9d: {  	[timem:s7], [sflag:s22] =	dma.local [hbm:s5], s20  }
0x9e: {  	_ =	swait.ge [sflag:s22], s20  }
0x9f: {  	s4 =	ssub.s32 $0x0, s20;
	[sflag:s22] =	ssyncset.done $0x0  }
0xa0: {  	[sflag:s22] =	ssyncadd.s32 s4;
	_ =	sdelay $0x1  }
0xa1: {  	s23 =	simm.s32 $0x1B8B  }
0xa2: {  	_ =	swait.ge [sflag:s23], $0x1  }
0xa3: {  	[sflag:s23] =	ssyncset.done $0x0  }
0xa4: {  	s25 =	simm.s32 $0x1B8E;
	s24 =	sld [smem:$0x3FFE];
	[sflag:s23] =	ssyncadd.s32 $0xFFFFFFFF  }
0xa5: {  	s26 =	simm.s32 $execute0_lowered;
	[smem:$0x3FD2] =	sst s25  }
0xa6: {  	s5 =	sshll.u32 s26, $0x1;
	_ =	strace $0x80000046;
	[dreg:$0x1] =	wrdreg $0xFFFFFFFF  }
0xa7: {  	s28 =	simm.s32 $_size_execute0_lowered;
	s3 =	sadd.s32 s3, s5;
	[dreg:$0x0] =	wrdreg $0x0  }
0xa8: {  	s5 =	sshll.u32 s28, $0x1;
	[dreg:$0x2] =	wrdreg s3  }
0xa9: {  	[dreg:$0x3] =	wrdreg s5  }
0xaa: {  	[dreg:$0x4] =	wrdreg $0xC0  }
0xab: {  	_ =	task [dreg:s7], $0x5FFFF  }
0xac: {  	[dreg:$0x1] =	wrdreg $0xFFFFFFFF  }
0xad: {  	[dreg:$0x0] =	wrdreg $0x60  }
0xae: {  	[dreg:$0x2] =	wrdreg s2  }
0xaf: {  	[dreg:$0x3] =	wrdreg s24  }
0xb0: {  	[dreg:$0x4] =	wrdreg $0x9  }
0xb1: {  	_ =	task.clear_ibuf [dreg:s7], $0x5FFFF;
	_ =	strace $0x90000046  }
0xb2: {  	s29 =	simm.s32 $0x9;
	_ =	strace $0x80000048  }
0xb3: {  	_ =	swait.ge [sflag:s29], $0x1  }
0xb4: {  	[sflag:s29] =	ssyncadd.s32 $0xFFFFFFFF  }
0xb5: {  	_ =	strace $0x90000048  }
0xb6: {  	_ =	sfence  }
0xb7: {  	s30 =	sld [smem:$0x0];
	_ =	sdelay $0x2  }
0xb8: {  	s31 =	sshll.u32 s1, $0xD;
	s1 =	sshrl.u32 s1, $0x2  }
0xb9: {  	s3 =	sand.u32 $0x4000, s31;
	s1 =	sadd.s32 s1, s30  }
0xba: {  	s0 =	sor.u32 s3, s0;
	s1 =	sshll.u32 s1, $0x11  }
0xbb: {  	s0 =	sor.u32 s1, s0  }
0xbc: {  	s0 =	sadd.s32 $0x8F2B, s0  }
0xbd: {  	[sflag:s0] =	ssyncadd.remote.s32 $0x1  }
0xbe: {  	_ =	sfence.sel $0xFFFF  }
0xbf: {  	[dreg:$0x0] =	wrdreg $0xFFFFFFFF;
	(pc) =	sbr.abs _section_cstart, $3  }
0xc0: {  	[dreg:$0x1] =	wrdreg $0xFFFFFFFF  }
0xc1: {  	_ =	task.clear_ibuf [dreg:s7], $0x2FFFF;
	_ =	strace $0x9FFFFFFF  }
0xc2: {  	(tm) =	ssettm $0x7FFFFFFF  }
0xc3: {  	_ =	shalt  }
tec
execute0_lowered:
.L_overlay_start_1:
0x0: {  	(tag) =	ssettag $0x1  }
0x1: {  	s1 =	srdreg.scid;
	s2 =	rddreg [dreg:$0x0]  }
0x2: {  	s0 =	stileid.u32;
	s5 =	rddreg [dreg:$0x1];
	s6 =	simm.s32 $0x1  }
0x3: {  	s9 =	simm.s32 $0x1;
	s10 =	simm.s32 $0x3;
	s1 =	sshll.u32 s1, $0x6  }
0x4: {  	s13 =	simm.s32 $0x0;
	s3 =	sshll.u32 s0, $0x7;
	s4 =	sand.u32 $0x40, s1  }
0x5: {  	s12 =	simm.s32 $0x0;
	s1 =	rddreg [dreg:$0x2];
	s3 =	sor.u32 s3, s4  }
0x6: {  	_ =	strace $0x80000047;
	s4 =	sadd.s32 $0x10C00, s5;
	s8 =	ssub.s32 $0x1000, s3  }
.Ltmp0:
0x7: {  	s5 =	sadd.s32 $0x10E00, s5;
	s7 =	sand.u32 $0x7C0, s8;
	(pc) =	sbr.rel .LBB2_1-.Ltmp0, $4  }
0x8: {  	[sflag:s6] =	ssyncpa.u1 $0x0;
	s11 =	smov.u32 s3;
	p0 =	sne.s32 s7, $0x0  }
0x9: {  	s8 =	sshrl.u32 s8, $0xB;
	s7 =	simm.s32 $0x2;
	s9 =	simm.s32 @!p0 $0x0  }
0xa: {  	[sflag:s7] =	ssyncpa.u1 $0x0;
	p0 =	por $0x0, $0x0;
	s8 =	sadd.s32 s9, s8  }
0xb: {  	vm0 =	vmmov $0xffff;
	[sflag:s10] =	ssyncpa.u1 $0x0;
	s10 =	simm.s32 $0x0;
	s9 =	sadd.s32 $0x1, s8  }
.LBB2_4:
0xc: {  	v5 =	vshrl.u32 v1, $0xC;
	v6 =	vshll.u32 v1, $0x7  }
0xd: {  	vm1 =	veq.s32 v1, $0x80000000;
	v58 =	vand.u32 $0x7, v5;
	v59 =	vand.u32 $0x7FF80, v6  }
0xe: {  	v1 =	vsel vm1, $0xFFFFFFFF, v58;
	v5 =	vsel vm1, $0xFFFFFF80, v59  }
0xf: {  	v3 =	vor.u32 v4, v3;
	v60 =	vand.u32 $0xFFFFFC00, v5;
	v61 =	vand.u32 $0xFFFFFC00, v1  }
0x10: {  	v2 =	vor.u32 v2, v3;
	v63 =	vand.u32 $0x380, v5;
	v62 =	vadd.s32 v61, v60  }
0x11: {  	v1 =	vand.u32 $0x7F, v1;
	v3 =	vor.u32 v63, v62  }
0x12: {  	v1 =	vor.u32 v1, v3  }
0x13: {  	[tilespmem:s15], [sflag:$0x1] =	stream.indirect_vreg.gather [hbm4b:s2+s10], $0x1, v0, vm0, $0x4038;
	[tilespmem:$0x100] =	vst v63  }
0x14: {  	(ifvalue) =	ssetifvalue $0x7FFFFFFF  }
0x15: {  	[tilespmem:s16], [sflag:$0x1] =	stream.indirect_vreg.gather [hbm4b:s2+s10], $0x1, v2, vm0, $0x4038;
	[tilespmem:$0x100] =	vst v63  }
0x16: {  	s29 =	sadd.s32 $0x10, s16;
	(ifvalue) =	ssetifvalue $0x7FFFFFFF  }
0x17: {  	[tilespmem:s29], [sflag:$0x1] =	stream.indirect_vreg.gather [hbm4b:s2+s10], $0x1, v1, vm0, $0x4038;
	[tilespmem:$0x100] =	vst v63  }
0x18: {  	_ =	swait.ge [sflag:s6], $0x40  }
0x19: {  	s30 =	sshrl.u32 s13, $0x3;
	[sflag:s6] =	ssyncset.done $0x0  }
0x1a: {  	s31 =	sand.u32 $0x7, s13;
	s15 =	sadd.s32 s5, s30;
	[sflag:s6] =	ssyncadd.s32 $0xFFFFFFC0  }
0x1b: {  	[hbm4b:s15+s31] =	stream.linear.scatter [tilespmem:s14], [sflag:$0x3], $0x40, $0x38;
	[tilespmem:$0x100] =	vst v63  }
.LBB2_5:
0x1c: {  	s15 =	sadd.s32 $0x800, s11  }
0x1d: {  	p2 =	sgt.s32 s15, $0xFFF  }
0x1e: {  	s15 =	smov.u32 @p2 s3;
	p2 =	sne.s32 s12, s9  }
.Ltmp1:
0x1f: {  	p1 =	slt.u32 s12, $0x2;
	(pc) =	sbr.rel @!p2 .LBB2_6-.Ltmp1, $4  }
0x20: {  	s14 =	simm.s32 @!p1 $0x3  }
0x21: {  	s16 =	sadd.s32 $0x1, s12;
	_ =	swait.ge @!p1 [sflag:s14], $0x40  }
0x22: {  	s13 =	smov.u32 s11;
	p0 =	por !p0, !p0;
	[sflag:s14] =	ssyncset.done @!p1 $0x0  }
0x23: {  	s12 =	smov.u32 s16;
	s11 =	smov.u32 s15;
	[sflag:s14] =	ssyncadd.s32 @!p1 $0xFFFFFFC0  }
.LBB2_1:
0x24: {  	p1 =	sge.u32 s12, s8  }
0x25: {  	s14 =	sxor.u32 @!p1 $0xFFFFFFFF, s12  }
0x26: {  	s31 =	sadd.s32 $0xFFFFFFFF, s12;
	s15 =	sshrl.u32 @!p1 s11, $0x3;
	s14 =	sshll.u32 @!p1 s14, $0x6  }
0x27: {  	s16 =	sand.u32 @!p1 $0x7, s11;
	s15 =	sadd.s32 @!p1 s4, s15;
	s14 =	sand.u32 @!p1 $0x40, s14  }
0x28: {  	[tilespmem:s14], [sflag:$0x2] =	stream.linear.gather @!p1 [hbm4b:s15+s16], $0x40, $0x38;
	[tilespmem:$0x100] =	vst v63  }
0x29: {  	p1 =	sge.u32 s31, s8  }
.Ltmp2:
0x2a: {  	_ = 	snop;
	(pc) =	sbr.rel @p1 .LBB2_5-.Ltmp2, $1  }
0x2b: {  	_ =	sdelay $0x3  }
0x2c: {  	s14 =	simm.s32 $0x1  }
0x2d: {  	_ =	swait.ge [sflag:s7], $0x40;
	s14 =	simm.s32 @!p0 $0x0  }
0x2e: {  	[sflag:s7] =	ssyncset.done $0x0;
	s14 =	sshll.u32 s14, $0x6  }
0x2f: {  	[sflag:s7] =	ssyncadd.s32 $0xFFFFFFC0;
	(ifvalue) =	ssetifvalue $0x7FFFFFFF;
	v0 =	vld.msk [tilespmem:s14+$0x0 ss:$0x1], $0xffff;
	_ =	sdelay $0x4  }
0x30: {  	s15 =	sadd.s32 $0x10, s14;
	v2 =	vshrl.u32 v0, $0xC;
	v3 =	vshll.u32 v0, $0x7  }
0x31: {  	v1 =	vld.msk [tilespmem:s15+$0x0 ss:$0x1], $0xffff;
	vm1 =	veq.s32 v0, $0x80000000;
	v0 =	vand.u32 $0x7, v2;
	v2 =	vand.u32 $0x7FF80, v3  }
0x32: {  	v0 =	vsel vm1, $0xFFFFFFFF, v0;
	v2 =	vsel vm1, $0xFFFFFF80, v2  }
0x33: {  	v3 =	vand.u32 $0xFFFFFC00, v2;
	v4 =	vand.u32 $0xFFFFFC00, v0  }
0x34: {  	v2 =	vand.u32 $0x380, v2;
	v3 =	vadd.s32 v4, v3  }
0x35: {  	v0 =	vand.u32 $0x7F, v0;
	v2 =	vor.u32 v2, v3  }
0x36: {  	v5 =	vshll.u32 v1, $0x7;
	v4 =	vshrl.u32 v1, $0xC;
	v0 =	vor.u32 v0, v2  }
0x37: {  	s16 =	sshll.u32 s12, $0x6;
	vm1 =	veq.s32 v1, $0x80000000;
	v1 =	vand.u32 $0x7, v4;
	v4 =	vand.u32 $0x7FF80, v5  }
0x38: {  	s16 =	sand.u32 $0x40, s16;
	s18 =	sadd.s32 $0x10, s15;
	v3 =	vsel vm1, $0xFFFFFFFF, v1;
	v4 =	vsel vm1, $0xFFFFFF80, v4  }
0x39: {  	s17 =	simm.s32 $0x20;
	s15 =	sor.u32 $0x80, s14;
	s14 =	sor.u32 $0x80, s16;
	v1 =	vld.msk [tilespmem:s18+$0x0 ss:$0x1], $0xffff;
	v5 =	vand.u32 $0xFFFFFC00, v4;
	v6 =	vand.u32 $0xFFFFFC00, v3  }
0x3a: {  	s16 =	sadd.s32 $0x10, s15;
	s18 =	sadd.s32 $0x10, s18;
	(ifvalue) =	ssetifvalue $0x7FFFFFFF;
	v2 =	vand.u32 $0x7F, v3;
	v4 =	vand.u32 $0x380, v4;
	v3 =	vadd.s32 v6, v5  }
.LBB2_3:
0x3b: {  	[tilespmem:s15], [sflag:$0x1] =	stream.indirect_vreg.gather [hbm4b:s2+s10], $0x1, v0, vm0, $0x4038;
	[tilespmem:$0x100] =	vst v63  }
0x3c: {  	s17 =	sadd.s32 $0x10, s17  }
0x3d: {  	v3 =	vor.u32 v4, v3;
	p1 =	slt.u32 s17, $0x30  }
.Ltmp3:
0x3e: {  	v4 =	vshrl.u32 v1, $0xC;
	v5 =	vshll.u32 v1, $0x7;
	s15 =	smov.u32 s16;
	v0 =	vor.u32 v2, v3;
	v2 =	vmovc v1;
	v1 =	vld.msk [tilespmem:s18+$0x0 ss:$0x1], $0xffff;
	(pc) =	sbr.rel @p1 .LBB2_3-.Ltmp3, $4  }
0x3f: {  	v3 =	vand.u32 $0x7FF80, v5;
	vm1 =	veq.s32 v2, $0x80000000;
	v2 =	vand.u32 $0x7, v4  }
0x40: {  	v4 =	vsel vm1, $0xFFFFFFFF, v2;
	v5 =	vsel vm1, $0xFFFFFF80, v3  }
0x41: {  	v2 =	vand.u32 $0x7F, v4;
	v3 =	vand.u32 $0xFFFFFC00, v5;
	v4 =	vand.u32 $0xFFFFFC00, v4  }
0x42: {  	s16 =	sadd.s32 $0x10, s16;
	s18 =	sadd.s32 $0x10, s18;
	v3 =	vadd.s32 v4, v3;
	v4 =	vand.u32 $0x380, v5;
	(ifvalue) =	ssetifvalue $0x7FFFFFFF  }
.Ltmp4:
0x43: {  	_ = 	snop;
	(pc) =	sbr.rel .LBB2_4-.Ltmp4, $1  }
0x44: {  	_ =	sdelay $0x3  }
.LBB2_6:
0x45: {  	_ =	sfence.sel $0x180000  }
0x46: {  	s2 =	simm.s32 $0x2;
	[bflag:$0x0] =	sbarrier.arrive $0xFFFF  }
0x47: {  	s30 =	simm.s32 $0x3;
	[sflag:s2] =	ssyncpa.u1 $0x1  }
0x48: {  	s31 =	simm.s32 $0x1;
	[sflag:s30] =	ssyncpa.u1 $0x1  }
0x49: {  	[sflag:s31] =	ssyncpa.u1 $0x1  }
0x4a: {  	p0 =	sne.s32 s0, $0x0;
	_ =	strace $0x90000047  }
0x4b: {  	s0 =	sadd.s32 @!p0 $0x100000, s1;
	[bflag:$0x2] =	sbarrier.arrive $0xFFFF  }
0x4c: {  	[sflag:s0] =	ssyncadd.tile.s32 @!p0 $0x1;
	_ =	shalt  }
.Lfunc_end2:
_tile_overlayer_lowered:
.L_overlay_start_2:
0x4d: {  	(tag) =	ssettag $0x2  }
0x4e: {  	s0 =	rddreg [dreg:$0x0];
	s2 =	stileid.u32  }
0x4f: {  	s1 =	rddreg [dreg:$0x1];
	p0 =	sne.s32 s2, $0x0  }
0x50: {  	s3 =	rddreg [dreg:$0x2];
	[bflag:$0x3] =	sbarrier.arrive $0xFFFF;
	s2 =	simm.s32 @!p0 $0x1C01  }
0x51: {  	[timem:s3], [sflag:s2] =	dma.local @!p0 [hbm:s0], s1  }
0x52: {  	s0 =	simm.s32 @!p0 $0x1  }
0x53: {  	_ =	swait.ge @!p0 [sflag:s0], s1  }
0x54: {  	s1 =	ssub.s32 @!p0 $0x0, s1;
	[sflag:s0] =	ssyncset.done @!p0 $0x0  }
0x55: {  	[sflag:s0] =	ssyncadd.s32 @!p0 s1  }
0x56: {  	[bflag:$0x3] =	sbarrier.arrive $0xFFFF  }
0x57: {  	_ =	shalt  }

// kernel: kernel.10.cloned.1.call-start
scs
__scs_entry_jumppad:
0x0: {  	(pc) =	sbr.rel $0x88, $3  }
0x1: {  	(tag) =	ssettag $0x0;
	lr =	simm.s32 $0x1  }
0x2: {  	[smem:$0x3F92] =	sst lr;
	_ =	strace $0xD0000000  }
0x3: {  	_ = 	snop  }
0x4: {  	_ = 	snop  }
0x5: {  	_ = 	snop  }
0x6: {  	_ = 	snop  }
0x7: {  	_ = 	snop  }
__scs_overlays_trampoline_lowered:
0x8: {  	[smem:$0x3FA1] =	sst s0  }
0x9: {  	[smem:$0x3FA2] =	sst s1  }
0xa: {  	[smem:$0x3FA3] =	sst s2  }
0xb: {  	[smem:$0x3FA4] =	sst s3  }
0xc: {  	[smem:$0x3FA5] =	sst s4  }
0xd: {  	[smem:$0x3FA6] =	sst s5  }
0xe: {  	[smem:$0x3FA7] =	sst s6  }
0xf: {  	[smem:$0x3FA8] =	sst s7  }
0x10: {  	[smem:$0x3FA9] =	sst s8  }
0x11: {  	[smem:$0x3FAA] =	sst s9;
	s0 =	simm.s32 @!p0 $0x0  }
0x12: {  	s1 =	sld [smem:$0x3F90];
	s0 =	simm.s32 @p0 $0x1  }
0x13: {  	[smem:$0x3FAB] =	sst s0;
	s0 =	simm.s32 @!p1 $0x0  }
0x14: {  	s2 =	sld [smem:$0x3F8F];
	s0 =	simm.s32 @p1 $0x1  }
0x15: {  	[smem:$0x3FAC] =	sst s0;
	s0 =	simm.s32 @!p2 $0x0  }
0x16: {  	s3 =	sld [smem:$0x3FDB];
	s0 =	simm.s32 @p2 $0x1  }
0x17: {  	s4 =	simm.s32 $0x1BF5;
	[smem:$0x3FAE] =	sst s0  }
0x18: {  	s0 =	sld [smem:$0x3F91];
	_ =	swait.ge [sflag:s4], $0x0  }
0x19: {  	s7 =	sld [smem:$0x3F92]  }
0x1a: {  	s8 =	sadd.s32 $0xFFFFE003, lr  }
0x1b: {  	s9 =	sadd.s32 $0xFFFFFEF7, lr;
	s5 =	simm.s32 $0xFFFFFFFF;
	p2 =	slt.u32 s8, $0xFFFFF086  }
0x1c: {  	p1 =	slt.u32 s9, $0xF7A;
	s5 =	simm.s32 @!p2 $0x0  }
0x1d: {  	s5 =	simm.s32 @p1 $0x1;
	p0 =	seq.s32 s7, s2  }
0x1e: {  	s7 =	smul.u32 @!p0 $0xF7A, s2;
	p2 =	seq.s32 @!p0 s5, $0x0  }
0x1f: {  	s9 =	smul.u32 $0xF7A, s1;
	s8 =	simm.s32 @!p0 $0x1BF5;
	p2 =	por !p2, p0  }
0x20: {  	[sflag:s8] =	ssyncset.s32 @!p0 $0xFFFFF086;
	s6 =	sadd.s32 @!p0 s3, s7;
	s7 =	simm.s32 @!p0 $0x108  }
0x21: {  	s3 =	sadd.s32 s3, s9;
	s6 =	sadd.s32 @!p0 $0x88, s6;
	s7 =	simm.s32 @p2 $0x1082  }
0x22: {  	[simem:s7], [sflag:s8] =	dma.local @!p0 [hbm:s6], $0xF7A  }
0x23: {  	s9 =	sor.u32 $0xD0000000, s2;
	s6 =	simm.s32 $0x108;
	_ =	swait.ge @!p0 [sflag:s8], $0x0  }
0x24: {  	s3 =	sadd.s32 $0x88, s3;
	s6 =	simm.s32 @!p1 $0x1082;
	[sflag:s4] =	ssyncset.s32 $0xFFFFF086  }
0x25: {  	[simem:s6], [sflag:s4] =	dma.local [hbm:s3], $0xF7A  }
0x26: {  	[smem:$0x3F92] =	sst s1;
	(tag) =	ssettag s2;
	_ =	strace s9  }
0x27: {  	s1 =	sld [smem:$0x3FA2]  }
0x28: {  	s2 =	sld [smem:$0x3FA3]  }
0x29: {  	s4 =	sld [smem:$0x3FA5]  }
0x2a: {  	p0 =	seq.s32 s5, $0x0;
	s5 =	sld [smem:$0x3FA6]  }
0x2b: {  	s6 =	sld [smem:$0x3FA7]  }
0x2c: {  	s7 =	sld [smem:$0x3FA8]  }
0x2d: {  	s3 =	simm.s32 $0x108;
	s8 =	sld [smem:$0x3FA9]  }
0x2e: {  	s3 =	simm.s32 @!p0 $0x1082;
	s9 =	sld [smem:$0x3FAA]  }
0x2f: {  	lr =	sadd.s32 s0, s3;
	s0 =	sld [smem:$0x3FA1]  }
0x30: {  	s3 =	sld [smem:$0x3FA4]  }
0x31: {  	[smem:$0x3FAD] =	sst s10  }
0x32: {  	s10 =	sld [smem:$0x3FAB];
	_ =	sdelay $0x3  }
0x33: {  	p0 =	seq.s32 s10, $0x1;
	s10 =	sld [smem:$0x3FAD];
	_ =	sdelay $0x3  }
0x34: {  	[smem:$0x3FAD] =	sst s10  }
0x35: {  	s10 =	sld [smem:$0x3FAC];
	_ =	sdelay $0x3  }
0x36: {  	p1 =	seq.s32 s10, $0x1;
	s10 =	sld [smem:$0x3FAD];
	_ =	sdelay $0x3  }
0x37: {  	[smem:$0x3FAD] =	sst s10  }
0x38: {  	s10 =	sld [smem:$0x3FAE]  }
0x39: {  	_ = 	snop;
	(pc) =	sbr.ind lr, $3  }
0x3a: {  	_ = 	snop  }
0x3b: {  	_ = 	snop  }
0x3c: {  	p2 =	seq.s32 s10, $0x1;
	s10 =	sld [smem:$0x3FAD]  }
0x3d: {  	_ =	shalt  }
0x3e: {  	_ =	shalt  }
0x3f: {  	_ =	shalt  }
0x40: {  	_ =	shalt  }
0x41: {  	_ =	shalt  }
0x42: {  	_ =	shalt  }
0x43: {  	_ =	shalt  }
0x44: {  	_ =	shalt  }
0x45: {  	_ =	shalt  }
0x46: {  	_ =	shalt  }
0x47: {  	_ =	shalt  }
0x48: {  	_ =	shalt  }
0x49: {  	_ =	shalt  }
0x4a: {  	_ =	shalt  }
0x4b: {  	_ =	shalt  }
0x4c: {  	_ =	shalt  }
0x4d: {  	_ =	shalt  }
0x4e: {  	_ =	shalt  }
0x4f: {  	_ =	shalt  }
0x50: {  	_ =	shalt  }
0x51: {  	_ =	shalt  }
0x52: {  	_ =	shalt  }
0x53: {  	_ =	shalt  }
0x54: {  	_ =	shalt  }
0x55: {  	_ =	shalt  }
0x56: {  	_ =	shalt  }
0x57: {  	_ =	shalt  }
0x58: {  	_ =	shalt  }
0x59: {  	_ =	shalt  }
0x5a: {  	_ =	shalt  }
0x5b: {  	_ =	shalt  }
0x5c: {  	_ =	shalt  }
0x5d: {  	_ =	shalt  }
0x5e: {  	_ =	shalt  }
0x5f: {  	_ =	shalt  }
0x60: {  	_ =	shalt  }
0x61: {  	_ =	shalt  }
0x62: {  	_ =	shalt  }
0x63: {  	_ =	shalt  }
0x64: {  	_ =	shalt  }
0x65: {  	_ =	shalt  }
0x66: {  	_ =	shalt  }
0x67: {  	_ =	shalt  }
0x68: {  	_ =	shalt  }
0x69: {  	_ =	shalt  }
0x6a: {  	_ =	shalt  }
0x6b: {  	_ =	shalt  }
0x6c: {  	_ =	shalt  }
0x6d: {  	_ =	shalt  }
0x6e: {  	_ =	shalt  }
0x6f: {  	_ =	shalt  }
0x70: {  	_ =	shalt  }
0x71: {  	_ =	shalt  }
0x72: {  	_ =	shalt  }
0x73: {  	_ =	shalt  }
0x74: {  	_ =	shalt  }
0x75: {  	_ =	shalt  }
0x76: {  	_ =	shalt  }
0x77: {  	_ =	shalt  }
0x78: {  	_ =	shalt  }
0x79: {  	_ =	shalt  }
0x7a: {  	_ =	shalt  }
0x7b: {  	_ =	shalt  }
0x7c: {  	_ =	shalt  }
0x7d: {  	_ =	shalt  }
0x7e: {  	_ =	shalt  }
0x7f: {  	_ =	shalt  }
0x80: {  	_ =	shalt  }
0x81: {  	_ =	shalt  }
0x82: {  	_ =	shalt  }
0x83: {  	_ =	shalt  }
0x84: {  	_ =	shalt  }
0x85: {  	_ =	shalt  }
0x86: {  	_ =	shalt  }
0x87: {  	_ =	shalt  }
.Lfunc_end0:
.L_simem_size_0:
called_computation.2_lowered:
.L_overlay_start_0:
0x88: {  	s2 =	sld [smem:$0x3FD9]  }
0x89: {  	s3 =	sld [smem:$0x3FFE];
	_ =	sdelay $0x1  }
0x8a: {  	s1 =	srdreg.scid  }
0x8b: {  	s0 =	sand.u32 $0x1, s1  }
0x8c: {  	s17 =	sshll.u32 s0, $0xA;
	s2 =	sadd.s32 s3, s2  }
0x8d: {  	s2 =	sadd.s32 s2, s17  }
0x8e: {  	[smem:$0x3FB9] =	sst s2  }
0x8f: {  	_ = 	snop  }
0x90: {  	s2 =	sld [smem:$0x3FD0];
	(tm) =	ssettm $0x1  }
0x91: {  	s18 =	sld [smem:$0x3FFB];
	_ =	sdelay $0x3  }
0x92: {  	_ =	strace s18  }
0x93: {  	s3 =	sld [smem:$0x3FFC];
	_ =	sdelay $0x3  }
0x94: {  	_ =	strace s3  }
0x95: {  	s3 =	sld [smem:$0x3FFD];
	_ =	sdelay $0x3  }
0x96: {  	_ =	strace s3  }
0x97: {  	_ =	strace $0x8FFFFFFF  }
0x98: {  	s19 =	sld [smem:$0x3FDB];
	_ =	sdelay $0x1  }
0x99: {  	s4 =	simm.s32 $_scs_section_size  }
0x9a: {  	s5 =	simm.s32 $_size__tile_overlayer_lowered;
	s6 =	simm.s32 $_tile_overlayer_lowered  }
0x9b: {  	s22 =	simm.s32 $0x1BFF;
	s21 =	sshll.u32 s6, $0x1;
	s3 =	sadd.s32 s4, s19  }
0x9c: {  	s7 =	simm.s32 $0x0;
	s20 =	sshll.u32 s5, $0x1;
	s5 =	sadd.s32 s21, s3  }
0x9d: {  	[timem:s7], [sflag:s22] =	dma.local [hbm:s5], s20  }
0x9e: {  	_ =	swait.ge [sflag:s22], s20  }
0x9f: {  	s4 =	ssub.s32 $0x0, s20;
	[sflag:s22] =	ssyncset.done $0x0  }
0xa0: {  	[sflag:s22] =	ssyncadd.s32 s4;
	_ =	sdelay $0x1  }
0xa1: {  	s23 =	simm.s32 $0x1B8B  }
0xa2: {  	_ =	swait.ge [sflag:s23], $0x1  }
0xa3: {  	[sflag:s23] =	ssyncset.done $0x0  }
0xa4: {  	s25 =	simm.s32 $0x1B8E;
	s24 =	sld [smem:$0x3FFE];
	[sflag:s23] =	ssyncadd.s32 $0xFFFFFFFF  }
0xa5: {  	s26 =	simm.s32 $execute0_lowered;
	[smem:$0x3FD2] =	sst s25  }
0xa6: {  	s5 =	sshll.u32 s26, $0x1;
	_ =	strace $0x8000004C;
	[dreg:$0x1] =	wrdreg $0xFFFFFFFF  }
0xa7: {  	s28 =	simm.s32 $_size_execute0_lowered;
	s3 =	sadd.s32 s3, s5;
	[dreg:$0x0] =	wrdreg $0x0  }
0xa8: {  	s5 =	sshll.u32 s28, $0x1;
	[dreg:$0x2] =	wrdreg s3  }
0xa9: {  	[dreg:$0x3] =	wrdreg s5  }
0xaa: {  	[dreg:$0x4] =	wrdreg $0xC0  }
0xab: {  	_ =	task [dreg:s7], $0x5FFFF  }
0xac: {  	[dreg:$0x1] =	wrdreg $0xFFFFFFFF  }
0xad: {  	[dreg:$0x0] =	wrdreg $0x60  }
0xae: {  	[dreg:$0x2] =	wrdreg s24  }
0xaf: {  	[dreg:$0x3] =	wrdreg s2  }
0xb0: {  	[dreg:$0x4] =	wrdreg $0x9  }
0xb1: {  	_ =	task.clear_ibuf [dreg:s7], $0x5FFFF;
	_ =	strace $0x9000004C  }
0xb2: {  	s29 =	simm.s32 $0x9;
	_ =	strace $0x8000004E  }
0xb3: {  	_ =	swait.ge [sflag:s29], $0x1  }
0xb4: {  	[sflag:s29] =	ssyncadd.s32 $0xFFFFFFFF  }
0xb5: {  	_ =	strace $0x9000004E  }
0xb6: {  	_ =	sfence  }
0xb7: {  	s30 =	sld [smem:$0x0];
	_ =	sdelay $0x2  }
0xb8: {  	s31 =	sshll.u32 s1, $0xD;
	s1 =	sshrl.u32 s1, $0x2  }
0xb9: {  	s3 =	sand.u32 $0x4000, s31;
	s1 =	sadd.s32 s1, s30  }
0xba: {  	s0 =	sor.u32 s3, s0;
	s1 =	sshll.u32 s1, $0x11  }
0xbb: {  	s0 =	sor.u32 s1, s0  }
0xbc: {  	s0 =	sadd.s32 $0x8F2B, s0  }
0xbd: {  	[sflag:s0] =	ssyncadd.remote.s32 $0x1  }
0xbe: {  	_ =	sfence.sel $0xFFFF  }
0xbf: {  	[dreg:$0x0] =	wrdreg $0xFFFFFFFF;
	(pc) =	sbr.abs _section_cstart, $3  }
0xc0: {  	[dreg:$0x1] =	wrdreg $0xFFFFFFFF  }
0xc1: {  	_ =	task.clear_ibuf [dreg:s7], $0x2FFFF;
	_ =	strace $0x9FFFFFFF  }
0xc2: {  	(tm) =	ssettm $0x7FFFFFFF  }
0xc3: {  	_ =	shalt  }
tec
execute0_lowered:
.L_overlay_start_1:
0x0: {  	(tag) =	ssettag $0x1  }
0x1: {  	s0 =	rddreg [dreg:$0x0]  }
0x2: {  	s1 =	rddreg [dreg:$0x1]  }
0x3: {  	s3 =	srdreg.scid;
	s2 =	simm.s32 $0x0;
	s5 =	stileid.u32  }
0x4: {  	s28 =	simm.s32 $0x100;
	s29 =	simm.s32 $0x2900;
	s30 =	simm.s32 $0x3100  }
0x5: {  	s31 =	simm.s32 $0x3900;
	s12 =	simm.s32 $0x6100;
	s13 =	simm.s32 $0x6900  }
0x6: {  	s14 =	simm.s32 $0x7100;
	s15 =	simm.s32 $0x7900;
	s16 =	simm.s32 $0x8900  }
0x7: {  	s17 =	simm.s32 $0x9100;
	s18 =	simm.s32 $0x9900;
	s4 =	sand.u32 $0x1, s3  }
0x8: {  	[smem:$0x7FF] =	sst s2;
	s5 =	sshll.u32 s5, $0x7;
	s3 =	sadd.s32 $0xD2400, s0  }
0x9: {  	s19 =	sadd.s32 $0x11C00, s0;
	s7 =	sadd.s32 $0x10E00, s0;
	s6 =	sshll.u32 s4, $0x6  }
0xa: {  	s9 =	sadd.s32 $0x11E00, s0;
	s4 =	ssub.s32 $0x2, s4;
	s5 =	sor.u32 s6, s5  }
0xb: {  	_ =	strace $0x8000004D;
	s11 =	sshrl.u32 s4, $0x1;
	s8 =	sshrl.u32 s5, $0x3  }
0xc: {  	s20 =	sshll.u32 s5, $0x7;
	s5 =	sor.u32 $0x20, s5;
	s10 =	sadd.s32 s19, s8  }
0xd: {  	s25 =	ssub.s32 s4, s11;
	s8 =	sadd.s32 s7, s8;
	[dreg:$0x3] =	wrdreg s10  }
0xe: {  	s4 =	sadd.s32 $0xD2500, s0;
	s21 =	sadd.s32 s1, s20;
	[dreg:$0x4] =	wrdreg s8  }
0xf: {  	s11 =	simm.s32 $0x5900;
	s22 =	sadd.s32 s9, s20;
	[dreg:$0x5] =	wrdreg s21  }
0x10: {  	s23 =	sshrl.u32 s5, $0x3;
	s5 =	sshll.u32 s5, $0x7;
	[dreg:$0x6] =	wrdreg s22  }
0x11: {  	s6 =	sadd.s32 s19, s23;
	s24 =	sadd.s32 s7, s23;
	s1 =	sadd.s32 s1, s5  }
0x12: {  	s26 =	sadd.s32 s9, s5;
	s5 =	sadd.s32 $0xD2600, s0;
	s7 =	smax.u32 s25, $0x1  }
0x13: {  	s8 =	simm.s32 $0x2;
	s21 =	simm.s32 $0x80;
	s22 =	simm.s32 $0x900  }
0x14: {  	s23 =	simm.s32 $0x1100;
	s25 =	simm.s32 $0x2100;
	[dreg:$0x7] =	wrdreg s6  }
0x15: {  	v2 =	vlaneseq.u32;
	s9 =	simm.s32 $0x5100;
	s19 =	simm.s32 $0xA100;
	[dreg:$0x8] =	wrdreg s24  }
0x16: {  	vm0 =	vmmov $0xffff;
	v1 =	vshrl.u32 v2, $0x3;
	s10 =	simm.s32 $0xA900;
	[dreg:$0x9] =	wrdreg s1;
	s6 =	sadd.s32 $0xD2700, s0  }
0x17: {  	v0 =	vand.u32 $0x7, v2;
	v2 =	vor.u32 $0x8, v2;
	v1 =	vmul.u32 $0x8, v1;
	[dreg:$0xa] =	wrdreg s26;
	s26 =	simm.s32 $0x1;
	s24 =	simm.s32 $0x1900  }
.LBB2_1:
0x18: {  	s20 =	rddreg [dreg:$0x3]  }
0x19: {  	[tilespmem:s2], [sflag:$0x2] =	stream.linear.gather [hbm4b:s20+s2], $0x20, $0x38;
	[tilespmem:$0x10100] =	vst v63  }
0x1a: {  	_ =	swait.ge [sflag:s8], $0x20  }
0x1b: {  	[sflag:s8] =	ssyncset.done $0x0  }
0x1c: {  	s1 =	rddreg [dreg:$0x4];
	[sflag:s8] =	ssyncadd.s32 $0xFFFFFFE0  }
0x1d: {  	[tilespmem:s21], [sflag:$0x2] =	stream.linear.gather [hbm4b:s1+s2], $0x20, $0x38;
	[tilespmem:$0x10100] =	vst v63  }
0x1e: {  	_ =	swait.ge [sflag:s8], $0x20  }
0x1f: {  	[sflag:s8] =	ssyncset.done $0x0  }
0x20: {  	[sflag:s8] =	ssyncadd.s32 $0xFFFFFFE0  }
0x21: {  	v3 =	vld [tilespmem:$0x0];
	_ =	sdelay $0x4  }
0x22: {  	v4 =	vshll.u32 v3, $0x3  }
0x23: {  	v3 =	vand.u32 $0x7, v3;
	v4 =	vand.u32 $0xFFFFFFC0, v4  }
0x24: {  	v3 =	vor.u32 v3, v4  }
0x25: {  	v4 =	vperm.xlane v3, v0;
	_ =	sdelay $0x1  }
0x26: {  	v4 =	vadd.s32 v1, v4;
	_ =	sdelay $0x4  }
0x27: {  	[tilespmem:s28], [sflag:$0x1] =	stream.indirect_vreg.gather [hbm4b:s3+s2], $0x80, v4, vm0, $0xb8;
	[tilespmem:$0x10100] =	vst v63  }
0x28: {  	v3 =	vperm.xlane v3, v2  }
0x29: {  	[tilespmem:s22], [sflag:$0x1] =	stream.indirect_vreg.gather [hbm4b:s4+s2], $0x80, v4, vm0, $0xb8;
	[tilespmem:$0x10100] =	vst v63  }
0x2a: {  	v3 =	vadd.s32 v1, v3  }
0x2b: {  	[tilespmem:s23], [sflag:$0x1] =	stream.indirect_vreg.gather [hbm4b:s5+s2], $0x80, v4, vm0, $0xb8;
	[tilespmem:$0x10100] =	vst v63  }
0x2c: {  	_ = 	snop  }
0x2d: {  	[tilespmem:s24], [sflag:$0x1] =	stream.indirect_vreg.gather [hbm4b:s6+s2], $0x80, v4, vm0, $0xb8;
	[tilespmem:$0x10100] =	vst v63  }
0x2e: {  	_ = 	snop  }
0x2f: {  	[tilespmem:s25], [sflag:$0x1] =	stream.indirect_vreg.gather [hbm4b:s3+s2], $0x80, v3, vm0, $0xb8;
	[tilespmem:$0x10100] =	vst v63  }
0x30: {  	_ = 	snop  }
0x31: {  	[tilespmem:s29], [sflag:$0x1] =	stream.indirect_vreg.gather [hbm4b:s4+s2], $0x80, v3, vm0, $0xb8;
	[tilespmem:$0x10100] =	vst v63  }
0x32: {  	_ = 	snop  }
0x33: {  	[tilespmem:s30], [sflag:$0x1] =	stream.indirect_vreg.gather [hbm4b:s5+s2], $0x80, v3, vm0, $0xb8;
	[tilespmem:$0x10100] =	vst v63  }
0x34: {  	_ = 	snop  }
0x35: {  	[tilespmem:s31], [sflag:$0x1] =	stream.indirect_vreg.gather [hbm4b:s6+s2], $0x80, v3, vm0, $0xb8;
	[tilespmem:$0x10100] =	vst v63  }
0x36: {  	v3 =	vld [tilespmem:$0x10];
	_ =	sdelay $0x4  }
0x37: {  	v57 =	vshll.u32 v3, $0x3  }
0x38: {  	v3 =	vand.u32 $0x7, v3;
	v4 =	vand.u32 $0xFFFFFFC0, v57  }
0x39: {  	v3 =	vor.u32 v3, v4  }
0x3a: {  	v4 =	vperm.xlane v3, v0;
	_ =	sdelay $0x1  }
0x3b: {  	v4 =	vadd.s32 v1, v4;
	_ =	sdelay $0x3  }
0x3c: {  	s0 =	simm.s32 $0x4100  }
0x3d: {  	[tilespmem:s0], [sflag:$0x1] =	stream.indirect_vreg.gather [hbm4b:s3+s2], $0x80, v4, vm0, $0xb8;
	[tilespmem:$0x10100] =	vst v63  }
0x3e: {  	s1 =	simm.s32 $0x4900;
	v3 =	vperm.xlane v3, v2  }
0x3f: {  	[tilespmem:s1], [sflag:$0x1] =	stream.indirect_vreg.gather [hbm4b:s4+s2], $0x80, v4, vm0, $0xb8;
	[tilespmem:$0x10100] =	vst v63  }
0x40: {  	v3 =	vadd.s32 v1, v3  }
0x41: {  	[tilespmem:s9], [sflag:$0x1] =	stream.indirect_vreg.gather [hbm4b:s5+s2], $0x80, v4, vm0, $0xb8;
	[tilespmem:$0x10100] =	vst v63  }
0x42: {  	_ = 	snop  }
0x43: {  	[tilespmem:s11], [sflag:$0x1] =	stream.indirect_vreg.gather [hbm4b:s6+s2], $0x80, v4, vm0, $0xb8;
	[tilespmem:$0x10100] =	vst v63  }
0x44: {  	_ = 	snop  }
0x45: {  	[tilespmem:s12], [sflag:$0x1] =	stream.indirect_vreg.gather [hbm4b:s3+s2], $0x80, v3, vm0, $0xb8;
	[tilespmem:$0x10100] =	vst v63  }
0x46: {  	_ = 	snop  }
0x47: {  	[tilespmem:s13], [sflag:$0x1] =	stream.indirect_vreg.gather [hbm4b:s4+s2], $0x80, v3, vm0, $0xb8;
	[tilespmem:$0x10100] =	vst v63  }
0x48: {  	_ = 	snop  }
0x49: {  	[tilespmem:s14], [sflag:$0x1] =	stream.indirect_vreg.gather [hbm4b:s5+s2], $0x80, v3, vm0, $0xb8;
	[tilespmem:$0x10100] =	vst v63  }
0x4a: {  	_ = 	snop  }
0x4b: {  	[tilespmem:s15], [sflag:$0x1] =	stream.indirect_vreg.gather [hbm4b:s6+s2], $0x80, v3, vm0, $0xb8;
	[tilespmem:$0x10100] =	vst v63  }
0x4c: {  	_ =	swait.ge [sflag:s26], $0x8000  }
0x4d: {  	[sflag:s26] =	ssyncset.done $0x0  }
0x4e: {  	[sflag:s26] =	ssyncadd.s32 $0xFFFF8000  }
0x4f: {  	v3 =	vld [tilespmem:$0x80];
	_ =	sdelay $0x4  }
0x50: {  	v58 =	vshll.u32 v3, $0x3  }
0x51: {  	v3 =	vand.u32 $0x7, v3;
	v4 =	vand.u32 $0xFFFFFFC0, v58  }
0x52: {  	v3 =	vor.u32 v3, v4  }
0x53: {  	v4 =	vperm.xlane v3, v0;
	_ =	sdelay $0x1  }
0x54: {  	v4 =	vadd.s32 v1, v4;
	_ =	sdelay $0x3  }
0x55: {  	s0 =	simm.s32 $0x8100  }
0x56: {  	[tilespmem:s0], [sflag:$0x1] =	stream.indirect_vreg.gather [hbm4b:s3+s2], $0x80, v4, vm0, $0xb8;
	[tilespmem:$0x10100] =	vst v63  }
0x57: {  	v3 =	vperm.xlane v3, v2  }
0x58: {  	[tilespmem:s16], [sflag:$0x1] =	stream.indirect_vreg.gather [hbm4b:s4+s2], $0x80, v4, vm0, $0xb8;
	[tilespmem:$0x10100] =	vst v63  }
0x59: {  	v3 =	vadd.s32 v1, v3  }
0x5a: {  	[tilespmem:s17], [sflag:$0x1] =	stream.indirect_vreg.gather [hbm4b:s5+s2], $0x80, v4, vm0, $0xb8;
	[tilespmem:$0x10100] =	vst v63  }
0x5b: {  	_ = 	snop  }
0x5c: {  	[tilespmem:s18], [sflag:$0x1] =	stream.indirect_vreg.gather [hbm4b:s6+s2], $0x80, v4, vm0, $0xb8;
	[tilespmem:$0x10100] =	vst v63  }
0x5d: {  	_ = 	snop  }
0x5e: {  	[tilespmem:s19], [sflag:$0x1] =	stream.indirect_vreg.gather [hbm4b:s3+s2], $0x80, v3, vm0, $0xb8;
	[tilespmem:$0x10100] =	vst v63  }
0x5f: {  	_ = 	snop  }
0x60: {  	[tilespmem:s10], [sflag:$0x1] =	stream.indirect_vreg.gather [hbm4b:s4+s2], $0x80, v3, vm0, $0xb8;
	[tilespmem:$0x10100] =	vst v63  }
0x61: {  	s20 =	simm.s32 $0xB100  }
0x62: {  	[tilespmem:s20], [sflag:$0x1] =	stream.indirect_vreg.gather [hbm4b:s5+s2], $0x80, v3, vm0, $0xb8;
	[tilespmem:$0x10100] =	vst v63  }
0x63: {  	s20 =	simm.s32 $0xB900  }
0x64: {  	[tilespmem:s20], [sflag:$0x1] =	stream.indirect_vreg.gather [hbm4b:s6+s2], $0x80, v3, vm0, $0xb8;
	[tilespmem:$0x10100] =	vst v63  }
0x65: {  	v3 =	vld [tilespmem:$0x90];
	_ =	sdelay $0x4  }
0x66: {  	v59 =	vshll.u32 v3, $0x3  }
0x67: {  	v3 =	vand.u32 $0x7, v3;
	v4 =	vand.u32 $0xFFFFFFC0, v59  }
0x68: {  	v3 =	vor.u32 v3, v4  }
0x69: {  	v4 =	vperm.xlane v3, v0;
	_ =	sdelay $0x1  }
0x6a: {  	v4 =	vadd.s32 v1, v4;
	_ =	sdelay $0x3  }
0x6b: {  	s20 =	simm.s32 $0xC100  }
0x6c: {  	[tilespmem:s20], [sflag:$0x1] =	stream.indirect_vreg.gather [hbm4b:s3+s2], $0x80, v4, vm0, $0xb8;
	[tilespmem:$0x10100] =	vst v63  }
0x6d: {  	v3 =	vperm.xlane v3, v2;
	s20 =	simm.s32 $0xC900  }
0x6e: {  	[tilespmem:s20], [sflag:$0x1] =	stream.indirect_vreg.gather [hbm4b:s4+s2], $0x80, v4, vm0, $0xb8;
	[tilespmem:$0x10100] =	vst v63  }
0x6f: {  	v3 =	vadd.s32 v1, v3;
	s20 =	simm.s32 $0xD100  }
0x70: {  	[tilespmem:s20], [sflag:$0x1] =	stream.indirect_vreg.gather [hbm4b:s5+s2], $0x80, v4, vm0, $0xb8;
	[tilespmem:$0x10100] =	vst v63  }
0x71: {  	s20 =	simm.s32 $0xD900  }
0x72: {  	[tilespmem:s20], [sflag:$0x1] =	stream.indirect_vreg.gather [hbm4b:s6+s2], $0x80, v4, vm0, $0xb8;
	[tilespmem:$0x10100] =	vst v63  }
0x73: {  	s20 =	simm.s32 $0xE100  }
0x74: {  	[tilespmem:s20], [sflag:$0x1] =	stream.indirect_vreg.gather [hbm4b:s3+s2], $0x80, v3, vm0, $0xb8;
	[tilespmem:$0x10100] =	vst v63  }
0x75: {  	s20 =	simm.s32 $0xE900  }
0x76: {  	[tilespmem:s20], [sflag:$0x1] =	stream.indirect_vreg.gather [hbm4b:s4+s2], $0x80, v3, vm0, $0xb8;
	[tilespmem:$0x10100] =	vst v63  }
0x77: {  	s20 =	simm.s32 $0xF100  }
0x78: {  	[tilespmem:s20], [sflag:$0x1] =	stream.indirect_vreg.gather [hbm4b:s5+s2], $0x80, v3, vm0, $0xb8;
	[tilespmem:$0x10100] =	vst v63  }
0x79: {  	s20 =	simm.s32 $0xF900  }
0x7a: {  	[tilespmem:s20], [sflag:$0x1] =	stream.indirect_vreg.gather [hbm4b:s6+s2], $0x80, v3, vm0, $0xb8;
	[tilespmem:$0x10100] =	vst v63  }
0x7b: {  	_ =	swait.ge [sflag:s26], $0x8000  }
0x7c: {  	[sflag:s26] =	ssyncset.done $0x0  }
0x7d: {  	s20 =	rddreg [dreg:$0x5];
	[sflag:s26] =	ssyncadd.s32 $0xFFFF8000  }
0x7e: {  	[hbm4b:s20+s2] =	stream.linear.scatter [tilespmem:s28], [sflag:$0x2], $0x8000, $0x38;
	[tilespmem:$0x10100] =	vst v63  }
0x7f: {  	_ =	swait.ge [sflag:s8], $0x8000  }
0x80: {  	[sflag:s8] =	ssyncset.done $0x0  }
0x81: {  	s20 =	rddreg [dreg:$0x6];
	[sflag:s8] =	ssyncadd.s32 $0xFFFF8000  }
0x82: {  	[hbm4b:s20+s2] =	stream.linear.scatter [tilespmem:s0], [sflag:$0x2], $0x8000, $0x38;
	[tilespmem:$0x10100] =	vst v63  }
0x83: {  	_ =	swait.ge [sflag:s8], $0x8000  }
0x84: {  	[sflag:s8] =	ssyncset.done $0x0  }
0x85: {  	s20 =	rddreg [dreg:$0x7];
	[sflag:s8] =	ssyncadd.s32 $0xFFFF8000  }
0x86: {  	[tilespmem:s2], [sflag:$0x2] =	stream.linear.gather [hbm4b:s20+s2], $0x20, $0x38;
	[tilespmem:$0x10100] =	vst v63  }
0x87: {  	_ =	swait.ge [sflag:s8], $0x20  }
0x88: {  	[sflag:s8] =	ssyncset.done $0x0  }
0x89: {  	s20 =	rddreg [dreg:$0x8];
	[sflag:s8] =	ssyncadd.s32 $0xFFFFFFE0  }
0x8a: {  	[tilespmem:s21], [sflag:$0x2] =	stream.linear.gather [hbm4b:s20+s2], $0x20, $0x38;
	[tilespmem:$0x10100] =	vst v63  }
0x8b: {  	_ =	swait.ge [sflag:s8], $0x20  }
0x8c: {  	[sflag:s8] =	ssyncset.done $0x0  }
0x8d: {  	[sflag:s8] =	ssyncadd.s32 $0xFFFFFFE0  }
0x8e: {  	v3 =	vld [tilespmem:$0x0];
	_ =	sdelay $0x4  }
0x8f: {  	v60 =	vshll.u32 v3, $0x3  }
0x90: {  	v3 =	vand.u32 $0x7, v3;
	v4 =	vand.u32 $0xFFFFFFC0, v60  }
0x91: {  	v3 =	vor.u32 v3, v4  }
0x92: {  	v4 =	vperm.xlane v3, v0;
	_ =	sdelay $0x1  }
0x93: {  	v4 =	vadd.s32 v1, v4;
	_ =	sdelay $0x4  }
0x94: {  	[tilespmem:s28], [sflag:$0x1] =	stream.indirect_vreg.gather [hbm4b:s3+s2], $0x80, v4, vm0, $0xb8;
	[tilespmem:$0x10100] =	vst v63  }
0x95: {  	v3 =	vperm.xlane v3, v2  }
0x96: {  	[tilespmem:s22], [sflag:$0x1] =	stream.indirect_vreg.gather [hbm4b:s4+s2], $0x80, v4, vm0, $0xb8;
	[tilespmem:$0x10100] =	vst v63  }
0x97: {  	v3 =	vadd.s32 v1, v3  }
0x98: {  	[tilespmem:s23], [sflag:$0x1] =	stream.indirect_vreg.gather [hbm4b:s5+s2], $0x80, v4, vm0, $0xb8;
	[tilespmem:$0x10100] =	vst v63  }
0x99: {  	_ = 	snop  }
0x9a: {  	[tilespmem:s24], [sflag:$0x1] =	stream.indirect_vreg.gather [hbm4b:s6+s2], $0x80, v4, vm0, $0xb8;
	[tilespmem:$0x10100] =	vst v63  }
0x9b: {  	_ = 	snop  }
0x9c: {  	[tilespmem:s25], [sflag:$0x1] =	stream.indirect_vreg.gather [hbm4b:s3+s2], $0x80, v3, vm0, $0xb8;
	[tilespmem:$0x10100] =	vst v63  }
0x9d: {  	_ = 	snop  }
0x9e: {  	[tilespmem:s29], [sflag:$0x1] =	stream.indirect_vreg.gather [hbm4b:s4+s2], $0x80, v3, vm0, $0xb8;
	[tilespmem:$0x10100] =	vst v63  }
0x9f: {  	_ = 	snop  }
0xa0: {  	[tilespmem:s30], [sflag:$0x1] =	stream.indirect_vreg.gather [hbm4b:s5+s2], $0x80, v3, vm0, $0xb8;
	[tilespmem:$0x10100] =	vst v63  }
0xa1: {  	_ = 	snop  }
0xa2: {  	[tilespmem:s31], [sflag:$0x1] =	stream.indirect_vreg.gather [hbm4b:s6+s2], $0x80, v3, vm0, $0xb8;
	[tilespmem:$0x10100] =	vst v63  }
0xa3: {  	v3 =	vld [tilespmem:$0x10];
	_ =	sdelay $0x4  }
0xa4: {  	v61 =	vshll.u32 v3, $0x3  }
0xa5: {  	v3 =	vand.u32 $0x7, v3;
	v4 =	vand.u32 $0xFFFFFFC0, v61  }
0xa6: {  	v3 =	vor.u32 v3, v4  }
0xa7: {  	v4 =	vperm.xlane v3, v0;
	_ =	sdelay $0x1  }
0xa8: {  	v4 =	vadd.s32 v1, v4;
	_ =	sdelay $0x3  }
0xa9: {  	s20 =	simm.s32 $0x4100  }
0xaa: {  	[tilespmem:s20], [sflag:$0x1] =	stream.indirect_vreg.gather [hbm4b:s3+s2], $0x80, v4, vm0, $0xb8;
	[tilespmem:$0x10100] =	vst v63  }
0xab: {  	v3 =	vperm.xlane v3, v2  }
0xac: {  	[tilespmem:s1], [sflag:$0x1] =	stream.indirect_vreg.gather [hbm4b:s4+s2], $0x80, v4, vm0, $0xb8;
	[tilespmem:$0x10100] =	vst v63  }
0xad: {  	v3 =	vadd.s32 v1, v3  }
0xae: {  	[tilespmem:s9], [sflag:$0x1] =	stream.indirect_vreg.gather [hbm4b:s5+s2], $0x80, v4, vm0, $0xb8;
	[tilespmem:$0x10100] =	vst v63  }
0xaf: {  	_ = 	snop  }
0xb0: {  	[tilespmem:s11], [sflag:$0x1] =	stream.indirect_vreg.gather [hbm4b:s6+s2], $0x80, v4, vm0, $0xb8;
	[tilespmem:$0x10100] =	vst v63  }
0xb1: {  	_ = 	snop  }
0xb2: {  	[tilespmem:s12], [sflag:$0x1] =	stream.indirect_vreg.gather [hbm4b:s3+s2], $0x80, v3, vm0, $0xb8;
	[tilespmem:$0x10100] =	vst v63  }
0xb3: {  	_ = 	snop  }
0xb4: {  	[tilespmem:s13], [sflag:$0x1] =	stream.indirect_vreg.gather [hbm4b:s4+s2], $0x80, v3, vm0, $0xb8;
	[tilespmem:$0x10100] =	vst v63  }
0xb5: {  	_ = 	snop  }
0xb6: {  	[tilespmem:s14], [sflag:$0x1] =	stream.indirect_vreg.gather [hbm4b:s5+s2], $0x80, v3, vm0, $0xb8;
	[tilespmem:$0x10100] =	vst v63  }
0xb7: {  	_ = 	snop  }
0xb8: {  	[tilespmem:s15], [sflag:$0x1] =	stream.indirect_vreg.gather [hbm4b:s6+s2], $0x80, v3, vm0, $0xb8;
	[tilespmem:$0x10100] =	vst v63  }
0xb9: {  	_ =	swait.ge [sflag:s26], $0x8000  }
0xba: {  	[sflag:s26] =	ssyncset.done $0x0  }
0xbb: {  	[sflag:s26] =	ssyncadd.s32 $0xFFFF8000  }
0xbc: {  	v3 =	vld [tilespmem:$0x80];
	_ =	sdelay $0x4  }
0xbd: {  	v62 =	vshll.u32 v3, $0x3  }
0xbe: {  	v3 =	vand.u32 $0x7, v3;
	v4 =	vand.u32 $0xFFFFFFC0, v62  }
0xbf: {  	v3 =	vor.u32 v3, v4  }
0xc0: {  	v4 =	vperm.xlane v3, v0;
	_ =	sdelay $0x1  }
0xc1: {  	v4 =	vadd.s32 v1, v4;
	_ =	sdelay $0x4  }
0xc2: {  	[tilespmem:s0], [sflag:$0x1] =	stream.indirect_vreg.gather [hbm4b:s3+s2], $0x80, v4, vm0, $0xb8;
	[tilespmem:$0x10100] =	vst v63  }
0xc3: {  	v3 =	vperm.xlane v3, v2  }
0xc4: {  	[tilespmem:s16], [sflag:$0x1] =	stream.indirect_vreg.gather [hbm4b:s4+s2], $0x80, v4, vm0, $0xb8;
	[tilespmem:$0x10100] =	vst v63  }
0xc5: {  	v3 =	vadd.s32 v1, v3  }
0xc6: {  	[tilespmem:s17], [sflag:$0x1] =	stream.indirect_vreg.gather [hbm4b:s5+s2], $0x80, v4, vm0, $0xb8;
	[tilespmem:$0x10100] =	vst v63  }
0xc7: {  	_ = 	snop  }
0xc8: {  	[tilespmem:s18], [sflag:$0x1] =	stream.indirect_vreg.gather [hbm4b:s6+s2], $0x80, v4, vm0, $0xb8;
	[tilespmem:$0x10100] =	vst v63  }
0xc9: {  	_ = 	snop  }
0xca: {  	[tilespmem:s19], [sflag:$0x1] =	stream.indirect_vreg.gather [hbm4b:s3+s2], $0x80, v3, vm0, $0xb8;
	[tilespmem:$0x10100] =	vst v63  }
0xcb: {  	_ = 	snop  }
0xcc: {  	[tilespmem:s10], [sflag:$0x1] =	stream.indirect_vreg.gather [hbm4b:s4+s2], $0x80, v3, vm0, $0xb8;
	[tilespmem:$0x10100] =	vst v63  }
0xcd: {  	s20 =	simm.s32 $0xB100  }
0xce: {  	[tilespmem:s20], [sflag:$0x1] =	stream.indirect_vreg.gather [hbm4b:s5+s2], $0x80, v3, vm0, $0xb8;
	[tilespmem:$0x10100] =	vst v63  }
0xcf: {  	s20 =	simm.s32 $0xB900  }
0xd0: {  	[tilespmem:s20], [sflag:$0x1] =	stream.indirect_vreg.gather [hbm4b:s6+s2], $0x80, v3, vm0, $0xb8;
	[tilespmem:$0x10100] =	vst v63  }
0xd1: {  	v3 =	vld [tilespmem:$0x90];
	_ =	sdelay $0x4  }
0xd2: {  	v63 =	vshll.u32 v3, $0x3  }
0xd3: {  	v3 =	vand.u32 $0x7, v3;
	v4 =	vand.u32 $0xFFFFFFC0, v63  }
0xd4: {  	v3 =	vor.u32 v3, v4  }
0xd5: {  	v4 =	vperm.xlane v3, v0;
	_ =	sdelay $0x1  }
0xd6: {  	v4 =	vadd.s32 v1, v4;
	_ =	sdelay $0x3  }
0xd7: {  	s20 =	simm.s32 $0xC100  }
0xd8: {  	[tilespmem:s20], [sflag:$0x1] =	stream.indirect_vreg.gather [hbm4b:s3+s2], $0x80, v4, vm0, $0xb8;
	[tilespmem:$0x10100] =	vst v63  }
0xd9: {  	v3 =	vperm.xlane v3, v2;
	s20 =	simm.s32 $0xC900  }
0xda: {  	[tilespmem:s20], [sflag:$0x1] =	stream.indirect_vreg.gather [hbm4b:s4+s2], $0x80, v4, vm0, $0xb8;
	[tilespmem:$0x10100] =	vst v63  }
0xdb: {  	v3 =	vadd.s32 v1, v3;
	s20 =	simm.s32 $0xD100  }
0xdc: {  	[tilespmem:s20], [sflag:$0x1] =	stream.indirect_vreg.gather [hbm4b:s5+s2], $0x80, v4, vm0, $0xb8;
	[tilespmem:$0x10100] =	vst v63  }
0xdd: {  	s20 =	simm.s32 $0xD900  }
0xde: {  	[tilespmem:s20], [sflag:$0x1] =	stream.indirect_vreg.gather [hbm4b:s6+s2], $0x80, v4, vm0, $0xb8;
	[tilespmem:$0x10100] =	vst v63  }
0xdf: {  	s20 =	simm.s32 $0xE100  }
0xe0: {  	[tilespmem:s20], [sflag:$0x1] =	stream.indirect_vreg.gather [hbm4b:s3+s2], $0x80, v3, vm0, $0xb8;
	[tilespmem:$0x10100] =	vst v63  }
0xe1: {  	s20 =	simm.s32 $0xE900  }
0xe2: {  	[tilespmem:s20], [sflag:$0x1] =	stream.indirect_vreg.gather [hbm4b:s4+s2], $0x80, v3, vm0, $0xb8;
	[tilespmem:$0x10100] =	vst v63  }
0xe3: {  	s20 =	simm.s32 $0xF100  }
0xe4: {  	[tilespmem:s20], [sflag:$0x1] =	stream.indirect_vreg.gather [hbm4b:s5+s2], $0x80, v3, vm0, $0xb8;
	[tilespmem:$0x10100] =	vst v63  }
0xe5: {  	s20 =	simm.s32 $0xF900  }
0xe6: {  	[tilespmem:s20], [sflag:$0x1] =	stream.indirect_vreg.gather [hbm4b:s6+s2], $0x80, v3, vm0, $0xb8;
	[tilespmem:$0x10100] =	vst v63  }
0xe7: {  	_ =	swait.ge [sflag:s26], $0x8000  }
0xe8: {  	[sflag:s26] =	ssyncset.done $0x0  }
0xe9: {  	s1 =	rddreg [dreg:$0x9];
	[sflag:s26] =	ssyncadd.s32 $0xFFFF8000  }
0xea: {  	[hbm4b:s1+s2] =	stream.linear.scatter [tilespmem:s28], [sflag:$0x2], $0x8000, $0x38;
	[tilespmem:$0x10100] =	vst v63  }
0xeb: {  	_ =	swait.ge [sflag:s8], $0x8000  }
0xec: {  	p0 =	sne.s32 s7, $0x1;
	[sflag:s8] =	ssyncset.done $0x0  }
.Ltmp0:
0xed: {  	s1 =	rddreg [dreg:$0xa];
	[sflag:s8] =	ssyncadd.s32 $0xFFFF8000;
	(pc) =	sbr.rel @p0 .LBB2_1-.Ltmp0, $4  }
0xee: {  	[hbm4b:s1+s2] =	stream.linear.scatter [tilespmem:s0], [sflag:$0x2], $0x8000, $0x38;
	[tilespmem:$0x10100] =	vst v63  }
0xef: {  	_ =	swait.ge [sflag:s8], $0x8000  }
0xf0: {  	[sflag:s8] =	ssyncset.done $0x0  }
0xf1: {  	s7 =	sadd.s32 $0xFFFFFFFF, s7;
	[sflag:s8] =	ssyncadd.s32 $0xFFFF8000  }
0xf2: {  	_ =	sfence.sel $0x180000  }
0xf3: {  	[bflag:$0x0] =	sbarrier.arrive $0xFFFF  }
0xf4: {  	_ =	strace $0x9000004D  }
0xf5: {  	s0 =	stileid.u32;
	[bflag:$0x2] =	sbarrier.arrive $0xFFFF  }
0xf6: {  	p0 =	sne.s32 s0, $0x0;
	s0 =	rddreg [dreg:$0x2]  }
0xf7: {  	s0 =	sadd.s32 @!p0 $0x100000, s0  }
0xf8: {  	[sflag:s0] =	ssyncadd.tile.s32 @!p0 $0x1;
	_ =	shalt  }
.Lfunc_end2:
_tile_overlayer_lowered:
.L_overlay_start_2:
0xf9: {  	(tag) =	ssettag $0x2  }
0xfa: {  	s0 =	rddreg [dreg:$0x0];
	s2 =	stileid.u32  }
0xfb: {  	s1 =	rddreg [dreg:$0x1];
	p0 =	sne.s32 s2, $0x0  }
0xfc: {  	s3 =	rddreg [dreg:$0x2];
	[bflag:$0x3] =	sbarrier.arrive $0xFFFF;
	s2 =	simm.s32 @!p0 $0x1C02  }
0xfd: {  	[timem:s3], [sflag:s2] =	dma.local @!p0 [hbm:s0], s1  }
0xfe: {  	s0 =	simm.s32 @!p0 $0x2  }
0xff: {  	_ =	swait.ge @!p0 [sflag:s0], s1  }
0x100: {  	s1 =	ssub.s32 @!p0 $0x0, s1;
	[sflag:s0] =	ssyncset.done @!p0 $0x0  }
0x101: {  	[sflag:s0] =	ssyncadd.s32 @!p0 s1  }
0x102: {  	[bflag:$0x3] =	sbarrier.arrive $0xFFFF  }
0x103: {  	_ =	shalt  }

// kernel: kernel.7.cloned.1.call-start
scs
__scs_entry_jumppad:
0x0: {  	(pc) =	sbr.rel $0x88, $3  }
0x1: {  	(tag) =	ssettag $0x0;
	lr =	simm.s32 $0x1  }
0x2: {  	[smem:$0x3F92] =	sst lr;
	_ =	strace $0xD0000000  }
0x3: {  	_ = 	snop  }
0x4: {  	_ = 	snop  }
0x5: {  	_ = 	snop  }
0x6: {  	_ = 	snop  }
0x7: {  	_ = 	snop  }
__scs_overlays_trampoline_lowered:
0x8: {  	[smem:$0x3FA1] =	sst s0  }
0x9: {  	[smem:$0x3FA2] =	sst s1  }
0xa: {  	[smem:$0x3FA3] =	sst s2  }
0xb: {  	[smem:$0x3FA4] =	sst s3  }
0xc: {  	[smem:$0x3FA5] =	sst s4  }
0xd: {  	[smem:$0x3FA6] =	sst s5  }
0xe: {  	[smem:$0x3FA7] =	sst s6  }
0xf: {  	[smem:$0x3FA8] =	sst s7  }
0x10: {  	[smem:$0x3FA9] =	sst s8  }
0x11: {  	[smem:$0x3FAA] =	sst s9;
	s0 =	simm.s32 @!p0 $0x0  }
0x12: {  	s1 =	sld [smem:$0x3F90];
	s0 =	simm.s32 @p0 $0x1  }
0x13: {  	[smem:$0x3FAB] =	sst s0;
	s0 =	simm.s32 @!p1 $0x0  }
0x14: {  	s2 =	sld [smem:$0x3F8F];
	s0 =	simm.s32 @p1 $0x1  }
0x15: {  	[smem:$0x3FAC] =	sst s0;
	s0 =	simm.s32 @!p2 $0x0  }
0x16: {  	s3 =	sld [smem:$0x3FDB];
	s0 =	simm.s32 @p2 $0x1  }
0x17: {  	s4 =	simm.s32 $0x1BF5;
	[smem:$0x3FAE] =	sst s0  }
0x18: {  	s0 =	sld [smem:$0x3F91];
	_ =	swait.ge [sflag:s4], $0x0  }
0x19: {  	s7 =	sld [smem:$0x3F92]  }
0x1a: {  	s8 =	sadd.s32 $0xFFFFE003, lr  }
0x1b: {  	s9 =	sadd.s32 $0xFFFFFEF7, lr;
	s5 =	simm.s32 $0xFFFFFFFF;
	p2 =	slt.u32 s8, $0xFFFFF086  }
0x1c: {  	p1 =	slt.u32 s9, $0xF7A;
	s5 =	simm.s32 @!p2 $0x0  }
0x1d: {  	s5 =	simm.s32 @p1 $0x1;
	p0 =	seq.s32 s7, s2  }
0x1e: {  	s7 =	smul.u32 @!p0 $0xF7A, s2;
	p2 =	seq.s32 @!p0 s5, $0x0  }
0x1f: {  	s9 =	smul.u32 $0xF7A, s1;
	s8 =	simm.s32 @!p0 $0x1BF5;
	p2 =	por !p2, p0  }
0x20: {  	[sflag:s8] =	ssyncset.s32 @!p0 $0xFFFFF086;
	s6 =	sadd.s32 @!p0 s3, s7;
	s7 =	simm.s32 @!p0 $0x108  }
0x21: {  	s3 =	sadd.s32 s3, s9;
	s6 =	sadd.s32 @!p0 $0x88, s6;
	s7 =	simm.s32 @p2 $0x1082  }
0x22: {  	[simem:s7], [sflag:s8] =	dma.local @!p0 [hbm:s6], $0xF7A  }
0x23: {  	s9 =	sor.u32 $0xD0000000, s2;
	s6 =	simm.s32 $0x108;
	_ =	swait.ge @!p0 [sflag:s8], $0x0  }
0x24: {  	s3 =	sadd.s32 $0x88, s3;
	s6 =	simm.s32 @!p1 $0x1082;
	[sflag:s4] =	ssyncset.s32 $0xFFFFF086  }
0x25: {  	[simem:s6], [sflag:s4] =	dma.local [hbm:s3], $0xF7A  }
0x26: {  	[smem:$0x3F92] =	sst s1;
	(tag) =	ssettag s2;
	_ =	strace s9  }
0x27: {  	s1 =	sld [smem:$0x3FA2]  }
0x28: {  	s2 =	sld [smem:$0x3FA3]  }
0x29: {  	s4 =	sld [smem:$0x3FA5]  }
0x2a: {  	p0 =	seq.s32 s5, $0x0;
	s5 =	sld [smem:$0x3FA6]  }
0x2b: {  	s6 =	sld [smem:$0x3FA7]  }
0x2c: {  	s7 =	sld [smem:$0x3FA8]  }
0x2d: {  	s3 =	simm.s32 $0x108;
	s8 =	sld [smem:$0x3FA9]  }
0x2e: {  	s3 =	simm.s32 @!p0 $0x1082;
	s9 =	sld [smem:$0x3FAA]  }
0x2f: {  	lr =	sadd.s32 s0, s3;
	s0 =	sld [smem:$0x3FA1]  }
0x30: {  	s3 =	sld [smem:$0x3FA4]  }
0x31: {  	[smem:$0x3FAD] =	sst s10  }
0x32: {  	s10 =	sld [smem:$0x3FAB];
	_ =	sdelay $0x3  }
0x33: {  	p0 =	seq.s32 s10, $0x1;
	s10 =	sld [smem:$0x3FAD];
	_ =	sdelay $0x3  }
0x34: {  	[smem:$0x3FAD] =	sst s10  }
0x35: {  	s10 =	sld [smem:$0x3FAC];
	_ =	sdelay $0x3  }
0x36: {  	p1 =	seq.s32 s10, $0x1;
	s10 =	sld [smem:$0x3FAD];
	_ =	sdelay $0x3  }
0x37: {  	[smem:$0x3FAD] =	sst s10  }
0x38: {  	s10 =	sld [smem:$0x3FAE]  }
0x39: {  	_ = 	snop;
	(pc) =	sbr.ind lr, $3  }
0x3a: {  	_ = 	snop  }
0x3b: {  	_ = 	snop  }
0x3c: {  	p2 =	seq.s32 s10, $0x1;
	s10 =	sld [smem:$0x3FAD]  }
0x3d: {  	_ =	shalt  }
0x3e: {  	_ =	shalt  }
0x3f: {  	_ =	shalt  }
0x40: {  	_ =	shalt  }
0x41: {  	_ =	shalt  }
0x42: {  	_ =	shalt  }
0x43: {  	_ =	shalt  }
0x44: {  	_ =	shalt  }
0x45: {  	_ =	shalt  }
0x46: {  	_ =	shalt  }
0x47: {  	_ =	shalt  }
0x48: {  	_ =	shalt  }
0x49: {  	_ =	shalt  }
0x4a: {  	_ =	shalt  }
0x4b: {  	_ =	shalt  }
0x4c: {  	_ =	shalt  }
0x4d: {  	_ =	shalt  }
0x4e: {  	_ =	shalt  }
0x4f: {  	_ =	shalt  }
0x50: {  	_ =	shalt  }
0x51: {  	_ =	shalt  }
0x52: {  	_ =	shalt  }
0x53: {  	_ =	shalt  }
0x54: {  	_ =	shalt  }
0x55: {  	_ =	shalt  }
0x56: {  	_ =	shalt  }
0x57: {  	_ =	shalt  }
0x58: {  	_ =	shalt  }
0x59: {  	_ =	shalt  }
0x5a: {  	_ =	shalt  }
0x5b: {  	_ =	shalt  }
0x5c: {  	_ =	shalt  }
0x5d: {  	_ =	shalt  }
0x5e: {  	_ =	shalt  }
0x5f: {  	_ =	shalt  }
0x60: {  	_ =	shalt  }
0x61: {  	_ =	shalt  }
0x62: {  	_ =	shalt  }
0x63: {  	_ =	shalt  }
0x64: {  	_ =	shalt  }
0x65: {  	_ =	shalt  }
0x66: {  	_ =	shalt  }
0x67: {  	_ =	shalt  }
0x68: {  	_ =	shalt  }
0x69: {  	_ =	shalt  }
0x6a: {  	_ =	shalt  }
0x6b: {  	_ =	shalt  }
0x6c: {  	_ =	shalt  }
0x6d: {  	_ =	shalt  }
0x6e: {  	_ =	shalt  }
0x6f: {  	_ =	shalt  }
0x70: {  	_ =	shalt  }
0x71: {  	_ =	shalt  }
0x72: {  	_ =	shalt  }
0x73: {  	_ =	shalt  }
0x74: {  	_ =	shalt  }
0x75: {  	_ =	shalt  }
0x76: {  	_ =	shalt  }
0x77: {  	_ =	shalt  }
0x78: {  	_ =	shalt  }
0x79: {  	_ =	shalt  }
0x7a: {  	_ =	shalt  }
0x7b: {  	_ =	shalt  }
0x7c: {  	_ =	shalt  }
0x7d: {  	_ =	shalt  }
0x7e: {  	_ =	shalt  }
0x7f: {  	_ =	shalt  }
0x80: {  	_ =	shalt  }
0x81: {  	_ =	shalt  }
0x82: {  	_ =	shalt  }
0x83: {  	_ =	shalt  }
0x84: {  	_ =	shalt  }
0x85: {  	_ =	shalt  }
0x86: {  	_ =	shalt  }
0x87: {  	_ =	shalt  }
.Lfunc_end0:
.L_simem_size_0:
called_computation.1_lowered:
.L_overlay_start_0:
0x88: {  	s2 =	sld [smem:$0x3FD9]  }
0x89: {  	s3 =	sld [smem:$0x3FFE];
	_ =	sdelay $0x1  }
0x8a: {  	s1 =	srdreg.scid  }
0x8b: {  	s0 =	sand.u32 $0x1, s1  }
0x8c: {  	s17 =	sshll.u32 s0, $0xA;
	s2 =	sadd.s32 s3, s2  }
0x8d: {  	s2 =	sadd.s32 s2, s17  }
0x8e: {  	[smem:$0x3FB9] =	sst s2  }
0x8f: {  	_ = 	snop  }
0x90: {  	s2 =	sld [smem:$0x3FC9];
	(tm) =	ssettm $0x1  }
0x91: {  	s18 =	sld [smem:$0x3FFB];
	_ =	sdelay $0x3  }
0x92: {  	_ =	strace s18  }
0x93: {  	s3 =	sld [smem:$0x3FFC];
	_ =	sdelay $0x3  }
0x94: {  	_ =	strace s3  }
0x95: {  	s3 =	sld [smem:$0x3FFD];
	_ =	sdelay $0x3  }
0x96: {  	_ =	strace s3  }
0x97: {  	_ =	strace $0x8FFFFFFF  }
0x98: {  	s19 =	sld [smem:$0x3FDB];
	_ =	sdelay $0x1  }
0x99: {  	s4 =	simm.s32 $_scs_section_size  }
0x9a: {  	s5 =	simm.s32 $_size__tile_overlayer_lowered;
	s6 =	simm.s32 $_tile_overlayer_lowered  }
0x9b: {  	s22 =	simm.s32 $0x1BFF;
	s21 =	sshll.u32 s6, $0x1;
	s3 =	sadd.s32 s4, s19  }
0x9c: {  	s7 =	simm.s32 $0x0;
	s20 =	sshll.u32 s5, $0x1;
	s5 =	sadd.s32 s21, s3  }
0x9d: {  	[timem:s7], [sflag:s22] =	dma.local [hbm:s5], s20  }
0x9e: {  	_ =	swait.ge [sflag:s22], s20  }
0x9f: {  	s4 =	ssub.s32 $0x0, s20;
	[sflag:s22] =	ssyncset.done $0x0  }
0xa0: {  	[sflag:s22] =	ssyncadd.s32 s4;
	_ =	sdelay $0x1  }
0xa1: {  	s23 =	simm.s32 $0x1B8B  }
0xa2: {  	_ =	swait.ge [sflag:s23], $0x1  }
0xa3: {  	[sflag:s23] =	ssyncset.done $0x0  }
0xa4: {  	s25 =	simm.s32 $0x1B8E;
	s24 =	sld [smem:$0x3FFE];
	[sflag:s23] =	ssyncadd.s32 $0xFFFFFFFF  }
0xa5: {  	s26 =	simm.s32 $execute0_lowered;
	[smem:$0x3FD2] =	sst s25  }
0xa6: {  	s5 =	sshll.u32 s26, $0x1;
	_ =	strace $0x80000049;
	[dreg:$0x1] =	wrdreg $0xFFFFFFFF  }
0xa7: {  	s28 =	simm.s32 $_size_execute0_lowered;
	s3 =	sadd.s32 s3, s5;
	[dreg:$0x0] =	wrdreg $0x0  }
0xa8: {  	s5 =	sshll.u32 s28, $0x1;
	[dreg:$0x2] =	wrdreg s3  }
0xa9: {  	[dreg:$0x3] =	wrdreg s5  }
0xaa: {  	[dreg:$0x4] =	wrdreg $0xC0  }
0xab: {  	_ =	task [dreg:s7], $0x5FFFF  }
0xac: {  	[dreg:$0x1] =	wrdreg $0xFFFFFFFF  }
0xad: {  	[dreg:$0x0] =	wrdreg $0x60  }
0xae: {  	[dreg:$0x2] =	wrdreg s2  }
0xaf: {  	[dreg:$0x3] =	wrdreg s24  }
0xb0: {  	[dreg:$0x4] =	wrdreg $0x9  }
0xb1: {  	_ =	task.clear_ibuf [dreg:s7], $0x5FFFF;
	_ =	strace $0x90000049  }
0xb2: {  	s29 =	simm.s32 $0x9;
	_ =	strace $0x8000004B  }
0xb3: {  	_ =	swait.ge [sflag:s29], $0x1  }
0xb4: {  	[sflag:s29] =	ssyncadd.s32 $0xFFFFFFFF  }
0xb5: {  	_ =	strace $0x9000004B  }
0xb6: {  	_ =	sfence  }
0xb7: {  	s30 =	sld [smem:$0x0];
	_ =	sdelay $0x2  }
0xb8: {  	s31 =	sshll.u32 s1, $0xD;
	s1 =	sshrl.u32 s1, $0x2  }
0xb9: {  	s3 =	sand.u32 $0x4000, s31;
	s1 =	sadd.s32 s1, s30  }
0xba: {  	s0 =	sor.u32 s3, s0;
	s1 =	sshll.u32 s1, $0x11  }
0xbb: {  	s0 =	sor.u32 s1, s0  }
0xbc: {  	s0 =	sadd.s32 $0x8F2B, s0  }
0xbd: {  	[sflag:s0] =	ssyncadd.remote.s32 $0x1  }
0xbe: {  	_ =	sfence.sel $0xFFFF  }
0xbf: {  	[dreg:$0x0] =	wrdreg $0xFFFFFFFF;
	(pc) =	sbr.abs _section_cstart, $3  }
0xc0: {  	[dreg:$0x1] =	wrdreg $0xFFFFFFFF  }
0xc1: {  	_ =	task.clear_ibuf [dreg:s7], $0x2FFFF;
	_ =	strace $0x9FFFFFFF  }
0xc2: {  	(tm) =	ssettm $0x7FFFFFFF  }
0xc3: {  	_ =	shalt  }
tec
execute0_lowered:
.L_overlay_start_1:
0x0: {  	(tag) =	ssettag $0x1  }
0x1: {  	s0 =	srdreg.scid;
	s2 =	rddreg [dreg:$0x0]  }
0x2: {  	s3 =	stileid.u32;
	s1 =	rddreg [dreg:$0x1]  }
0x3: {  	s12 =	simm.s32 $0x3;
	s25 =	simm.s32 $0x100;
	s26 =	simm.s32 $0x180  }
0x4: {  	s31 =	simm.s32 $0x1;
	s16 =	simm.s32 $0xA00;
	s17 =	simm.s32 $0x1200  }
0x5: {  	s18 =	simm.s32 $0x1A00;
	s19 =	simm.s32 $0x2200;
	s20 =	simm.s32 $0x2A00  }
0x6: {  	s21 =	simm.s32 $0x3200;
	s22 =	simm.s32 $0x3A00;
	s28 =	simm.s32 $0x6200  }
0x7: {  	s29 =	simm.s32 $0x6A00;
	s30 =	simm.s32 $0x7200;
	s14 =	simm.s32 $0x7A00  }
0x8: {  	s0 =	sand.u32 $0x1, s0;
	s4 =	sshll.u32 s3, $0x5;
	s3 =	simm.s32 $0x0  }
0x9: {  	s7 =	sadd.s32 $0x300, s2;
	s10 =	sadd.s32 $0x12300, s1;
	s5 =	sshll.u32 s0, $0x4  }
0xa: {  	[smem:$0x7FF] =	sst s3;
	s0 =	ssub.s32 $0x2, s0;
	s4 =	sor.u32 s5, s4  }
0xb: {  	_ =	strace $0x8000004A;
	s23 =	sshrl.u32 s0, $0x1;
	[dreg:$0x8] =	wrdreg s25  }
0xc: {  	s5 =	sadd.s32 $0x100, s2;
	[dreg:$0x9] =	wrdreg s26;
	s9 =	sadd.s32 s4, s1  }
0xd: {  	s25 =	simm.s32 $0x5200;
	s26 =	simm.s32 $0x5A00;
	s4 =	sadd.s32 $0x10A00, s9  }
0xe: {  	s0 =	ssub.s32 s0, s23;
	s6 =	sadd.s32 $0x10C00, s9;
	[dreg:$0x3] =	wrdreg s4  }
0xf: {  	s23 =	simm.s32 $0x4200;
	s8 =	sadd.s32 $0x10C04, s9;
	[dreg:$0x4] =	wrdreg s6  }
0x10: {  	s24 =	sadd.s32 $0x10C08, s9;
	s11 =	sadd.s32 $0x10C0C, s9;
	[dreg:$0x5] =	wrdreg s8  }
0x11: {  	v2 =	vlaneseq.u32;
	s9 =	sadd.s32 $0x12200, s1;
	s4 =	sadd.s32 $0x12000, s1;
	[dreg:$0x6] =	wrdreg s24  }
0x12: {  	vm0 =	vmmov $0xffff;
	v1 =	vshrl.u32 v2, $0x3;
	s6 =	sadd.s32 $0x200, s2;
	s8 =	sadd.s32 $0x12100, s1;
	[dreg:$0x7] =	wrdreg s11  }
0x13: {  	v0 =	vand.u32 $0x7, v2;
	v2 =	vor.u32 $0x8, v2;
	v1 =	vmul.u32 $0x8, v1;
	s11 =	smax.u32 s0, $0x1;
	s1 =	simm.s32 $0x2;
	s24 =	simm.s32 $0x4A00  }
.LBB2_1:
0x14: {  	s0 =	rddreg [dreg:$0x3]  }
0x15: {  	[tilespmem:s3], [sflag:$0x3] =	stream.linear.gather [hbm4b:s0+s3], $0x80, $0x38;
	[tilespmem:$0x18200] =	vst v63  }
0x16: {  	_ =	swait.ge [sflag:s12], $0x80  }
0x17: {  	[sflag:s12] =	ssyncset.done $0x0  }
0x18: {  	s13 =	simm.s32 $0x80;
	s15 =	rddreg [dreg:$0x4];
	[sflag:s12] =	ssyncadd.s32 $0xFFFFFF80  }
0x19: {  	[tilespmem:s13], [sflag:$0x3] =	stream.linear.gather [hbm4b:s15+s3], $0x20, $0x38;
	[tilespmem:$0x18200] =	vst v63  }
0x1a: {  	_ =	swait.ge [sflag:s12], $0x20  }
0x1b: {  	[sflag:s12] =	ssyncset.done $0x0  }
0x1c: {  	[sflag:s12] =	ssyncadd.s32 $0xFFFFFFE0  }
0x1d: {  	v3 =	vld [tilespmem:$0x0];
	_ =	sdelay $0x4  }
0x1e: {  	v4 =	vshll.u32 v3, $0x3  }
0x1f: {  	v3 =	vand.u32 $0x7, v3;
	v4 =	vand.u32 $0xFFFFFFC0, v4  }
0x20: {  	v3 =	vor.u32 v3, v4  }
0x21: {  	v4 =	vperm.xlane v3, v0;
	_ =	sdelay $0x1  }
0x22: {  	v4 =	vadd.s32 v1, v4;
	_ =	sdelay $0x3  }
0x23: {  	s15 =	simm.s32 $0x200  }
0x24: {  	[tilespmem:s15], [sflag:$0x1] =	stream.indirect_vreg.gather [hbm4b:s2+s3], $0x80, v4, vm0, $0xb8;
	[tilespmem:$0x18200] =	vst v63  }
0x25: {  	v3 =	vperm.xlane v3, v2  }
0x26: {  	[tilespmem:s16], [sflag:$0x1] =	stream.indirect_vreg.gather [hbm4b:s5+s3], $0x80, v4, vm0, $0xb8;
	[tilespmem:$0x18200] =	vst v63  }
0x27: {  	v3 =	vadd.s32 v1, v3  }
0x28: {  	[tilespmem:s17], [sflag:$0x1] =	stream.indirect_vreg.gather [hbm4b:s6+s3], $0x80, v4, vm0, $0xb8;
	[tilespmem:$0x18200] =	vst v63  }
0x29: {  	_ = 	snop  }
0x2a: {  	[tilespmem:s18], [sflag:$0x1] =	stream.indirect_vreg.gather [hbm4b:s7+s3], $0x80, v4, vm0, $0xb8;
	[tilespmem:$0x18200] =	vst v63  }
0x2b: {  	_ = 	snop  }
0x2c: {  	[tilespmem:s19], [sflag:$0x1] =	stream.indirect_vreg.gather [hbm4b:s2+s3], $0x80, v3, vm0, $0xb8;
	[tilespmem:$0x18200] =	vst v63  }
0x2d: {  	_ = 	snop  }
0x2e: {  	[tilespmem:s20], [sflag:$0x1] =	stream.indirect_vreg.gather [hbm4b:s5+s3], $0x80, v3, vm0, $0xb8;
	[tilespmem:$0x18200] =	vst v63  }
0x2f: {  	_ = 	snop  }
0x30: {  	[tilespmem:s21], [sflag:$0x1] =	stream.indirect_vreg.gather [hbm4b:s6+s3], $0x80, v3, vm0, $0xb8;
	[tilespmem:$0x18200] =	vst v63  }
0x31: {  	_ = 	snop  }
0x32: {  	[tilespmem:s22], [sflag:$0x1] =	stream.indirect_vreg.gather [hbm4b:s7+s3], $0x80, v3, vm0, $0xb8;
	[tilespmem:$0x18200] =	vst v63  }
0x33: {  	v3 =	vld [tilespmem:$0x10];
	_ =	sdelay $0x4  }
0x34: {  	v49 =	vshll.u32 v3, $0x3  }
0x35: {  	v3 =	vand.u32 $0x7, v3;
	v4 =	vand.u32 $0xFFFFFFC0, v49  }
0x36: {  	v3 =	vor.u32 v3, v4  }
0x37: {  	v4 =	vperm.xlane v3, v0;
	_ =	sdelay $0x1  }
0x38: {  	v4 =	vadd.s32 v1, v4;
	_ =	sdelay $0x4  }
0x39: {  	[tilespmem:s23], [sflag:$0x1] =	stream.indirect_vreg.gather [hbm4b:s2+s3], $0x80, v4, vm0, $0xb8;
	[tilespmem:$0x18200] =	vst v63  }
0x3a: {  	v3 =	vperm.xlane v3, v2  }
0x3b: {  	[tilespmem:s24], [sflag:$0x1] =	stream.indirect_vreg.gather [hbm4b:s5+s3], $0x80, v4, vm0, $0xb8;
	[tilespmem:$0x18200] =	vst v63  }
0x3c: {  	v3 =	vadd.s32 v1, v3  }
0x3d: {  	[tilespmem:s25], [sflag:$0x1] =	stream.indirect_vreg.gather [hbm4b:s6+s3], $0x80, v4, vm0, $0xb8;
	[tilespmem:$0x18200] =	vst v63  }
0x3e: {  	_ = 	snop  }
0x3f: {  	[tilespmem:s26], [sflag:$0x1] =	stream.indirect_vreg.gather [hbm4b:s7+s3], $0x80, v4, vm0, $0xb8;
	[tilespmem:$0x18200] =	vst v63  }
0x40: {  	_ = 	snop  }
0x41: {  	[tilespmem:s28], [sflag:$0x1] =	stream.indirect_vreg.gather [hbm4b:s2+s3], $0x80, v3, vm0, $0xb8;
	[tilespmem:$0x18200] =	vst v63  }
0x42: {  	_ = 	snop  }
0x43: {  	[tilespmem:s29], [sflag:$0x1] =	stream.indirect_vreg.gather [hbm4b:s5+s3], $0x80, v3, vm0, $0xb8;
	[tilespmem:$0x18200] =	vst v63  }
0x44: {  	_ = 	snop  }
0x45: {  	[tilespmem:s30], [sflag:$0x1] =	stream.indirect_vreg.gather [hbm4b:s6+s3], $0x80, v3, vm0, $0xb8;
	[tilespmem:$0x18200] =	vst v63  }
0x46: {  	s13 =	rddreg [dreg:$0x5]  }
0x47: {  	[tilespmem:s14], [sflag:$0x1] =	stream.indirect_vreg.gather [hbm4b:s7+s3], $0x80, v3, vm0, $0xb8;
	[tilespmem:$0x18200] =	vst v63  }
0x48: {  	s15 =	rddreg [dreg:$0x8]  }
0x49: {  	[tilespmem:s15], [sflag:$0x3] =	stream.linear.gather [hbm4b:s13+s3], $0x20, $0x38;
	[tilespmem:$0x18200] =	vst v63  }
0x4a: {  	_ =	swait.ge [sflag:s12], $0x20  }
0x4b: {  	[sflag:s12] =	ssyncset.done $0x0  }
0x4c: {  	[sflag:s12] =	ssyncadd.s32 $0xFFFFFFE0  }
0x4d: {  	v3 =	vld [tilespmem:$0x20];
	_ =	sdelay $0x4  }
0x4e: {  	v50 =	vshll.u32 v3, $0x3  }
0x4f: {  	v3 =	vand.u32 $0x7, v3;
	v4 =	vand.u32 $0xFFFFFFC0, v50  }
0x50: {  	v3 =	vor.u32 v3, v4  }
0x51: {  	v4 =	vperm.xlane v3, v0;
	_ =	sdelay $0x1  }
0x52: {  	v4 =	vadd.s32 v1, v4;
	_ =	sdelay $0x3  }
0x53: {  	s13 =	simm.s32 $0x8200  }
0x54: {  	[tilespmem:s13], [sflag:$0x1] =	stream.indirect_vreg.gather [hbm4b:s2+s3], $0x80, v4, vm0, $0xb8;
	[tilespmem:$0x18200] =	vst v63  }
0x55: {  	s15 =	simm.s32 $0x8A00;
	v3 =	vperm.xlane v3, v2  }
0x56: {  	[tilespmem:s15], [sflag:$0x1] =	stream.indirect_vreg.gather [hbm4b:s5+s3], $0x80, v4, vm0, $0xb8;
	[tilespmem:$0x18200] =	vst v63  }
0x57: {  	v3 =	vadd.s32 v1, v3;
	s13 =	simm.s32 $0x9200  }
0x58: {  	[tilespmem:s13], [sflag:$0x1] =	stream.indirect_vreg.gather [hbm4b:s6+s3], $0x80, v4, vm0, $0xb8;
	[tilespmem:$0x18200] =	vst v63  }
0x59: {  	s15 =	simm.s32 $0x9A00  }
0x5a: {  	[tilespmem:s15], [sflag:$0x1] =	stream.indirect_vreg.gather [hbm4b:s7+s3], $0x80, v4, vm0, $0xb8;
	[tilespmem:$0x18200] =	vst v63  }
0x5b: {  	s13 =	simm.s32 $0xA200  }
0x5c: {  	[tilespmem:s13], [sflag:$0x1] =	stream.indirect_vreg.gather [hbm4b:s2+s3], $0x80, v3, vm0, $0xb8;
	[tilespmem:$0x18200] =	vst v63  }
0x5d: {  	s15 =	simm.s32 $0xAA00  }
0x5e: {  	[tilespmem:s15], [sflag:$0x1] =	stream.indirect_vreg.gather [hbm4b:s5+s3], $0x80, v3, vm0, $0xb8;
	[tilespmem:$0x18200] =	vst v63  }
0x5f: {  	s13 =	simm.s32 $0xB200  }
0x60: {  	[tilespmem:s13], [sflag:$0x1] =	stream.indirect_vreg.gather [hbm4b:s6+s3], $0x80, v3, vm0, $0xb8;
	[tilespmem:$0x18200] =	vst v63  }
0x61: {  	s15 =	simm.s32 $0xBA00  }
0x62: {  	[tilespmem:s15], [sflag:$0x1] =	stream.indirect_vreg.gather [hbm4b:s7+s3], $0x80, v3, vm0, $0xb8;
	[tilespmem:$0x18200] =	vst v63  }
0x63: {  	v3 =	vld [tilespmem:$0x30];
	_ =	sdelay $0x4  }
0x64: {  	v51 =	vshll.u32 v3, $0x3  }
0x65: {  	v3 =	vand.u32 $0x7, v3;
	v4 =	vand.u32 $0xFFFFFFC0, v51  }
0x66: {  	v3 =	vor.u32 v3, v4  }
0x67: {  	v4 =	vperm.xlane v3, v0;
	_ =	sdelay $0x1  }
0x68: {  	v4 =	vadd.s32 v1, v4;
	_ =	sdelay $0x3  }
0x69: {  	s13 =	simm.s32 $0xC200  }
0x6a: {  	[tilespmem:s13], [sflag:$0x1] =	stream.indirect_vreg.gather [hbm4b:s2+s3], $0x80, v4, vm0, $0xb8;
	[tilespmem:$0x18200] =	vst v63  }
0x6b: {  	s15 =	simm.s32 $0xCA00;
	v3 =	vperm.xlane v3, v2  }
0x6c: {  	[tilespmem:s15], [sflag:$0x1] =	stream.indirect_vreg.gather [hbm4b:s5+s3], $0x80, v4, vm0, $0xb8;
	[tilespmem:$0x18200] =	vst v63  }
0x6d: {  	v3 =	vadd.s32 v1, v3;
	s13 =	simm.s32 $0xD200  }
0x6e: {  	[tilespmem:s13], [sflag:$0x1] =	stream.indirect_vreg.gather [hbm4b:s6+s3], $0x80, v4, vm0, $0xb8;
	[tilespmem:$0x18200] =	vst v63  }
0x6f: {  	s15 =	simm.s32 $0xDA00  }
0x70: {  	[tilespmem:s15], [sflag:$0x1] =	stream.indirect_vreg.gather [hbm4b:s7+s3], $0x80, v4, vm0, $0xb8;
	[tilespmem:$0x18200] =	vst v63  }
0x71: {  	s13 =	simm.s32 $0xE200  }
0x72: {  	[tilespmem:s13], [sflag:$0x1] =	stream.indirect_vreg.gather [hbm4b:s2+s3], $0x80, v3, vm0, $0xb8;
	[tilespmem:$0x18200] =	vst v63  }
0x73: {  	s15 =	simm.s32 $0xEA00  }
0x74: {  	[tilespmem:s15], [sflag:$0x1] =	stream.indirect_vreg.gather [hbm4b:s5+s3], $0x80, v3, vm0, $0xb8;
	[tilespmem:$0x18200] =	vst v63  }
0x75: {  	s13 =	simm.s32 $0xF200  }
0x76: {  	[tilespmem:s13], [sflag:$0x1] =	stream.indirect_vreg.gather [hbm4b:s6+s3], $0x80, v3, vm0, $0xb8;
	[tilespmem:$0x18200] =	vst v63  }
0x77: {  	s0 =	rddreg [dreg:$0x6];
	s15 =	simm.s32 $0xFA00  }
0x78: {  	[tilespmem:s15], [sflag:$0x1] =	stream.indirect_vreg.gather [hbm4b:s7+s3], $0x80, v3, vm0, $0xb8;
	[tilespmem:$0x18200] =	vst v63  }
0x79: {  	s13 =	rddreg [dreg:$0x9]  }
0x7a: {  	[tilespmem:s13], [sflag:$0x3] =	stream.linear.gather [hbm4b:s0+s3], $0x20, $0x38;
	[tilespmem:$0x18200] =	vst v63  }
0x7b: {  	_ =	swait.ge [sflag:s12], $0x20  }
0x7c: {  	[sflag:s12] =	ssyncset.done $0x0  }
0x7d: {  	[sflag:s12] =	ssyncadd.s32 $0xFFFFFFE0  }
0x7e: {  	v3 =	vld [tilespmem:$0x40];
	_ =	sdelay $0x4  }
0x7f: {  	v52 =	vshll.u32 v3, $0x3  }
0x80: {  	v3 =	vand.u32 $0x7, v3;
	v4 =	vand.u32 $0xFFFFFFC0, v52  }
0x81: {  	v3 =	vor.u32 v3, v4  }
0x82: {  	v4 =	vperm.xlane v3, v0;
	_ =	sdelay $0x1  }
0x83: {  	v4 =	vadd.s32 v1, v4;
	_ =	sdelay $0x3  }
0x84: {  	s15 =	simm.s32 $0x10200  }
0x85: {  	[tilespmem:s15], [sflag:$0x1] =	stream.indirect_vreg.gather [hbm4b:s2+s3], $0x80, v4, vm0, $0xb8;
	[tilespmem:$0x18200] =	vst v63  }
0x86: {  	s13 =	simm.s32 $0x10A00;
	v3 =	vperm.xlane v3, v2  }
0x87: {  	[tilespmem:s13], [sflag:$0x1] =	stream.indirect_vreg.gather [hbm4b:s5+s3], $0x80, v4, vm0, $0xb8;
	[tilespmem:$0x18200] =	vst v63  }
0x88: {  	v3 =	vadd.s32 v1, v3;
	s15 =	simm.s32 $0x11200  }
0x89: {  	[tilespmem:s15], [sflag:$0x1] =	stream.indirect_vreg.gather [hbm4b:s6+s3], $0x80, v4, vm0, $0xb8;
	[tilespmem:$0x18200] =	vst v63  }
0x8a: {  	s13 =	simm.s32 $0x11A00  }
0x8b: {  	[tilespmem:s13], [sflag:$0x1] =	stream.indirect_vreg.gather [hbm4b:s7+s3], $0x80, v4, vm0, $0xb8;
	[tilespmem:$0x18200] =	vst v63  }
0x8c: {  	s15 =	simm.s32 $0x12200  }
0x8d: {  	[tilespmem:s15], [sflag:$0x1] =	stream.indirect_vreg.gather [hbm4b:s2+s3], $0x80, v3, vm0, $0xb8;
	[tilespmem:$0x18200] =	vst v63  }
0x8e: {  	s13 =	simm.s32 $0x12A00  }
0x8f: {  	[tilespmem:s13], [sflag:$0x1] =	stream.indirect_vreg.gather [hbm4b:s5+s3], $0x80, v3, vm0, $0xb8;
	[tilespmem:$0x18200] =	vst v63  }
0x90: {  	s15 =	simm.s32 $0x13200  }
0x91: {  	[tilespmem:s15], [sflag:$0x1] =	stream.indirect_vreg.gather [hbm4b:s6+s3], $0x80, v3, vm0, $0xb8;
	[tilespmem:$0x18200] =	vst v63  }
0x92: {  	s13 =	simm.s32 $0x13A00  }
0x93: {  	[tilespmem:s13], [sflag:$0x1] =	stream.indirect_vreg.gather [hbm4b:s7+s3], $0x80, v3, vm0, $0xb8;
	[tilespmem:$0x18200] =	vst v63  }
0x94: {  	v3 =	vld [tilespmem:$0x50];
	_ =	sdelay $0x4  }
0x95: {  	v53 =	vshll.u32 v3, $0x3  }
0x96: {  	v3 =	vand.u32 $0x7, v3;
	v4 =	vand.u32 $0xFFFFFFC0, v53  }
0x97: {  	v3 =	vor.u32 v3, v4  }
0x98: {  	v4 =	vperm.xlane v3, v0;
	_ =	sdelay $0x1  }
0x99: {  	v4 =	vadd.s32 v1, v4;
	_ =	sdelay $0x3  }
0x9a: {  	s15 =	simm.s32 $0x14200  }
0x9b: {  	[tilespmem:s15], [sflag:$0x1] =	stream.indirect_vreg.gather [hbm4b:s2+s3], $0x80, v4, vm0, $0xb8;
	[tilespmem:$0x18200] =	vst v63  }
0x9c: {  	s13 =	simm.s32 $0x14A00;
	v3 =	vperm.xlane v3, v2  }
0x9d: {  	[tilespmem:s13], [sflag:$0x1] =	stream.indirect_vreg.gather [hbm4b:s5+s3], $0x80, v4, vm0, $0xb8;
	[tilespmem:$0x18200] =	vst v63  }
0x9e: {  	v3 =	vadd.s32 v1, v3;
	s15 =	simm.s32 $0x15200  }
0x9f: {  	[tilespmem:s15], [sflag:$0x1] =	stream.indirect_vreg.gather [hbm4b:s6+s3], $0x80, v4, vm0, $0xb8;
	[tilespmem:$0x18200] =	vst v63  }
0xa0: {  	s13 =	simm.s32 $0x15A00  }
0xa1: {  	[tilespmem:s13], [sflag:$0x1] =	stream.indirect_vreg.gather [hbm4b:s7+s3], $0x80, v4, vm0, $0xb8;
	[tilespmem:$0x18200] =	vst v63  }
0xa2: {  	s15 =	simm.s32 $0x16200  }
0xa3: {  	[tilespmem:s15], [sflag:$0x1] =	stream.indirect_vreg.gather [hbm4b:s2+s3], $0x80, v3, vm0, $0xb8;
	[tilespmem:$0x18200] =	vst v63  }
0xa4: {  	s13 =	simm.s32 $0x16A00  }
0xa5: {  	[tilespmem:s13], [sflag:$0x1] =	stream.indirect_vreg.gather [hbm4b:s5+s3], $0x80, v3, vm0, $0xb8;
	[tilespmem:$0x18200] =	vst v63  }
0xa6: {  	s15 =	simm.s32 $0x17200  }
0xa7: {  	[tilespmem:s15], [sflag:$0x1] =	stream.indirect_vreg.gather [hbm4b:s6+s3], $0x80, v3, vm0, $0xb8;
	[tilespmem:$0x18200] =	vst v63  }
0xa8: {  	s13 =	simm.s32 $0x17A00  }
0xa9: {  	[tilespmem:s13], [sflag:$0x1] =	stream.indirect_vreg.gather [hbm4b:s7+s3], $0x80, v3, vm0, $0xb8;
	[tilespmem:$0x18200] =	vst v63  }
0xaa: {  	_ =	swait.ge [sflag:s31], $0x8000  }
0xab: {  	[sflag:s31] =	ssyncset.done $0x0  }
0xac: {  	[sflag:s31] =	ssyncadd.s32 $0xFFFF8000  }
0xad: {  	v3 =	vld [tilespmem:$0x80];
	_ =	sdelay $0x4  }
0xae: {  	v54 =	vshll.u32 v3, $0x3  }
0xaf: {  	v3 =	vand.u32 $0x7, v3;
	v4 =	vand.u32 $0xFFFFFFC0, v54  }
0xb0: {  	v3 =	vor.u32 v3, v4  }
0xb1: {  	v4 =	vperm.xlane v3, v0;
	_ =	sdelay $0x1  }
0xb2: {  	v4 =	vadd.s32 v1, v4;
	_ =	sdelay $0x3  }
0xb3: {  	s15 =	simm.s32 $0x200  }
0xb4: {  	[hbm4b:s4+s3] =	stream.indirect_vreg.scatter [tilespmem:s15], [sflag:$0x2], $0x80, v4, vm0, $0xb8;
	[tilespmem:$0x18200] =	vst v63  }
0xb5: {  	v3 =	vperm.xlane v3, v2  }
0xb6: {  	[hbm4b:s8+s3] =	stream.indirect_vreg.scatter [tilespmem:s16], [sflag:$0x2], $0x80, v4, vm0, $0xb8;
	[tilespmem:$0x18200] =	vst v63  }
0xb7: {  	v3 =	vadd.s32 v1, v3  }
0xb8: {  	[hbm4b:s9+s3] =	stream.indirect_vreg.scatter [tilespmem:s17], [sflag:$0x2], $0x80, v4, vm0, $0xb8;
	[tilespmem:$0x18200] =	vst v63  }
0xb9: {  	_ = 	snop  }
0xba: {  	[hbm4b:s10+s3] =	stream.indirect_vreg.scatter [tilespmem:s18], [sflag:$0x2], $0x80, v4, vm0, $0xb8;
	[tilespmem:$0x18200] =	vst v63  }
0xbb: {  	_ = 	snop  }
0xbc: {  	[hbm4b:s4+s3] =	stream.indirect_vreg.scatter [tilespmem:s19], [sflag:$0x2], $0x80, v3, vm0, $0xb8;
	[tilespmem:$0x18200] =	vst v63  }
0xbd: {  	_ = 	snop  }
0xbe: {  	[hbm4b:s8+s3] =	stream.indirect_vreg.scatter [tilespmem:s20], [sflag:$0x2], $0x80, v3, vm0, $0xb8;
	[tilespmem:$0x18200] =	vst v63  }
0xbf: {  	_ = 	snop  }
0xc0: {  	[hbm4b:s9+s3] =	stream.indirect_vreg.scatter [tilespmem:s21], [sflag:$0x2], $0x80, v3, vm0, $0xb8;
	[tilespmem:$0x18200] =	vst v63  }
0xc1: {  	_ = 	snop  }
0xc2: {  	[hbm4b:s10+s3] =	stream.indirect_vreg.scatter [tilespmem:s22], [sflag:$0x2], $0x80, v3, vm0, $0xb8;
	[tilespmem:$0x18200] =	vst v63  }
0xc3: {  	v3 =	vld [tilespmem:$0x90];
	_ =	sdelay $0x4  }
0xc4: {  	v55 =	vshll.u32 v3, $0x3  }
0xc5: {  	v3 =	vand.u32 $0x7, v3;
	v4 =	vand.u32 $0xFFFFFFC0, v55  }
0xc6: {  	v3 =	vor.u32 v3, v4  }
0xc7: {  	v4 =	vperm.xlane v3, v0;
	_ =	sdelay $0x1  }
0xc8: {  	v4 =	vadd.s32 v1, v4;
	_ =	sdelay $0x4  }
0xc9: {  	[hbm4b:s4+s3] =	stream.indirect_vreg.scatter [tilespmem:s23], [sflag:$0x2], $0x80, v4, vm0, $0xb8;
	[tilespmem:$0x18200] =	vst v63  }
0xca: {  	v3 =	vperm.xlane v3, v2  }
0xcb: {  	[hbm4b:s8+s3] =	stream.indirect_vreg.scatter [tilespmem:s24], [sflag:$0x2], $0x80, v4, vm0, $0xb8;
	[tilespmem:$0x18200] =	vst v63  }
0xcc: {  	v3 =	vadd.s32 v1, v3  }
0xcd: {  	[hbm4b:s9+s3] =	stream.indirect_vreg.scatter [tilespmem:s25], [sflag:$0x2], $0x80, v4, vm0, $0xb8;
	[tilespmem:$0x18200] =	vst v63  }
0xce: {  	_ = 	snop  }
0xcf: {  	[hbm4b:s10+s3] =	stream.indirect_vreg.scatter [tilespmem:s26], [sflag:$0x2], $0x80, v4, vm0, $0xb8;
	[tilespmem:$0x18200] =	vst v63  }
0xd0: {  	_ = 	snop  }
0xd1: {  	[hbm4b:s4+s3] =	stream.indirect_vreg.scatter [tilespmem:s28], [sflag:$0x2], $0x80, v3, vm0, $0xb8;
	[tilespmem:$0x18200] =	vst v63  }
0xd2: {  	_ = 	snop  }
0xd3: {  	[hbm4b:s8+s3] =	stream.indirect_vreg.scatter [tilespmem:s29], [sflag:$0x2], $0x80, v3, vm0, $0xb8;
	[tilespmem:$0x18200] =	vst v63  }
0xd4: {  	_ = 	snop  }
0xd5: {  	[hbm4b:s9+s3] =	stream.indirect_vreg.scatter [tilespmem:s30], [sflag:$0x2], $0x80, v3, vm0, $0xb8;
	[tilespmem:$0x18200] =	vst v63  }
0xd6: {  	_ = 	snop  }
0xd7: {  	[hbm4b:s10+s3] =	stream.indirect_vreg.scatter [tilespmem:s14], [sflag:$0x2], $0x80, v3, vm0, $0xb8;
	[tilespmem:$0x18200] =	vst v63  }
0xd8: {  	_ =	swait.ge [sflag:s1], $0x8000  }
0xd9: {  	[sflag:s1] =	ssyncset.done $0x0  }
0xda: {  	s13 =	simm.s32 $0x80;
	s0 =	rddreg [dreg:$0x7];
	[sflag:s1] =	ssyncadd.s32 $0xFFFF8000  }
0xdb: {  	[tilespmem:s13], [sflag:$0x3] =	stream.linear.gather [hbm4b:s0+s3], $0x20, $0x38;
	[tilespmem:$0x18200] =	vst v63  }
0xdc: {  	_ =	swait.ge [sflag:s12], $0x20  }
0xdd: {  	[sflag:s12] =	ssyncset.done $0x0  }
0xde: {  	[sflag:s12] =	ssyncadd.s32 $0xFFFFFFE0  }
0xdf: {  	v3 =	vld [tilespmem:$0x60];
	_ =	sdelay $0x4  }
0xe0: {  	v56 =	vshll.u32 v3, $0x3  }
0xe1: {  	v3 =	vand.u32 $0x7, v3;
	v4 =	vand.u32 $0xFFFFFFC0, v56  }
0xe2: {  	v3 =	vor.u32 v3, v4  }
0xe3: {  	v4 =	vperm.xlane v3, v0;
	_ =	sdelay $0x1  }
0xe4: {  	v4 =	vadd.s32 v1, v4;
	_ =	sdelay $0x4  }
0xe5: {  	[tilespmem:s15], [sflag:$0x1] =	stream.indirect_vreg.gather [hbm4b:s2+s3], $0x80, v4, vm0, $0xb8;
	[tilespmem:$0x18200] =	vst v63  }
0xe6: {  	v3 =	vperm.xlane v3, v2  }
0xe7: {  	[tilespmem:s16], [sflag:$0x1] =	stream.indirect_vreg.gather [hbm4b:s5+s3], $0x80, v4, vm0, $0xb8;
	[tilespmem:$0x18200] =	vst v63  }
0xe8: {  	v3 =	vadd.s32 v1, v3  }
0xe9: {  	[tilespmem:s17], [sflag:$0x1] =	stream.indirect_vreg.gather [hbm4b:s6+s3], $0x80, v4, vm0, $0xb8;
	[tilespmem:$0x18200] =	vst v63  }
0xea: {  	_ = 	snop  }
0xeb: {  	[tilespmem:s18], [sflag:$0x1] =	stream.indirect_vreg.gather [hbm4b:s7+s3], $0x80, v4, vm0, $0xb8;
	[tilespmem:$0x18200] =	vst v63  }
0xec: {  	_ = 	snop  }
0xed: {  	[tilespmem:s19], [sflag:$0x1] =	stream.indirect_vreg.gather [hbm4b:s2+s3], $0x80, v3, vm0, $0xb8;
	[tilespmem:$0x18200] =	vst v63  }
0xee: {  	_ = 	snop  }
0xef: {  	[tilespmem:s20], [sflag:$0x1] =	stream.indirect_vreg.gather [hbm4b:s5+s3], $0x80, v3, vm0, $0xb8;
	[tilespmem:$0x18200] =	vst v63  }
0xf0: {  	_ = 	snop  }
0xf1: {  	[tilespmem:s21], [sflag:$0x1] =	stream.indirect_vreg.gather [hbm4b:s6+s3], $0x80, v3, vm0, $0xb8;
	[tilespmem:$0x18200] =	vst v63  }
0xf2: {  	_ = 	snop  }
0xf3: {  	[tilespmem:s22], [sflag:$0x1] =	stream.indirect_vreg.gather [hbm4b:s7+s3], $0x80, v3, vm0, $0xb8;
	[tilespmem:$0x18200] =	vst v63  }
0xf4: {  	v3 =	vld [tilespmem:$0x70];
	_ =	sdelay $0x4  }
0xf5: {  	v57 =	vshll.u32 v3, $0x3  }
0xf6: {  	v3 =	vand.u32 $0x7, v3;
	v4 =	vand.u32 $0xFFFFFFC0, v57  }
0xf7: {  	v3 =	vor.u32 v3, v4  }
0xf8: {  	v4 =	vperm.xlane v3, v0;
	_ =	sdelay $0x1  }
0xf9: {  	v4 =	vadd.s32 v1, v4;
	_ =	sdelay $0x4  }
0xfa: {  	[tilespmem:s23], [sflag:$0x1] =	stream.indirect_vreg.gather [hbm4b:s2+s3], $0x80, v4, vm0, $0xb8;
	[tilespmem:$0x18200] =	vst v63  }
0xfb: {  	v3 =	vperm.xlane v3, v2  }
0xfc: {  	[tilespmem:s24], [sflag:$0x1] =	stream.indirect_vreg.gather [hbm4b:s5+s3], $0x80, v4, vm0, $0xb8;
	[tilespmem:$0x18200] =	vst v63  }
0xfd: {  	v3 =	vadd.s32 v1, v3  }
0xfe: {  	[tilespmem:s25], [sflag:$0x1] =	stream.indirect_vreg.gather [hbm4b:s6+s3], $0x80, v4, vm0, $0xb8;
	[tilespmem:$0x18200] =	vst v63  }
0xff: {  	_ = 	snop  }
0x100: {  	[tilespmem:s26], [sflag:$0x1] =	stream.indirect_vreg.gather [hbm4b:s7+s3], $0x80, v4, vm0, $0xb8;
	[tilespmem:$0x18200] =	vst v63  }
0x101: {  	_ = 	snop  }
0x102: {  	[tilespmem:s28], [sflag:$0x1] =	stream.indirect_vreg.gather [hbm4b:s2+s3], $0x80, v3, vm0, $0xb8;
	[tilespmem:$0x18200] =	vst v63  }
0x103: {  	_ = 	snop  }
0x104: {  	[tilespmem:s29], [sflag:$0x1] =	stream.indirect_vreg.gather [hbm4b:s5+s3], $0x80, v3, vm0, $0xb8;
	[tilespmem:$0x18200] =	vst v63  }
0x105: {  	_ = 	snop  }
0x106: {  	[tilespmem:s30], [sflag:$0x1] =	stream.indirect_vreg.gather [hbm4b:s6+s3], $0x80, v3, vm0, $0xb8;
	[tilespmem:$0x18200] =	vst v63  }
0x107: {  	_ = 	snop  }
0x108: {  	[tilespmem:s14], [sflag:$0x1] =	stream.indirect_vreg.gather [hbm4b:s7+s3], $0x80, v3, vm0, $0xb8;
	[tilespmem:$0x18200] =	vst v63  }
0x109: {  	_ =	swait.ge [sflag:s31], $0x8000  }
0x10a: {  	[sflag:s31] =	ssyncset.done $0x0  }
0x10b: {  	[sflag:s31] =	ssyncadd.s32 $0xFFFF8000  }
0x10c: {  	v3 =	vld [tilespmem:$0x100];
	_ =	sdelay $0x4  }
0x10d: {  	v58 =	vshll.u32 v3, $0x3  }
0x10e: {  	v3 =	vand.u32 $0x7, v3;
	v4 =	vand.u32 $0xFFFFFFC0, v58  }
0x10f: {  	v3 =	vor.u32 v3, v4  }
0x110: {  	v4 =	vperm.xlane v3, v0;
	_ =	sdelay $0x1  }
0x111: {  	v4 =	vadd.s32 v1, v4;
	_ =	sdelay $0x3  }
0x112: {  	s15 =	simm.s32 $0x8200  }
0x113: {  	[hbm4b:s4+s3] =	stream.indirect_vreg.scatter [tilespmem:s15], [sflag:$0x2], $0x80, v4, vm0, $0xb8;
	[tilespmem:$0x18200] =	vst v63  }
0x114: {  	v3 =	vperm.xlane v3, v2;
	s15 =	simm.s32 $0x8A00  }
0x115: {  	[hbm4b:s8+s3] =	stream.indirect_vreg.scatter [tilespmem:s15], [sflag:$0x2], $0x80, v4, vm0, $0xb8;
	[tilespmem:$0x18200] =	vst v63  }
0x116: {  	v3 =	vadd.s32 v1, v3;
	s15 =	simm.s32 $0x9200  }
0x117: {  	[hbm4b:s9+s3] =	stream.indirect_vreg.scatter [tilespmem:s15], [sflag:$0x2], $0x80, v4, vm0, $0xb8;
	[tilespmem:$0x18200] =	vst v63  }
0x118: {  	s15 =	simm.s32 $0x9A00  }
0x119: {  	[hbm4b:s10+s3] =	stream.indirect_vreg.scatter [tilespmem:s15], [sflag:$0x2], $0x80, v4, vm0, $0xb8;
	[tilespmem:$0x18200] =	vst v63  }
0x11a: {  	s15 =	simm.s32 $0xA200  }
0x11b: {  	[hbm4b:s4+s3] =	stream.indirect_vreg.scatter [tilespmem:s15], [sflag:$0x2], $0x80, v3, vm0, $0xb8;
	[tilespmem:$0x18200] =	vst v63  }
0x11c: {  	s15 =	simm.s32 $0xAA00  }
0x11d: {  	[hbm4b:s8+s3] =	stream.indirect_vreg.scatter [tilespmem:s15], [sflag:$0x2], $0x80, v3, vm0, $0xb8;
	[tilespmem:$0x18200] =	vst v63  }
0x11e: {  	s15 =	simm.s32 $0xB200  }
0x11f: {  	[hbm4b:s9+s3] =	stream.indirect_vreg.scatter [tilespmem:s15], [sflag:$0x2], $0x80, v3, vm0, $0xb8;
	[tilespmem:$0x18200] =	vst v63  }
0x120: {  	s15 =	simm.s32 $0xBA00  }
0x121: {  	[hbm4b:s10+s3] =	stream.indirect_vreg.scatter [tilespmem:s15], [sflag:$0x2], $0x80, v3, vm0, $0xb8;
	[tilespmem:$0x18200] =	vst v63  }
0x122: {  	v3 =	vld [tilespmem:$0x110];
	_ =	sdelay $0x4  }
0x123: {  	v59 =	vshll.u32 v3, $0x3  }
0x124: {  	v3 =	vand.u32 $0x7, v3;
	v4 =	vand.u32 $0xFFFFFFC0, v59  }
0x125: {  	v3 =	vor.u32 v3, v4  }
0x126: {  	v4 =	vperm.xlane v3, v0;
	_ =	sdelay $0x1  }
0x127: {  	v4 =	vadd.s32 v1, v4;
	_ =	sdelay $0x3  }
0x128: {  	s15 =	simm.s32 $0xC200  }
0x129: {  	[hbm4b:s4+s3] =	stream.indirect_vreg.scatter [tilespmem:s15], [sflag:$0x2], $0x80, v4, vm0, $0xb8;
	[tilespmem:$0x18200] =	vst v63  }
0x12a: {  	v3 =	vperm.xlane v3, v2;
	s15 =	simm.s32 $0xCA00  }
0x12b: {  	[hbm4b:s8+s3] =	stream.indirect_vreg.scatter [tilespmem:s15], [sflag:$0x2], $0x80, v4, vm0, $0xb8;
	[tilespmem:$0x18200] =	vst v63  }
0x12c: {  	v3 =	vadd.s32 v1, v3;
	s15 =	simm.s32 $0xD200  }
0x12d: {  	[hbm4b:s9+s3] =	stream.indirect_vreg.scatter [tilespmem:s15], [sflag:$0x2], $0x80, v4, vm0, $0xb8;
	[tilespmem:$0x18200] =	vst v63  }
0x12e: {  	s15 =	simm.s32 $0xDA00  }
0x12f: {  	[hbm4b:s10+s3] =	stream.indirect_vreg.scatter [tilespmem:s15], [sflag:$0x2], $0x80, v4, vm0, $0xb8;
	[tilespmem:$0x18200] =	vst v63  }
0x130: {  	s15 =	simm.s32 $0xE200  }
0x131: {  	[hbm4b:s4+s3] =	stream.indirect_vreg.scatter [tilespmem:s15], [sflag:$0x2], $0x80, v3, vm0, $0xb8;
	[tilespmem:$0x18200] =	vst v63  }
0x132: {  	s15 =	simm.s32 $0xEA00  }
0x133: {  	[hbm4b:s8+s3] =	stream.indirect_vreg.scatter [tilespmem:s15], [sflag:$0x2], $0x80, v3, vm0, $0xb8;
	[tilespmem:$0x18200] =	vst v63  }
0x134: {  	s15 =	simm.s32 $0xF200  }
0x135: {  	[hbm4b:s9+s3] =	stream.indirect_vreg.scatter [tilespmem:s15], [sflag:$0x2], $0x80, v3, vm0, $0xb8;
	[tilespmem:$0x18200] =	vst v63  }
0x136: {  	s15 =	simm.s32 $0xFA00  }
0x137: {  	[hbm4b:s10+s3] =	stream.indirect_vreg.scatter [tilespmem:s15], [sflag:$0x2], $0x80, v3, vm0, $0xb8;
	[tilespmem:$0x18200] =	vst v63  }
0x138: {  	_ =	swait.ge [sflag:s31], $0x8000  }
0x139: {  	[sflag:s31] =	ssyncset.done $0x0  }
0x13a: {  	[sflag:s31] =	ssyncadd.s32 $0xFFFF8000  }
0x13b: {  	v3 =	vld [tilespmem:$0x180];
	_ =	sdelay $0x4  }
0x13c: {  	v60 =	vshll.u32 v3, $0x3  }
0x13d: {  	v3 =	vand.u32 $0x7, v3;
	v4 =	vand.u32 $0xFFFFFFC0, v60  }
0x13e: {  	v3 =	vor.u32 v3, v4  }
0x13f: {  	v4 =	vperm.xlane v3, v0;
	_ =	sdelay $0x1  }
0x140: {  	v4 =	vadd.s32 v1, v4;
	_ =	sdelay $0x3  }
0x141: {  	s15 =	simm.s32 $0x10200  }
0x142: {  	[hbm4b:s4+s3] =	stream.indirect_vreg.scatter [tilespmem:s15], [sflag:$0x2], $0x80, v4, vm0, $0xb8;
	[tilespmem:$0x18200] =	vst v63  }
0x143: {  	v3 =	vperm.xlane v3, v2;
	s15 =	simm.s32 $0x10A00  }
0x144: {  	[hbm4b:s8+s3] =	stream.indirect_vreg.scatter [tilespmem:s15], [sflag:$0x2], $0x80, v4, vm0, $0xb8;
	[tilespmem:$0x18200] =	vst v63  }
0x145: {  	v3 =	vadd.s32 v1, v3;
	s15 =	simm.s32 $0x11200  }
0x146: {  	[hbm4b:s9+s3] =	stream.indirect_vreg.scatter [tilespmem:s15], [sflag:$0x2], $0x80, v4, vm0, $0xb8;
	[tilespmem:$0x18200] =	vst v63  }
0x147: {  	s15 =	simm.s32 $0x11A00  }
0x148: {  	[hbm4b:s10+s3] =	stream.indirect_vreg.scatter [tilespmem:s15], [sflag:$0x2], $0x80, v4, vm0, $0xb8;
	[tilespmem:$0x18200] =	vst v63  }
0x149: {  	s15 =	simm.s32 $0x12200  }
0x14a: {  	[hbm4b:s4+s3] =	stream.indirect_vreg.scatter [tilespmem:s15], [sflag:$0x2], $0x80, v3, vm0, $0xb8;
	[tilespmem:$0x18200] =	vst v63  }
0x14b: {  	s15 =	simm.s32 $0x12A00  }
0x14c: {  	[hbm4b:s8+s3] =	stream.indirect_vreg.scatter [tilespmem:s15], [sflag:$0x2], $0x80, v3, vm0, $0xb8;
	[tilespmem:$0x18200] =	vst v63  }
0x14d: {  	s15 =	simm.s32 $0x13200  }
0x14e: {  	[hbm4b:s9+s3] =	stream.indirect_vreg.scatter [tilespmem:s15], [sflag:$0x2], $0x80, v3, vm0, $0xb8;
	[tilespmem:$0x18200] =	vst v63  }
0x14f: {  	s15 =	simm.s32 $0x13A00  }
0x150: {  	[hbm4b:s10+s3] =	stream.indirect_vreg.scatter [tilespmem:s15], [sflag:$0x2], $0x80, v3, vm0, $0xb8;
	[tilespmem:$0x18200] =	vst v63  }
0x151: {  	v3 =	vld [tilespmem:$0x190];
	_ =	sdelay $0x4  }
0x152: {  	v61 =	vshll.u32 v3, $0x3  }
0x153: {  	v3 =	vand.u32 $0x7, v3;
	v4 =	vand.u32 $0xFFFFFFC0, v61  }
0x154: {  	v3 =	vor.u32 v3, v4  }
0x155: {  	v4 =	vperm.xlane v3, v0;
	_ =	sdelay $0x1  }
0x156: {  	v4 =	vadd.s32 v1, v4;
	_ =	sdelay $0x3  }
0x157: {  	s15 =	simm.s32 $0x14200  }
0x158: {  	[hbm4b:s4+s3] =	stream.indirect_vreg.scatter [tilespmem:s15], [sflag:$0x2], $0x80, v4, vm0, $0xb8;
	[tilespmem:$0x18200] =	vst v63  }
0x159: {  	v3 =	vperm.xlane v3, v2;
	s15 =	simm.s32 $0x14A00  }
0x15a: {  	[hbm4b:s8+s3] =	stream.indirect_vreg.scatter [tilespmem:s15], [sflag:$0x2], $0x80, v4, vm0, $0xb8;
	[tilespmem:$0x18200] =	vst v63  }
0x15b: {  	v3 =	vadd.s32 v1, v3;
	s15 =	simm.s32 $0x15200  }
0x15c: {  	[hbm4b:s9+s3] =	stream.indirect_vreg.scatter [tilespmem:s15], [sflag:$0x2], $0x80, v4, vm0, $0xb8;
	[tilespmem:$0x18200] =	vst v63  }
0x15d: {  	s15 =	simm.s32 $0x15A00  }
0x15e: {  	[hbm4b:s10+s3] =	stream.indirect_vreg.scatter [tilespmem:s15], [sflag:$0x2], $0x80, v4, vm0, $0xb8;
	[tilespmem:$0x18200] =	vst v63  }
0x15f: {  	s15 =	simm.s32 $0x16200  }
0x160: {  	[hbm4b:s4+s3] =	stream.indirect_vreg.scatter [tilespmem:s15], [sflag:$0x2], $0x80, v3, vm0, $0xb8;
	[tilespmem:$0x18200] =	vst v63  }
0x161: {  	s15 =	simm.s32 $0x16A00  }
0x162: {  	[hbm4b:s8+s3] =	stream.indirect_vreg.scatter [tilespmem:s15], [sflag:$0x2], $0x80, v3, vm0, $0xb8;
	[tilespmem:$0x18200] =	vst v63  }
0x163: {  	s15 =	simm.s32 $0x17200  }
0x164: {  	[hbm4b:s9+s3] =	stream.indirect_vreg.scatter [tilespmem:s15], [sflag:$0x2], $0x80, v3, vm0, $0xb8;
	[tilespmem:$0x18200] =	vst v63  }
0x165: {  	s15 =	simm.s32 $0x17A00  }
0x166: {  	[hbm4b:s10+s3] =	stream.indirect_vreg.scatter [tilespmem:s15], [sflag:$0x2], $0x80, v3, vm0, $0xb8;
	[tilespmem:$0x18200] =	vst v63  }
0x167: {  	_ =	swait.ge [sflag:s31], $0x8000  }
0x168: {  	[sflag:s31] =	ssyncset.done $0x0  }
0x169: {  	[sflag:s31] =	ssyncadd.s32 $0xFFFF8000  }
0x16a: {  	v3 =	vld [tilespmem:$0x80];
	_ =	sdelay $0x4  }
0x16b: {  	v62 =	vshll.u32 v3, $0x3  }
0x16c: {  	v3 =	vand.u32 $0x7, v3;
	v4 =	vand.u32 $0xFFFFFFC0, v62  }
0x16d: {  	v3 =	vor.u32 v3, v4  }
0x16e: {  	v4 =	vperm.xlane v3, v0;
	_ =	sdelay $0x1  }
0x16f: {  	v4 =	vadd.s32 v1, v4;
	_ =	sdelay $0x3  }
0x170: {  	s13 =	simm.s32 $0x200  }
0x171: {  	[hbm4b:s4+s3] =	stream.indirect_vreg.scatter [tilespmem:s13], [sflag:$0x2], $0x80, v4, vm0, $0xb8;
	[tilespmem:$0x18200] =	vst v63  }
0x172: {  	v3 =	vperm.xlane v3, v2  }
0x173: {  	[hbm4b:s8+s3] =	stream.indirect_vreg.scatter [tilespmem:s16], [sflag:$0x2], $0x80, v4, vm0, $0xb8;
	[tilespmem:$0x18200] =	vst v63  }
0x174: {  	v3 =	vadd.s32 v1, v3  }
0x175: {  	[hbm4b:s9+s3] =	stream.indirect_vreg.scatter [tilespmem:s17], [sflag:$0x2], $0x80, v4, vm0, $0xb8;
	[tilespmem:$0x18200] =	vst v63  }
0x176: {  	_ = 	snop  }
0x177: {  	[hbm4b:s10+s3] =	stream.indirect_vreg.scatter [tilespmem:s18], [sflag:$0x2], $0x80, v4, vm0, $0xb8;
	[tilespmem:$0x18200] =	vst v63  }
0x178: {  	_ = 	snop  }
0x179: {  	[hbm4b:s4+s3] =	stream.indirect_vreg.scatter [tilespmem:s19], [sflag:$0x2], $0x80, v3, vm0, $0xb8;
	[tilespmem:$0x18200] =	vst v63  }
0x17a: {  	_ = 	snop  }
0x17b: {  	[hbm4b:s8+s3] =	stream.indirect_vreg.scatter [tilespmem:s20], [sflag:$0x2], $0x80, v3, vm0, $0xb8;
	[tilespmem:$0x18200] =	vst v63  }
0x17c: {  	_ = 	snop  }
0x17d: {  	[hbm4b:s9+s3] =	stream.indirect_vreg.scatter [tilespmem:s21], [sflag:$0x2], $0x80, v3, vm0, $0xb8;
	[tilespmem:$0x18200] =	vst v63  }
0x17e: {  	_ = 	snop  }
0x17f: {  	[hbm4b:s10+s3] =	stream.indirect_vreg.scatter [tilespmem:s22], [sflag:$0x2], $0x80, v3, vm0, $0xb8;
	[tilespmem:$0x18200] =	vst v63  }
0x180: {  	v3 =	vld [tilespmem:$0x90];
	_ =	sdelay $0x4  }
0x181: {  	v63 =	vshll.u32 v3, $0x3  }
0x182: {  	v3 =	vand.u32 $0x7, v3;
	v4 =	vand.u32 $0xFFFFFFC0, v63  }
0x183: {  	v3 =	vor.u32 v3, v4  }
0x184: {  	v4 =	vperm.xlane v3, v0;
	_ =	sdelay $0x1  }
0x185: {  	v4 =	vadd.s32 v1, v4;
	_ =	sdelay $0x4  }
0x186: {  	[hbm4b:s4+s3] =	stream.indirect_vreg.scatter [tilespmem:s23], [sflag:$0x2], $0x80, v4, vm0, $0xb8;
	[tilespmem:$0x18200] =	vst v63  }
0x187: {  	v3 =	vperm.xlane v3, v2  }
0x188: {  	[hbm4b:s8+s3] =	stream.indirect_vreg.scatter [tilespmem:s24], [sflag:$0x2], $0x80, v4, vm0, $0xb8;
	[tilespmem:$0x18200] =	vst v63  }
0x189: {  	v3 =	vadd.s32 v1, v3  }
0x18a: {  	[hbm4b:s9+s3] =	stream.indirect_vreg.scatter [tilespmem:s25], [sflag:$0x2], $0x80, v4, vm0, $0xb8;
	[tilespmem:$0x18200] =	vst v63  }
0x18b: {  	_ = 	snop  }
0x18c: {  	[hbm4b:s10+s3] =	stream.indirect_vreg.scatter [tilespmem:s26], [sflag:$0x2], $0x80, v4, vm0, $0xb8;
	[tilespmem:$0x18200] =	vst v63  }
0x18d: {  	_ = 	snop  }
0x18e: {  	[hbm4b:s4+s3] =	stream.indirect_vreg.scatter [tilespmem:s28], [sflag:$0x2], $0x80, v3, vm0, $0xb8;
	[tilespmem:$0x18200] =	vst v63  }
0x18f: {  	_ = 	snop  }
0x190: {  	[hbm4b:s8+s3] =	stream.indirect_vreg.scatter [tilespmem:s29], [sflag:$0x2], $0x80, v3, vm0, $0xb8;
	[tilespmem:$0x18200] =	vst v63  }
0x191: {  	_ = 	snop  }
0x192: {  	[hbm4b:s9+s3] =	stream.indirect_vreg.scatter [tilespmem:s30], [sflag:$0x2], $0x80, v3, vm0, $0xb8;
	[tilespmem:$0x18200] =	vst v63  }
0x193: {  	_ = 	snop  }
0x194: {  	[hbm4b:s10+s3] =	stream.indirect_vreg.scatter [tilespmem:s14], [sflag:$0x2], $0x80, v3, vm0, $0xb8;
	[tilespmem:$0x18200] =	vst v63  }
0x195: {  	_ =	swait.ge [sflag:s1], $0x8000  }
0x196: {  	[sflag:s1] =	ssyncset.done $0x0  }
0x197: {  	[sflag:s1] =	ssyncadd.s32 $0xFFFF8000  }
0x198: {  	p0 =	sne.s32 s11, $0x1;
	_ =	swait.ge [sflag:s1], $0x8000  }
.Ltmp0:
0x199: {  	[sflag:s1] =	ssyncset.done $0x0;
	(pc) =	sbr.rel @p0 .LBB2_1-.Ltmp0, $4  }
0x19a: {  	[sflag:s1] =	ssyncadd.s32 $0xFFFF8000  }
0x19b: {  	_ =	swait.ge [sflag:s1], $0x8000  }
0x19c: {  	[sflag:s1] =	ssyncset.done $0x0  }
0x19d: {  	s11 =	sadd.s32 $0xFFFFFFFF, s11;
	[sflag:s1] =	ssyncadd.s32 $0xFFFF8000  }
0x19e: {  	_ =	sfence.sel $0x180000  }
0x19f: {  	[bflag:$0x0] =	sbarrier.arrive $0xFFFF  }
0x1a0: {  	_ =	strace $0x9000004A  }
0x1a1: {  	s0 =	stileid.u32;
	[bflag:$0x2] =	sbarrier.arrive $0xFFFF  }
0x1a2: {  	p0 =	sne.s32 s0, $0x0;
	s0 =	rddreg [dreg:$0x2]  }
0x1a3: {  	s0 =	sadd.s32 @!p0 $0x100000, s0  }
0x1a4: {  	[sflag:s0] =	ssyncadd.tile.s32 @!p0 $0x1;
	_ =	shalt  }
.Lfunc_end2:
_tile_overlayer_lowered:
.L_overlay_start_2:
0x1a5: {  	(tag) =	ssettag $0x2  }
0x1a6: {  	s0 =	rddreg [dreg:$0x0];
	s2 =	stileid.u32  }
0x1a7: {  	s1 =	rddreg [dreg:$0x1];
	p0 =	sne.s32 s2, $0x0  }
0x1a8: {  	s3 =	rddreg [dreg:$0x2];
	[bflag:$0x3] =	sbarrier.arrive $0xFFFF;
	s2 =	simm.s32 @!p0 $0x1C03  }
0x1a9: {  	[timem:s3], [sflag:s2] =	dma.local @!p0 [hbm:s0], s1  }
0x1aa: {  	s0 =	simm.s32 @!p0 $0x3  }
0x1ab: {  	_ =	swait.ge @!p0 [sflag:s0], s1  }
0x1ac: {  	s1 =	ssub.s32 @!p0 $0x0, s1;
	[sflag:s0] =	ssyncset.done @!p0 $0x0  }
0x1ad: {  	[sflag:s0] =	ssyncadd.s32 @!p0 s1  }
0x1ae: {  	[bflag:$0x3] =	sbarrier.arrive $0xFFFF  }
0x1af: {  	_ =	shalt  }

</sc_bundles>
